<compile_context>
chip_gen: v7x
topology: tpu7x:2x2x1
jax: 0.10.2.dev20260603
libtpu: 0.0.44.dev20260713+nightly
codegen_flags: <defaults>
</compile_context>

<pallas_src>
import functools

import jax
import jax.numpy as jnp
from jax import lax
from jax.experimental import pallas as pl
from jax.experimental.pallas import tpu as pltpu
from jax.experimental.pallas import tpu_sc as plsc

NC = 2
NS = 16
NW = NC * NS
CH = 80
G = 64


def _make_edge_pass(n_acc, D, n_chunks, with_cnt):
    cpt = n_chunks // NW
    rows_per_tile = n_acc // NS
    nb = rows_per_tile // CH
    mesh = plsc.VectorSubcoreMesh(core_axis_name="c", subcore_axis_name="s",
                                  num_cores=NC, num_subcores=NS)

    assert cpt % 2 == 0
    out_type = [jax.ShapeDtypeStruct((NC, n_acc, D), jnp.float32)]
    scratch = [
        pltpu.VMEM_SHARED((n_acc, D), jnp.float32),
        pltpu.VMEM_SHARED((n_acc, D), jnp.float32),
        pltpu.VMEM((rows_per_tile, D), jnp.float32),
        pltpu.VMEM((cpt, CH), jnp.int32),
        pltpu.VMEM((cpt, CH), jnp.int32),
        [pltpu.VMEM((CH, D), jnp.float32)] * 2,
        pltpu.VMEM((CH, D), jnp.float32),
        [pltpu.SemaphoreType.DMA] * 2,
    ]
    if with_cnt:
        out_type.append(jax.ShapeDtypeStruct((NC, n_acc, 16), jnp.float32))
        scratch += [
            pltpu.VMEM_SHARED((n_acc, 16), jnp.float32),
            pltpu.VMEM((CH, 16), jnp.float32),
            pltpu.VMEM((CH, 16), jnp.float32),
        ]

    @functools.partial(
        pl.kernel, out_type=out_type, mesh=mesh, scratch_types=scratch,
        compiler_params=pltpu.CompilerParams(use_tc_tiling_on_sc=False))
    def edge_pass(table, src3d, dst3d, zeros, *rest):
        if with_cnt:
            (z16, ones, out, outc, acc, tab, stage, srcv, dstv, rows, tmp,
             gsem, accc, tmpc, onesc) = rest
        else:
            out, acc, tab, stage, srcv, dstv, rows, tmp, gsem = rest
        c = lax.axis_index("c")
        s = lax.axis_index("s")
        wid = c * NS + s
        base = s * rows_per_tile
        pltpu.sync_copy(table.at[pl.ds(base, rows_per_tile)], stage)
        pltpu.sync_copy(stage, tab.at[pl.ds(base, rows_per_tile)])
        pltpu.sync_copy(zeros, tmp)
        for b in range(nb):
            pltpu.sync_copy(tmp, acc.at[pl.ds(base + b * CH, CH)])
        if with_cnt:
            pltpu.sync_copy(z16, tmpc)
            for b in range(nb):
                pltpu.sync_copy(tmpc, accc.at[pl.ds(base + b * CH, CH)])
            pltpu.sync_copy(ones, onesc)
        pltpu.sync_copy(src3d.at[wid], srcv)
        pltpu.sync_copy(dst3d.at[wid], dstv)
        plsc.subcore_barrier()

        def chunk(j, b, fire_next):
            b1 = 1 - b

            @pl.when(fire_next)
            def _():
                pltpu.async_copy(tab.at[srcv.at[j + 1]], rows[b1], gsem[b1])
            pltpu.make_async_copy(tab.at[srcv.at[j]], rows[b], gsem[b]).wait()
            if with_cnt:
                pltpu.sync_copy(onesc, accc.at[dstv.at[j]], add=True)
            pltpu.sync_copy(rows[b], acc.at[dstv.at[j]], add=True)

        pltpu.async_copy(tab.at[srcv.at[0]], rows[0], gsem[0])

        def step(jj, carry):
            j0 = 2 * jj
            chunk(j0, 0, j0 + 1 < cpt)
            chunk(j0 + 1, 1, j0 + 2 < cpt)
            return carry

        lax.fori_loop(0, cpt // 2, step, 0)
        plsc.subcore_barrier()
        for b in range(nb):
            sl = pl.ds(base + b * CH, CH)
            pltpu.sync_copy(acc.at[sl], tmp)
            pltpu.sync_copy(tmp, out.at[c, sl])
        if with_cnt:
            for b in range(nb):
                sl = pl.ds(base + b * CH, CH)
                pltpu.sync_copy(accc.at[sl], tmpc)
                pltpu.sync_copy(tmpc, outc.at[c, sl])

    return edge_pass


def _tc1_body(x, W1l, b1, W1r, g1, bt1, rm1, rv1, t1, r1c):
    n = x.shape[0]
    n_acc = t1.shape[0]
    s = g1[:] * lax.rsqrt(rv1[:] + 1e-5)
    c1 = (b1[:] - rm1[:]) * s + bt1[:]
    W = jnp.concatenate([W1l[:] * s[None, :], W1r[:] * s[None, :]], axis=1)
    Y = jnp.dot(x[:], W, preferred_element_type=jnp.float32)
    t1[:n] = Y[:, :32]
    t1[n:] = jnp.zeros((n_acc - n, 32), jnp.float32)
    r1c[:] = Y[:, 32:] + c1[None, :]


def _tc2_body(aggp, cntp, r1c, W2l, b2, W2r, g2, bt2, rm2, rv2, t2, r2c, inv):
    n = r1c.shape[0]
    agg = aggp[0, :n] + aggp[1, :n]
    cnt = cntp[0, :n, 0:1] + cntp[1, :n, 0:1]
    iv = 1.0 / jnp.maximum(cnt, 1.0)
    h1 = jnp.maximum(agg * iv + r1c[:], 0.0)
    s = g2[:] * lax.rsqrt(rv2[:] + 1e-5)
    c2 = (b2[:] - rm2[:]) * s + bt2[:]
    W = jnp.concatenate([W2l[:] * s[None, :], W2r[:] * s[None, :]], axis=1)
    Y = jnp.dot(h1, W, preferred_element_type=jnp.float32)
    t2[:n] = Y[:, :32]
    t2[n:] = jnp.zeros((t2.shape[0] - n, 32), jnp.float32)
    r2c[:] = Y[:, 32:] + c2[None, :]
    inv[:] = iv


def _tc3_body(aggp, r2c, inv, batch2d, Wlin, blin, out):
    n = r2c.shape[0]
    h2 = jnp.maximum((aggp[0, :n] + aggp[1, :n]) * inv[:] + r2c[:], 0.0)
    z = jnp.dot(h2, Wlin[:], preferred_element_type=jnp.float32)
    gids = lax.broadcasted_iota(jnp.int32, (1, G), 1)
    mask = (batch2d[:] == gids).astype(jnp.float32)
    sums = jnp.sum(mask * z, axis=0)
    cg = jnp.sum(mask, axis=0)
    out[:] = sums / jnp.maximum(cg, 1.0) + blin[:]


def kernel(x, edge_index, batch, W1l, b1, W1r, g1, bt1, rm1, rv1,
           W2l, b2, W2r, g2, bt2, rm2, rv2, Wlin, blin):
    n, din = x.shape
    e = edge_index.shape[1]
    h = W1l.shape[1]

    src = edge_index[0]
    dst = edge_index[1]
    step = 2 * NW * CH
    e_pad = -(-e // step) * step
    n_acc = -(-(n + 1) // (NS * CH)) * (NS * CH)
    if e_pad != e:
        src = jnp.concatenate(
            [src, jnp.zeros((e_pad - e,), jnp.int32)])
        dst = jnp.concatenate(
            [dst, n + jnp.arange(e_pad - e, dtype=jnp.int32) % (n_acc - n)])
    src3d = src.reshape(NW, e_pad // (NW * CH), CH)
    dst3d = dst.reshape(NW, e_pad // (NW * CH), CH)

    t1, r1c = pl.pallas_call(
        _tc1_body,
        out_shape=[jax.ShapeDtypeStruct((n_acc, h), jnp.float32),
                   jax.ShapeDtypeStruct((n, h), jnp.float32)],
    )(x, W1l, b1, W1r, g1, bt1, rm1, rv1)

    zeros32 = jnp.zeros((CH, h), jnp.float32)
    zeros16 = jnp.zeros((CH, 16), jnp.float32)
    ones16 = jnp.ones((CH, 16), jnp.float32)
    pass_cnt = _make_edge_pass(n_acc, h, e_pad // CH, True)
    pass_plain = _make_edge_pass(n_acc, h, e_pad // CH, False)

    agg1p, cntp = pass_cnt(t1, src3d, dst3d, zeros32, zeros16, ones16)


    t2, r2c, inv = pl.pallas_call(
        _tc2_body,
        out_shape=[jax.ShapeDtypeStruct((n_acc, h), jnp.float32),
                   jax.ShapeDtypeStruct((n, h), jnp.float32),
                   jax.ShapeDtypeStruct((n, 1), jnp.float32)],
    )(agg1p, cntp, r1c, W2l, b2, W2r, g2, bt2, rm2, rv2)

    [agg2p] = pass_plain(t2, src3d, dst3d, zeros32)

    out = pl.pallas_call(
        _tc3_body,
        out_shape=jax.ShapeDtypeStruct((G,), jnp.float32),
    )(agg2p, r2c, inv, batch.reshape(n, 1), Wlin, blin)
    return out

# --- scband reference (transcript-rebuilt; emitter-appended) ---
"""Pipeline reference for scband-age-sage-65163243815014 (READ-ONLY COPY).

The authoritative reference and input builder live on the scoring server;
editing this copy changes nothing except your own understanding.
"""

import jax, jax.numpy as jnp
import numpy as np

N = 10000
E = 320000
DIN = 128
H = 32
G = 64

def setup_inputs(seed: int = 0):
    key = jax.random.key(seed)
    ks = jax.random.split(key, 10)
    x = jax.random.normal(ks[0], (N, DIN), dtype=jnp.float32)
    edge_index = jax.random.randint(ks[1], (2, E), 0, N, dtype=jnp.int32)
    batch = jnp.sort(jax.random.randint(ks[2], (N,), 0, G, dtype=jnp.int32))
    s1 = 1.0 / np.sqrt(DIN)
    W1l = jax.random.uniform(ks[3], (DIN, H), minval=-s1, maxval=s1, dtype=jnp.float32)
    W1r = jax.random.uniform(ks[4], (DIN, H), minval=-s1, maxval=s1, dtype=jnp.float32)
    b1 = jnp.zeros((H,), jnp.float32)
    s2 = 1.0 / np.sqrt(H)
    W2l = jax.random.uniform(ks[5], (H, H), minval=-s2, maxval=s2, dtype=jnp.float32)
    W2r = jax.random.uniform(ks[6], (H, H), minval=-s2, maxval=s2, dtype=jnp.float32)
    b2 = jnp.zeros((H,), jnp.float32)
    g1 = jnp.ones((H,), jnp.float32); bt1 = jnp.zeros((H,), jnp.float32)
    rm1 = jnp.zeros((H,), jnp.float32); rv1 = jnp.ones((H,), jnp.float32)
    g2 = jnp.ones((H,), jnp.float32); bt2 = jnp.zeros((H,), jnp.float32)
    rm2 = jnp.zeros((H,), jnp.float32); rv2 = jnp.ones((H,), jnp.float32)
    Wlin = jax.random.uniform(ks[7], (H, 1), minval=-s2, maxval=s2, dtype=jnp.float32)
    blin = jnp.zeros((1,), jnp.float32)
    return {"x": x, "edge_index": edge_index, "batch": batch,
            "W1l": W1l, "b1": b1, "W1r": W1r, "g1": g1, "bt1": bt1, "rm1": rm1, "rv1": rv1,
            "W2l": W2l, "b2": b2, "W2r": W2r, "g2": g2, "bt2": bt2, "rm2": rm2, "rv2": rv2,
            "Wlin": Wlin, "blin": blin}

def _sage(x, src, dst, Wl, bl, Wr):
    # PyG SAGEConv: out = lin_l(mean_{j->i} x_j) + lin_r(x_i); lin_l has bias, lin_r does not
    msg = x[src]
    agg = jax.ops.segment_sum(msg, dst, num_segments=N)
    cnt = jax.ops.segment_sum(jnp.ones((src.shape[0],), jnp.float32), dst, num_segments=N)
    mean = agg / jnp.maximum(cnt, 1.0)[:, None]
    return mean @ Wl + bl + x @ Wr

def _bn(x, g, b, rm, rv):
    # eval-mode BatchNorm1d with running stats
    return (x - rm) / jnp.sqrt(rv + 1e-5) * g + b

def reference(x, edge_index, batch, W1l, b1, W1r, g1, bt1, rm1, rv1, W2l, b2, W2r, g2, bt2, rm2, rv2, Wlin, blin):
    src = edge_index[0]
    dst = edge_index[1]
    h = jax.nn.relu(_bn(_sage(x, src, dst, W1l, b1, W1r), g1, bt1, rm1, rv1))
    # dropout p=0.4 is identity in eval mode
    h = jax.nn.relu(_bn(_sage(h, src, dst, W2l, b2, W2r), g2, bt2, rm2, rv2))
    sums = jax.ops.segment_sum(h, batch, num_segments=G)
    cnt = jax.ops.segment_sum(jnp.ones((N,), jnp.float32), batch, num_segments=G)
    pooled = sums / jnp.maximum(cnt, 1.0)[:, None]
    out = pooled @ Wlin + blin
    return out.squeeze(-1)

if __name__ == "__main__":
    import jax
    _d = setup_inputs()
    print(jax.jit(kernel)(*tuple(_d.values())))

</pallas_src>

<mosaic_0001>
#map = affine_map<(d0, d1) -> (0, 0)>
#map1 = affine_map<(d0, d1) -> (0, 0, 0)>
module attributes {stable_mosaic.version = 14 : i64} {
  func.func @edge_pass(%arg0: i32, %arg1: i32, %arg2: memref<10240x32xf32, #tpu.memory_space<hbm>>, %arg3: memref<32x126x80xi32, #tpu.memory_space<hbm>>, %arg4: memref<32x126x80xi32, #tpu.memory_space<hbm>>, %arg5: memref<80x32xf32, #tpu.memory_space<hbm>>, %arg6: memref<80x16xf32, #tpu.memory_space<hbm>>, %arg7: memref<80x16xf32, #tpu.memory_space<hbm>>, %arg8: memref<2x10240x32xf32, #tpu.memory_space<hbm>>, %arg9: memref<2x10240x16xf32, #tpu.memory_space<hbm>>, %arg10: memref<10240x32xf32, #tpu.memory_space<vmem_shared>>, %arg11: memref<10240x32xf32, #tpu.memory_space<vmem_shared>>, %arg12: memref<640x32xf32, #tpu.memory_space<vmem>>, %arg13: memref<126x80xi32, #tpu.memory_space<vmem>>, %arg14: memref<126x80xi32, #tpu.memory_space<vmem>>, %arg15: memref<80x32xf32, #tpu.memory_space<vmem>>, %arg16: memref<80x32xf32, #tpu.memory_space<vmem>>, %arg17: memref<80x32xf32, #tpu.memory_space<vmem>>, %arg18: memref<!tpu.dma_semaphore, #tpu.memory_space<semaphore_mem>>, %arg19: memref<!tpu.dma_semaphore, #tpu.memory_space<semaphore_mem>>, %arg20: memref<10240x16xf32, #tpu.memory_space<vmem_shared>>, %arg21: memref<80x16xf32, #tpu.memory_space<vmem>>, %arg22: memref<80x16xf32, #tpu.memory_space<vmem>>) attributes {dimension_semantics = [#tpu.dimension_semantics<core_parallel>, #tpu.dimension_semantics<subcore_parallel>], iteration_bounds = array<i64: 2, 16>, scalar_prefetch = 0 : i64, scratch_operands = 13 : i64, tpu.core_type = #tpu.core_type<sc_vector_subcore>, window_params = [{transform_indices = #map}, {transform_indices = #map1}, {transform_indices = #map1}, {transform_indices = #map}, {transform_indices = #map}, {transform_indices = #map}, {transform_indices = #map1}, {transform_indices = #map1}]} {
    %mul3A = arith.constant 16 : i32
    %mul3A_0 = arith.muli %arg0, %mul3A : i32
    %add3A = arith.addi %mul3A_0, %arg1 : i32
    %mul3A_1 = arith.constant 640 : i32
    %mul3A_2 = arith.muli %arg1, %mul3A_1 : i32
    "tpu.region"() ({
      %run_scoped3A = tpu.sem_alloc : memref<!tpu.dma_semaphore, #tpu.memory_space<semaphore_mem>>
      %dma_start3A_79 = arith.constant 0 : i32
      %dma_start3A_80 = tpu.memref_slice %arg2[%mul3A_2, %dma_start3A_79] : memref<10240x32xf32, #tpu.memory_space<hbm>> -> memref<640x32xf32, #tpu.memory_space<hbm>>
      %dma_start3A_81 = arith.constant 0 : i32
      %dma_start3A_82 = tpu.memref_slice %arg2[%mul3A_2, %dma_start3A_81] : memref<10240x32xf32, #tpu.memory_space<hbm>> -> memref<640x32xf32, #tpu.memory_space<hbm>>
      tpu.enqueue_dma source(%dma_start3A_82 : memref<640x32xf32, #tpu.memory_space<hbm>>) target(%arg12 : memref<640x32xf32, #tpu.memory_space<vmem>>) target_semaphore(%run_scoped3A : memref<!tpu.dma_semaphore, #tpu.memory_space<semaphore_mem>>)
      %dma_wait3A = arith.constant 0 : i32
      %dma_wait3A_83 = tpu.memref_slice %arg2[%mul3A_2, %dma_wait3A] : memref<10240x32xf32, #tpu.memory_space<hbm>> -> memref<640x32xf32, #tpu.memory_space<hbm>>
      %dma_wait3A_84 = arith.constant 0 : i32
      %dma_wait3A_85 = tpu.memref_slice %arg2[%mul3A_2, %dma_wait3A_84] : memref<10240x32xf32, #tpu.memory_space<hbm>> -> memref<640x32xf32, #tpu.memory_space<hbm>>
      tpu.wait_dma2 semaphore(%run_scoped3A : memref<!tpu.dma_semaphore, #tpu.memory_space<semaphore_mem>>) src(%dma_wait3A_85 : memref<640x32xf32, #tpu.memory_space<hbm>>) dst(%arg12 : memref<640x32xf32, #tpu.memory_space<vmem>>)
      tpu.yield
    }) : () -> ()
    "tpu.region"() ({
      %run_scoped3A = tpu.sem_alloc : memref<!tpu.dma_semaphore, #tpu.memory_space<semaphore_mem>>
      %dma_start3A_79 = arith.constant 0 : i32
      %dma_start3A_80 = tpu.memref_slice %arg11[%mul3A_2, %dma_start3A_79] : memref<10240x32xf32, #tpu.memory_space<vmem_shared>> -> memref<640x32xf32, #tpu.memory_space<vmem_shared>>
      %dma_start3A_81 = arith.constant 0 : i32
      %dma_start3A_82 = tpu.memref_slice %arg11[%mul3A_2, %dma_start3A_81] : memref<10240x32xf32, #tpu.memory_space<vmem_shared>> -> memref<640x32xf32, #tpu.memory_space<vmem_shared>>
      tpu.enqueue_dma source(%arg12 : memref<640x32xf32, #tpu.memory_space<vmem>>) target(%dma_start3A_82 : memref<640x32xf32, #tpu.memory_space<vmem_shared>>) target_semaphore(%run_scoped3A : memref<!tpu.dma_semaphore, #tpu.memory_space<semaphore_mem>>)
      %dma_wait3A = arith.constant 0 : i32
      %dma_wait3A_83 = tpu.memref_slice %arg11[%mul3A_2, %dma_wait3A] : memref<10240x32xf32, #tpu.memory_space<vmem_shared>> -> memref<640x32xf32, #tpu.memory_space<vmem_shared>>
      %dma_wait3A_84 = arith.constant 0 : i32
      %dma_wait3A_85 = tpu.memref_slice %arg11[%mul3A_2, %dma_wait3A_84] : memref<10240x32xf32, #tpu.memory_space<vmem_shared>> -> memref<640x32xf32, #tpu.memory_space<vmem_shared>>
      tpu.wait_dma2 semaphore(%run_scoped3A : memref<!tpu.dma_semaphore, #tpu.memory_space<semaphore_mem>>) src(%arg12 : memref<640x32xf32, #tpu.memory_space<vmem>>) dst(%dma_wait3A_85 : memref<640x32xf32, #tpu.memory_space<vmem_shared>>)
      tpu.yield
    }) : () -> ()
    "tpu.region"() ({
      %run_scoped3A = tpu.sem_alloc : memref<!tpu.dma_semaphore, #tpu.memory_space<semaphore_mem>>
      tpu.enqueue_dma source(%arg5 : memref<80x32xf32, #tpu.memory_space<hbm>>) target(%arg17 : memref<80x32xf32, #tpu.memory_space<vmem>>) target_semaphore(%run_scoped3A : memref<!tpu.dma_semaphore, #tpu.memory_space<semaphore_mem>>)
      tpu.wait_dma2 semaphore(%run_scoped3A : memref<!tpu.dma_semaphore, #tpu.memory_space<semaphore_mem>>) src(%arg5 : memref<80x32xf32, #tpu.memory_space<hbm>>) dst(%arg17 : memref<80x32xf32, #tpu.memory_space<vmem>>)
      tpu.yield
    }) : () -> ()
    %add3A_3 = arith.constant 0 : i32
    %add3A_4 = arith.addi %mul3A_2, %add3A_3 : i32
    "tpu.region"() ({
      %run_scoped3A = tpu.sem_alloc : memref<!tpu.dma_semaphore, #tpu.memory_space<semaphore_mem>>
      %dma_start3A_79 = arith.constant 0 : i32
      %dma_start3A_80 = tpu.memref_slice %arg10[%add3A_4, %dma_start3A_79] : memref<10240x32xf32, #tpu.memory_space<vmem_shared>> -> memref<80x32xf32, #tpu.memory_space<vmem_shared>>
      %dma_start3A_81 = arith.constant 0 : i32
      %dma_start3A_82 = tpu.memref_slice %arg10[%add3A_4, %dma_start3A_81] : memref<10240x32xf32, #tpu.memory_space<vmem_shared>> -> memref<80x32xf32, #tpu.memory_space<vmem_shared>>
      tpu.enqueue_dma source(%arg17 : memref<80x32xf32, #tpu.memory_space<vmem>>) target(%dma_start3A_82 : memref<80x32xf32, #tpu.memory_space<vmem_shared>>) target_semaphore(%run_scoped3A : memref<!tpu.dma_semaphore, #tpu.memory_space<semaphore_mem>>)
      %dma_wait3A = arith.constant 0 : i32
      %dma_wait3A_83 = tpu.memref_slice %arg10[%add3A_4, %dma_wait3A] : memref<10240x32xf32, #tpu.memory_space<vmem_shared>> -> memref<80x32xf32, #tpu.memory_space<vmem_shared>>
      %dma_wait3A_84 = arith.constant 0 : i32
      %dma_wait3A_85 = tpu.memref_slice %arg10[%add3A_4, %dma_wait3A_84] : memref<10240x32xf32, #tpu.memory_space<vmem_shared>> -> memref<80x32xf32, #tpu.memory_space<vmem_shared>>
      tpu.wait_dma2 semaphore(%run_scoped3A : memref<!tpu.dma_semaphore, #tpu.memory_space<semaphore_mem>>) src(%arg17 : memref<80x32xf32, #tpu.memory_space<vmem>>) dst(%dma_wait3A_85 : memref<80x32xf32, #tpu.memory_space<vmem_shared>>)
      tpu.yield
    }) : () -> ()
    %add3A_5 = arith.constant 80 : i32
    %add3A_6 = arith.addi %mul3A_2, %add3A_5 : i32
    "tpu.region"() ({
      %run_scoped3A = tpu.sem_alloc : memref<!tpu.dma_semaphore, #tpu.memory_space<semaphore_mem>>
      %dma_start3A_79 = arith.constant 0 : i32
      %dma_start3A_80 = tpu.memref_slice %arg10[%add3A_6, %dma_start3A_79] : memref<10240x32xf32, #tpu.memory_space<vmem_shared>> -> memref<80x32xf32, #tpu.memory_space<vmem_shared>>
      %dma_start3A_81 = arith.constant 0 : i32
      %dma_start3A_82 = tpu.memref_slice %arg10[%add3A_6, %dma_start3A_81] : memref<10240x32xf32, #tpu.memory_space<vmem_shared>> -> memref<80x32xf32, #tpu.memory_space<vmem_shared>>
      tpu.enqueue_dma source(%arg17 : memref<80x32xf32, #tpu.memory_space<vmem>>) target(%dma_start3A_82 : memref<80x32xf32, #tpu.memory_space<vmem_shared>>) target_semaphore(%run_scoped3A : memref<!tpu.dma_semaphore, #tpu.memory_space<semaphore_mem>>)
      %dma_wait3A = arith.constant 0 : i32
      %dma_wait3A_83 = tpu.memref_slice %arg10[%add3A_6, %dma_wait3A] : memref<10240x32xf32, #tpu.memory_space<vmem_shared>> -> memref<80x32xf32, #tpu.memory_space<vmem_shared>>
      %dma_wait3A_84 = arith.constant 0 : i32
      %dma_wait3A_85 = tpu.memref_slice %arg10[%add3A_6, %dma_wait3A_84] : memref<10240x32xf32, #tpu.memory_space<vmem_shared>> -> memref<80x32xf32, #tpu.memory_space<vmem_shared>>
      tpu.wait_dma2 semaphore(%run_scoped3A : memref<!tpu.dma_semaphore, #tpu.memory_space<semaphore_mem>>) src(%arg17 : memref<80x32xf32, #tpu.memory_space<vmem>>) dst(%dma_wait3A_85 : memref<80x32xf32, #tpu.memory_space<vmem_shared>>)
      tpu.yield
    }) : () -> ()
    %add3A_7 = arith.constant 160 : i32
    %add3A_8 = arith.addi %mul3A_2, %add3A_7 : i32
    "tpu.region"() ({
      %run_scoped3A = tpu.sem_alloc : memref<!tpu.dma_semaphore, #tpu.memory_space<semaphore_mem>>
      %dma_start3A_79 = arith.constant 0 : i32
      %dma_start3A_80 = tpu.memref_slice %arg10[%add3A_8, %dma_start3A_79] : memref<10240x32xf32, #tpu.memory_space<vmem_shared>> -> memref<80x32xf32, #tpu.memory_space<vmem_shared>>
      %dma_start3A_81 = arith.constant 0 : i32
      %dma_start3A_82 = tpu.memref_slice %arg10[%add3A_8, %dma_start3A_81] : memref<10240x32xf32, #tpu.memory_space<vmem_shared>> -> memref<80x32xf32, #tpu.memory_space<vmem_shared>>
      tpu.enqueue_dma source(%arg17 : memref<80x32xf32, #tpu.memory_space<vmem>>) target(%dma_start3A_82 : memref<80x32xf32, #tpu.memory_space<vmem_shared>>) target_semaphore(%run_scoped3A : memref<!tpu.dma_semaphore, #tpu.memory_space<semaphore_mem>>)
      %dma_wait3A = arith.constant 0 : i32
      %dma_wait3A_83 = tpu.memref_slice %arg10[%add3A_8, %dma_wait3A] : memref<10240x32xf32, #tpu.memory_space<vmem_shared>> -> memref<80x32xf32, #tpu.memory_space<vmem_shared>>
      %dma_wait3A_84 = arith.constant 0 : i32
      %dma_wait3A_85 = tpu.memref_slice %arg10[%add3A_8, %dma_wait3A_84] : memref<10240x32xf32, #tpu.memory_space<vmem_shared>> -> memref<80x32xf32, #tpu.memory_space<vmem_shared>>
      tpu.wait_dma2 semaphore(%run_scoped3A : memref<!tpu.dma_semaphore, #tpu.memory_space<semaphore_mem>>) src(%arg17 : memref<80x32xf32, #tpu.memory_space<vmem>>) dst(%dma_wait3A_85 : memref<80x32xf32, #tpu.memory_space<vmem_shared>>)
      tpu.yield
    }) : () -> ()
    %add3A_9 = arith.constant 240 : i32
    %add3A_10 = arith.addi %mul3A_2, %add3A_9 : i32
    "tpu.region"() ({
      %run_scoped3A = tpu.sem_alloc : memref<!tpu.dma_semaphore, #tpu.memory_space<semaphore_mem>>
      %dma_start3A_79 = arith.constant 0 : i32
      %dma_start3A_80 = tpu.memref_slice %arg10[%add3A_10, %dma_start3A_79] : memref<10240x32xf32, #tpu.memory_space<vmem_shared>> -> memref<80x32xf32, #tpu.memory_space<vmem_shared>>
      %dma_start3A_81 = arith.constant 0 : i32
      %dma_start3A_82 = tpu.memref_slice %arg10[%add3A_10, %dma_start3A_81] : memref<10240x32xf32, #tpu.memory_space<vmem_shared>> -> memref<80x32xf32, #tpu.memory_space<vmem_shared>>
      tpu.enqueue_dma source(%arg17 : memref<80x32xf32, #tpu.memory_space<vmem>>) target(%dma_start3A_82 : memref<80x32xf32, #tpu.memory_space<vmem_shared>>) target_semaphore(%run_scoped3A : memref<!tpu.dma_semaphore, #tpu.memory_space<semaphore_mem>>)
      %dma_wait3A = arith.constant 0 : i32
      %dma_wait3A_83 = tpu.memref_slice %arg10[%add3A_10, %dma_wait3A] : memref<10240x32xf32, #tpu.memory_space<vmem_shared>> -> memref<80x32xf32, #tpu.memory_space<vmem_shared>>
      %dma_wait3A_84 = arith.constant 0 : i32
      %dma_wait3A_85 = tpu.memref_slice %arg10[%add3A_10, %dma_wait3A_84] : memref<10240x32xf32, #tpu.memory_space<vmem_shared>> -> memref<80x32xf32, #tpu.memory_space<vmem_shared>>
      tpu.wait_dma2 semaphore(%run_scoped3A : memref<!tpu.dma_semaphore, #tpu.memory_space<semaphore_mem>>) src(%arg17 : memref<80x32xf32, #tpu.memory_space<vmem>>) dst(%dma_wait3A_85 : memref<80x32xf32, #tpu.memory_space<vmem_shared>>)
      tpu.yield
    }) : () -> ()
    %add3A_11 = arith.constant 320 : i32
    %add3A_12 = arith.addi %mul3A_2, %add3A_11 : i32
    "tpu.region"() ({
      %run_scoped3A = tpu.sem_alloc : memref<!tpu.dma_semaphore, #tpu.memory_space<semaphore_mem>>
      %dma_start3A_79 = arith.constant 0 : i32
      %dma_start3A_80 = tpu.memref_slice %arg10[%add3A_12, %dma_start3A_79] : memref<10240x32xf32, #tpu.memory_space<vmem_shared>> -> memref<80x32xf32, #tpu.memory_space<vmem_shared>>
      %dma_start3A_81 = arith.constant 0 : i32
      %dma_start3A_82 = tpu.memref_slice %arg10[%add3A_12, %dma_start3A_81] : memref<10240x32xf32, #tpu.memory_space<vmem_shared>> -> memref<80x32xf32, #tpu.memory_space<vmem_shared>>
      tpu.enqueue_dma source(%arg17 : memref<80x32xf32, #tpu.memory_space<vmem>>) target(%dma_start3A_82 : memref<80x32xf32, #tpu.memory_space<vmem_shared>>) target_semaphore(%run_scoped3A : memref<!tpu.dma_semaphore, #tpu.memory_space<semaphore_mem>>)
      %dma_wait3A = arith.constant 0 : i32
      %dma_wait3A_83 = tpu.memref_slice %arg10[%add3A_12, %dma_wait3A] : memref<10240x32xf32, #tpu.memory_space<vmem_shared>> -> memref<80x32xf32, #tpu.memory_space<vmem_shared>>
      %dma_wait3A_84 = arith.constant 0 : i32
      %dma_wait3A_85 = tpu.memref_slice %arg10[%add3A_12, %dma_wait3A_84] : memref<10240x32xf32, #tpu.memory_space<vmem_shared>> -> memref<80x32xf32, #tpu.memory_space<vmem_shared>>
      tpu.wait_dma2 semaphore(%run_scoped3A : memref<!tpu.dma_semaphore, #tpu.memory_space<semaphore_mem>>) src(%arg17 : memref<80x32xf32, #tpu.memory_space<vmem>>) dst(%dma_wait3A_85 : memref<80x32xf32, #tpu.memory_space<vmem_shared>>)
      tpu.yield
    }) : () -> ()
    %add3A_13 = arith.constant 400 : i32
    %add3A_14 = arith.addi %mul3A_2, %add3A_13 : i32
    "tpu.region"() ({
      %run_scoped3A = tpu.sem_alloc : memref<!tpu.dma_semaphore, #tpu.memory_space<semaphore_mem>>
      %dma_start3A_79 = arith.constant 0 : i32
      %dma_start3A_80 = tpu.memref_slice %arg10[%add3A_14, %dma_start3A_79] : memref<10240x32xf32, #tpu.memory_space<vmem_shared>> -> memref<80x32xf32, #tpu.memory_space<vmem_shared>>
      %dma_start3A_81 = arith.constant 0 : i32
      %dma_start3A_82 = tpu.memref_slice %arg10[%add3A_14, %dma_start3A_81] : memref<10240x32xf32, #tpu.memory_space<vmem_shared>> -> memref<80x32xf32, #tpu.memory_space<vmem_shared>>
      tpu.enqueue_dma source(%arg17 : memref<80x32xf32, #tpu.memory_space<vmem>>) target(%dma_start3A_82 : memref<80x32xf32, #tpu.memory_space<vmem_shared>>) target_semaphore(%run_scoped3A : memref<!tpu.dma_semaphore, #tpu.memory_space<semaphore_mem>>)
      %dma_wait3A = arith.constant 0 : i32
      %dma_wait3A_83 = tpu.memref_slice %arg10[%add3A_14, %dma_wait3A] : memref<10240x32xf32, #tpu.memory_space<vmem_shared>> -> memref<80x32xf32, #tpu.memory_space<vmem_shared>>
      %dma_wait3A_84 = arith.constant 0 : i32
      %dma_wait3A_85 = tpu.memref_slice %arg10[%add3A_14, %dma_wait3A_84] : memref<10240x32xf32, #tpu.memory_space<vmem_shared>> -> memref<80x32xf32, #tpu.memory_space<vmem_shared>>
      tpu.wait_dma2 semaphore(%run_scoped3A : memref<!tpu.dma_semaphore, #tpu.memory_space<semaphore_mem>>) src(%arg17 : memref<80x32xf32, #tpu.memory_space<vmem>>) dst(%dma_wait3A_85 : memref<80x32xf32, #tpu.memory_space<vmem_shared>>)
      tpu.yield
    }) : () -> ()
    %add3A_15 = arith.constant 480 : i32
    %add3A_16 = arith.addi %mul3A_2, %add3A_15 : i32
    "tpu.region"() ({
      %run_scoped3A = tpu.sem_alloc : memref<!tpu.dma_semaphore, #tpu.memory_space<semaphore_mem>>
      %dma_start3A_79 = arith.constant 0 : i32
      %dma_start3A_80 = tpu.memref_slice %arg10[%add3A_16, %dma_start3A_79] : memref<10240x32xf32, #tpu.memory_space<vmem_shared>> -> memref<80x32xf32, #tpu.memory_space<vmem_shared>>
      %dma_start3A_81 = arith.constant 0 : i32
      %dma_start3A_82 = tpu.memref_slice %arg10[%add3A_16, %dma_start3A_81] : memref<10240x32xf32, #tpu.memory_space<vmem_shared>> -> memref<80x32xf32, #tpu.memory_space<vmem_shared>>
      tpu.enqueue_dma source(%arg17 : memref<80x32xf32, #tpu.memory_space<vmem>>) target(%dma_start3A_82 : memref<80x32xf32, #tpu.memory_space<vmem_shared>>) target_semaphore(%run_scoped3A : memref<!tpu.dma_semaphore, #tpu.memory_space<semaphore_mem>>)
      %dma_wait3A = arith.constant 0 : i32
      %dma_wait3A_83 = tpu.memref_slice %arg10[%add3A_16, %dma_wait3A] : memref<10240x32xf32, #tpu.memory_space<vmem_shared>> -> memref<80x32xf32, #tpu.memory_space<vmem_shared>>
      %dma_wait3A_84 = arith.constant 0 : i32
      %dma_wait3A_85 = tpu.memref_slice %arg10[%add3A_16, %dma_wait3A_84] : memref<10240x32xf32, #tpu.memory_space<vmem_shared>> -> memref<80x32xf32, #tpu.memory_space<vmem_shared>>
      tpu.wait_dma2 semaphore(%run_scoped3A : memref<!tpu.dma_semaphore, #tpu.memory_space<semaphore_mem>>) src(%arg17 : memref<80x32xf32, #tpu.memory_space<vmem>>) dst(%dma_wait3A_85 : memref<80x32xf32, #tpu.memory_space<vmem_shared>>)
      tpu.yield
    }) : () -> ()
    %add3A_17 = arith.constant 560 : i32
    %add3A_18 = arith.addi %mul3A_2, %add3A_17 : i32
    "tpu.region"() ({
      %run_scoped3A = tpu.sem_alloc : memref<!tpu.dma_semaphore, #tpu.memory_space<semaphore_mem>>
      %dma_start3A_79 = arith.constant 0 : i32
      %dma_start3A_80 = tpu.memref_slice %arg10[%add3A_18, %dma_start3A_79] : memref<10240x32xf32, #tpu.memory_space<vmem_shared>> -> memref<80x32xf32, #tpu.memory_space<vmem_shared>>
      %dma_start3A_81 = arith.constant 0 : i32
      %dma_start3A_82 = tpu.memref_slice %arg10[%add3A_18, %dma_start3A_81] : memref<10240x32xf32, #tpu.memory_space<vmem_shared>> -> memref<80x32xf32, #tpu.memory_space<vmem_shared>>
      tpu.enqueue_dma source(%arg17 : memref<80x32xf32, #tpu.memory_space<vmem>>) target(%dma_start3A_82 : memref<80x32xf32, #tpu.memory_space<vmem_shared>>) target_semaphore(%run_scoped3A : memref<!tpu.dma_semaphore, #tpu.memory_space<semaphore_mem>>)
      %dma_wait3A = arith.constant 0 : i32
      %dma_wait3A_83 = tpu.memref_slice %arg10[%add3A_18, %dma_wait3A] : memref<10240x32xf32, #tpu.memory_space<vmem_shared>> -> memref<80x32xf32, #tpu.memory_space<vmem_shared>>
      %dma_wait3A_84 = arith.constant 0 : i32
      %dma_wait3A_85 = tpu.memref_slice %arg10[%add3A_18, %dma_wait3A_84] : memref<10240x32xf32, #tpu.memory_space<vmem_shared>> -> memref<80x32xf32, #tpu.memory_space<vmem_shared>>
      tpu.wait_dma2 semaphore(%run_scoped3A : memref<!tpu.dma_semaphore, #tpu.memory_space<semaphore_mem>>) src(%arg17 : memref<80x32xf32, #tpu.memory_space<vmem>>) dst(%dma_wait3A_85 : memref<80x32xf32, #tpu.memory_space<vmem_shared>>)
      tpu.yield
    }) : () -> ()
    "tpu.region"() ({
      %run_scoped3A = tpu.sem_alloc : memref<!tpu.dma_semaphore, #tpu.memory_space<semaphore_mem>>
      tpu.enqueue_dma source(%arg6 : memref<80x16xf32, #tpu.memory_space<hbm>>) target(%arg21 : memref<80x16xf32, #tpu.memory_space<vmem>>) target_semaphore(%run_scoped3A : memref<!tpu.dma_semaphore, #tpu.memory_space<semaphore_mem>>)
      tpu.wait_dma2 semaphore(%run_scoped3A : memref<!tpu.dma_semaphore, #tpu.memory_space<semaphore_mem>>) src(%arg6 : memref<80x16xf32, #tpu.memory_space<hbm>>) dst(%arg21 : memref<80x16xf32, #tpu.memory_space<vmem>>)
      tpu.yield
    }) : () -> ()
    %add3A_19 = arith.constant 0 : i32
    %add3A_20 = arith.addi %mul3A_2, %add3A_19 : i32
    "tpu.region"() ({
      %run_scoped3A = tpu.sem_alloc : memref<!tpu.dma_semaphore, #tpu.memory_space<semaphore_mem>>
      %dma_start3A_79 = arith.constant 0 : i32
      %dma_start3A_80 = tpu.memref_slice %arg20[%add3A_20, %dma_start3A_79] : memref<10240x16xf32, #tpu.memory_space<vmem_shared>> -> memref<80x16xf32, #tpu.memory_space<vmem_shared>>
      %dma_start3A_81 = arith.constant 0 : i32
      %dma_start3A_82 = tpu.memref_slice %arg20[%add3A_20, %dma_start3A_81] : memref<10240x16xf32, #tpu.memory_space<vmem_shared>> -> memref<80x16xf32, #tpu.memory_space<vmem_shared>>
      tpu.enqueue_dma source(%arg21 : memref<80x16xf32, #tpu.memory_space<vmem>>) target(%dma_start3A_82 : memref<80x16xf32, #tpu.memory_space<vmem_shared>>) target_semaphore(%run_scoped3A : memref<!tpu.dma_semaphore, #tpu.memory_space<semaphore_mem>>)
      %dma_wait3A = arith.constant 0 : i32
      %dma_wait3A_83 = tpu.memref_slice %arg20[%add3A_20, %dma_wait3A] : memref<10240x16xf32, #tpu.memory_space<vmem_shared>> -> memref<80x16xf32, #tpu.memory_space<vmem_shared>>
      %dma_wait3A_84 = arith.constant 0 : i32
      %dma_wait3A_85 = tpu.memref_slice %arg20[%add3A_20, %dma_wait3A_84] : memref<10240x16xf32, #tpu.memory_space<vmem_shared>> -> memref<80x16xf32, #tpu.memory_space<vmem_shared>>
      tpu.wait_dma2 semaphore(%run_scoped3A : memref<!tpu.dma_semaphore, #tpu.memory_space<semaphore_mem>>) src(%arg21 : memref<80x16xf32, #tpu.memory_space<vmem>>) dst(%dma_wait3A_85 : memref<80x16xf32, #tpu.memory_space<vmem_shared>>)
      tpu.yield
    }) : () -> ()
    %add3A_21 = arith.constant 80 : i32
    %add3A_22 = arith.addi %mul3A_2, %add3A_21 : i32
    "tpu.region"() ({
      %run_scoped3A = tpu.sem_alloc : memref<!tpu.dma_semaphore, #tpu.memory_space<semaphore_mem>>
      %dma_start3A_79 = arith.constant 0 : i32
      %dma_start3A_80 = tpu.memref_slice %arg20[%add3A_22, %dma_start3A_79] : memref<10240x16xf32, #tpu.memory_space<vmem_shared>> -> memref<80x16xf32, #tpu.memory_space<vmem_shared>>
      %dma_start3A_81 = arith.constant 0 : i32
      %dma_start3A_82 = tpu.memref_slice %arg20[%add3A_22, %dma_start3A_81] : memref<10240x16xf32, #tpu.memory_space<vmem_shared>> -> memref<80x16xf32, #tpu.memory_space<vmem_shared>>
      tpu.enqueue_dma source(%arg21 : memref<80x16xf32, #tpu.memory_space<vmem>>) target(%dma_start3A_82 : memref<80x16xf32, #tpu.memory_space<vmem_shared>>) target_semaphore(%run_scoped3A : memref<!tpu.dma_semaphore, #tpu.memory_space<semaphore_mem>>)
      %dma_wait3A = arith.constant 0 : i32
      %dma_wait3A_83 = tpu.memref_slice %arg20[%add3A_22, %dma_wait3A] : memref<10240x16xf32, #tpu.memory_space<vmem_shared>> -> memref<80x16xf32, #tpu.memory_space<vmem_shared>>
      %dma_wait3A_84 = arith.constant 0 : i32
      %dma_wait3A_85 = tpu.memref_slice %arg20[%add3A_22, %dma_wait3A_84] : memref<10240x16xf32, #tpu.memory_space<vmem_shared>> -> memref<80x16xf32, #tpu.memory_space<vmem_shared>>
      tpu.wait_dma2 semaphore(%run_scoped3A : memref<!tpu.dma_semaphore, #tpu.memory_space<semaphore_mem>>) src(%arg21 : memref<80x16xf32, #tpu.memory_space<vmem>>) dst(%dma_wait3A_85 : memref<80x16xf32, #tpu.memory_space<vmem_shared>>)
      tpu.yield
    }) : () -> ()
    %add3A_23 = arith.constant 160 : i32
    %add3A_24 = arith.addi %mul3A_2, %add3A_23 : i32
    "tpu.region"() ({
      %run_scoped3A = tpu.sem_alloc : memref<!tpu.dma_semaphore, #tpu.memory_space<semaphore_mem>>
      %dma_start3A_79 = arith.constant 0 : i32
      %dma_start3A_80 = tpu.memref_slice %arg20[%add3A_24, %dma_start3A_79] : memref<10240x16xf32, #tpu.memory_space<vmem_shared>> -> memref<80x16xf32, #tpu.memory_space<vmem_shared>>
      %dma_start3A_81 = arith.constant 0 : i32
      %dma_start3A_82 = tpu.memref_slice %arg20[%add3A_24, %dma_start3A_81] : memref<10240x16xf32, #tpu.memory_space<vmem_shared>> -> memref<80x16xf32, #tpu.memory_space<vmem_shared>>
      tpu.enqueue_dma source(%arg21 : memref<80x16xf32, #tpu.memory_space<vmem>>) target(%dma_start3A_82 : memref<80x16xf32, #tpu.memory_space<vmem_shared>>) target_semaphore(%run_scoped3A : memref<!tpu.dma_semaphore, #tpu.memory_space<semaphore_mem>>)
      %dma_wait3A = arith.constant 0 : i32
      %dma_wait3A_83 = tpu.memref_slice %arg20[%add3A_24, %dma_wait3A] : memref<10240x16xf32, #tpu.memory_space<vmem_shared>> -> memref<80x16xf32, #tpu.memory_space<vmem_shared>>
      %dma_wait3A_84 = arith.constant 0 : i32
      %dma_wait3A_85 = tpu.memref_slice %arg20[%add3A_24, %dma_wait3A_84] : memref<10240x16xf32, #tpu.memory_space<vmem_shared>> -> memref<80x16xf32, #tpu.memory_space<vmem_shared>>
      tpu.wait_dma2 semaphore(%run_scoped3A : memref<!tpu.dma_semaphore, #tpu.memory_space<semaphore_mem>>) src(%arg21 : memref<80x16xf32, #tpu.memory_space<vmem>>) dst(%dma_wait3A_85 : memref<80x16xf32, #tpu.memory_space<vmem_shared>>)
      tpu.yield
    }) : () -> ()
    %add3A_25 = arith.constant 240 : i32
    %add3A_26 = arith.addi %mul3A_2, %add3A_25 : i32
    "tpu.region"() ({
      %run_scoped3A = tpu.sem_alloc : memref<!tpu.dma_semaphore, #tpu.memory_space<semaphore_mem>>
      %dma_start3A_79 = arith.constant 0 : i32
      %dma_start3A_80 = tpu.memref_slice %arg20[%add3A_26, %dma_start3A_79] : memref<10240x16xf32, #tpu.memory_space<vmem_shared>> -> memref<80x16xf32, #tpu.memory_space<vmem_shared>>
      %dma_start3A_81 = arith.constant 0 : i32
      %dma_start3A_82 = tpu.memref_slice %arg20[%add3A_26, %dma_start3A_81] : memref<10240x16xf32, #tpu.memory_space<vmem_shared>> -> memref<80x16xf32, #tpu.memory_space<vmem_shared>>
      tpu.enqueue_dma source(%arg21 : memref<80x16xf32, #tpu.memory_space<vmem>>) target(%dma_start3A_82 : memref<80x16xf32, #tpu.memory_space<vmem_shared>>) target_semaphore(%run_scoped3A : memref<!tpu.dma_semaphore, #tpu.memory_space<semaphore_mem>>)
      %dma_wait3A = arith.constant 0 : i32
      %dma_wait3A_83 = tpu.memref_slice %arg20[%add3A_26, %dma_wait3A] : memref<10240x16xf32, #tpu.memory_space<vmem_shared>> -> memref<80x16xf32, #tpu.memory_space<vmem_shared>>
      %dma_wait3A_84 = arith.constant 0 : i32
      %dma_wait3A_85 = tpu.memref_slice %arg20[%add3A_26, %dma_wait3A_84] : memref<10240x16xf32, #tpu.memory_space<vmem_shared>> -> memref<80x16xf32, #tpu.memory_space<vmem_shared>>
      tpu.wait_dma2 semaphore(%run_scoped3A : memref<!tpu.dma_semaphore, #tpu.memory_space<semaphore_mem>>) src(%arg21 : memref<80x16xf32, #tpu.memory_space<vmem>>) dst(%dma_wait3A_85 : memref<80x16xf32, #tpu.memory_space<vmem_shared>>)
      tpu.yield
    }) : () -> ()
    %add3A_27 = arith.constant 320 : i32
    %add3A_28 = arith.addi %mul3A_2, %add3A_27 : i32
    "tpu.region"() ({
      %run_scoped3A = tpu.sem_alloc : memref<!tpu.dma_semaphore, #tpu.memory_space<semaphore_mem>>
      %dma_start3A_79 = arith.constant 0 : i32
      %dma_start3A_80 = tpu.memref_slice %arg20[%add3A_28, %dma_start3A_79] : memref<10240x16xf32, #tpu.memory_space<vmem_shared>> -> memref<80x16xf32, #tpu.memory_space<vmem_shared>>
      %dma_start3A_81 = arith.constant 0 : i32
      %dma_start3A_82 = tpu.memref_slice %arg20[%add3A_28, %dma_start3A_81] : memref<10240x16xf32, #tpu.memory_space<vmem_shared>> -> memref<80x16xf32, #tpu.memory_space<vmem_shared>>
      tpu.enqueue_dma source(%arg21 : memref<80x16xf32, #tpu.memory_space<vmem>>) target(%dma_start3A_82 : memref<80x16xf32, #tpu.memory_space<vmem_shared>>) target_semaphore(%run_scoped3A : memref<!tpu.dma_semaphore, #tpu.memory_space<semaphore_mem>>)
      %dma_wait3A = arith.constant 0 : i32
      %dma_wait3A_83 = tpu.memref_slice %arg20[%add3A_28, %dma_wait3A] : memref<10240x16xf32, #tpu.memory_space<vmem_shared>> -> memref<80x16xf32, #tpu.memory_space<vmem_shared>>
      %dma_wait3A_84 = arith.constant 0 : i32
      %dma_wait3A_85 = tpu.memref_slice %arg20[%add3A_28, %dma_wait3A_84] : memref<10240x16xf32, #tpu.memory_space<vmem_shared>> -> memref<80x16xf32, #tpu.memory_space<vmem_shared>>
      tpu.wait_dma2 semaphore(%run_scoped3A : memref<!tpu.dma_semaphore, #tpu.memory_space<semaphore_mem>>) src(%arg21 : memref<80x16xf32, #tpu.memory_space<vmem>>) dst(%dma_wait3A_85 : memref<80x16xf32, #tpu.memory_space<vmem_shared>>)
      tpu.yield
    }) : () -> ()
    %add3A_29 = arith.constant 400 : i32
    %add3A_30 = arith.addi %mul3A_2, %add3A_29 : i32
    "tpu.region"() ({
      %run_scoped3A = tpu.sem_alloc : memref<!tpu.dma_semaphore, #tpu.memory_space<semaphore_mem>>
      %dma_start3A_79 = arith.constant 0 : i32
      %dma_start3A_80 = tpu.memref_slice %arg20[%add3A_30, %dma_start3A_79] : memref<10240x16xf32, #tpu.memory_space<vmem_shared>> -> memref<80x16xf32, #tpu.memory_space<vmem_shared>>
      %dma_start3A_81 = arith.constant 0 : i32
      %dma_start3A_82 = tpu.memref_slice %arg20[%add3A_30, %dma_start3A_81] : memref<10240x16xf32, #tpu.memory_space<vmem_shared>> -> memref<80x16xf32, #tpu.memory_space<vmem_shared>>
      tpu.enqueue_dma source(%arg21 : memref<80x16xf32, #tpu.memory_space<vmem>>) target(%dma_start3A_82 : memref<80x16xf32, #tpu.memory_space<vmem_shared>>) target_semaphore(%run_scoped3A : memref<!tpu.dma_semaphore, #tpu.memory_space<semaphore_mem>>)
      %dma_wait3A = arith.constant 0 : i32
      %dma_wait3A_83 = tpu.memref_slice %arg20[%add3A_30, %dma_wait3A] : memref<10240x16xf32, #tpu.memory_space<vmem_shared>> -> memref<80x16xf32, #tpu.memory_space<vmem_shared>>
      %dma_wait3A_84 = arith.constant 0 : i32
      %dma_wait3A_85 = tpu.memref_slice %arg20[%add3A_30, %dma_wait3A_84] : memref<10240x16xf32, #tpu.memory_space<vmem_shared>> -> memref<80x16xf32, #tpu.memory_space<vmem_shared>>
      tpu.wait_dma2 semaphore(%run_scoped3A : memref<!tpu.dma_semaphore, #tpu.memory_space<semaphore_mem>>) src(%arg21 : memref<80x16xf32, #tpu.memory_space<vmem>>) dst(%dma_wait3A_85 : memref<80x16xf32, #tpu.memory_space<vmem_shared>>)
      tpu.yield
    }) : () -> ()
    %add3A_31 = arith.constant 480 : i32
    %add3A_32 = arith.addi %mul3A_2, %add3A_31 : i32
    "tpu.region"() ({
      %run_scoped3A = tpu.sem_alloc : memref<!tpu.dma_semaphore, #tpu.memory_space<semaphore_mem>>
      %dma_start3A_79 = arith.constant 0 : i32
      %dma_start3A_80 = tpu.memref_slice %arg20[%add3A_32, %dma_start3A_79] : memref<10240x16xf32, #tpu.memory_space<vmem_shared>> -> memref<80x16xf32, #tpu.memory_space<vmem_shared>>
      %dma_start3A_81 = arith.constant 0 : i32
      %dma_start3A_82 = tpu.memref_slice %arg20[%add3A_32, %dma_start3A_81] : memref<10240x16xf32, #tpu.memory_space<vmem_shared>> -> memref<80x16xf32, #tpu.memory_space<vmem_shared>>
      tpu.enqueue_dma source(%arg21 : memref<80x16xf32, #tpu.memory_space<vmem>>) target(%dma_start3A_82 : memref<80x16xf32, #tpu.memory_space<vmem_shared>>) target_semaphore(%run_scoped3A : memref<!tpu.dma_semaphore, #tpu.memory_space<semaphore_mem>>)
      %dma_wait3A = arith.constant 0 : i32
      %dma_wait3A_83 = tpu.memref_slice %arg20[%add3A_32, %dma_wait3A] : memref<10240x16xf32, #tpu.memory_space<vmem_shared>> -> memref<80x16xf32, #tpu.memory_space<vmem_shared>>
      %dma_wait3A_84 = arith.constant 0 : i32
      %dma_wait3A_85 = tpu.memref_slice %arg20[%add3A_32, %dma_wait3A_84] : memref<10240x16xf32, #tpu.memory_space<vmem_shared>> -> memref<80x16xf32, #tpu.memory_space<vmem_shared>>
      tpu.wait_dma2 semaphore(%run_scoped3A : memref<!tpu.dma_semaphore, #tpu.memory_space<semaphore_mem>>) src(%arg21 : memref<80x16xf32, #tpu.memory_space<vmem>>) dst(%dma_wait3A_85 : memref<80x16xf32, #tpu.memory_space<vmem_shared>>)
      tpu.yield
    }) : () -> ()
    %add3A_33 = arith.constant 560 : i32
    %add3A_34 = arith.addi %mul3A_2, %add3A_33 : i32
    "tpu.region"() ({
      %run_scoped3A = tpu.sem_alloc : memref<!tpu.dma_semaphore, #tpu.memory_space<semaphore_mem>>
      %dma_start3A_79 = arith.constant 0 : i32
      %dma_start3A_80 = tpu.memref_slice %arg20[%add3A_34, %dma_start3A_79] : memref<10240x16xf32, #tpu.memory_space<vmem_shared>> -> memref<80x16xf32, #tpu.memory_space<vmem_shared>>
      %dma_start3A_81 = arith.constant 0 : i32
      %dma_start3A_82 = tpu.memref_slice %arg20[%add3A_34, %dma_start3A_81] : memref<10240x16xf32, #tpu.memory_space<vmem_shared>> -> memref<80x16xf32, #tpu.memory_space<vmem_shared>>
      tpu.enqueue_dma source(%arg21 : memref<80x16xf32, #tpu.memory_space<vmem>>) target(%dma_start3A_82 : memref<80x16xf32, #tpu.memory_space<vmem_shared>>) target_semaphore(%run_scoped3A : memref<!tpu.dma_semaphore, #tpu.memory_space<semaphore_mem>>)
      %dma_wait3A = arith.constant 0 : i32
      %dma_wait3A_83 = tpu.memref_slice %arg20[%add3A_34, %dma_wait3A] : memref<10240x16xf32, #tpu.memory_space<vmem_shared>> -> memref<80x16xf32, #tpu.memory_space<vmem_shared>>
      %dma_wait3A_84 = arith.constant 0 : i32
      %dma_wait3A_85 = tpu.memref_slice %arg20[%add3A_34, %dma_wait3A_84] : memref<10240x16xf32, #tpu.memory_space<vmem_shared>> -> memref<80x16xf32, #tpu.memory_space<vmem_shared>>
      tpu.wait_dma2 semaphore(%run_scoped3A : memref<!tpu.dma_semaphore, #tpu.memory_space<semaphore_mem>>) src(%arg21 : memref<80x16xf32, #tpu.memory_space<vmem>>) dst(%dma_wait3A_85 : memref<80x16xf32, #tpu.memory_space<vmem_shared>>)
      tpu.yield
    }) : () -> ()
    "tpu.region"() ({
      %run_scoped3A = tpu.sem_alloc : memref<!tpu.dma_semaphore, #tpu.memory_space<semaphore_mem>>
      tpu.enqueue_dma source(%arg7 : memref<80x16xf32, #tpu.memory_space<hbm>>) target(%arg22 : memref<80x16xf32, #tpu.memory_space<vmem>>) target_semaphore(%run_scoped3A : memref<!tpu.dma_semaphore, #tpu.memory_space<semaphore_mem>>)
      tpu.wait_dma2 semaphore(%run_scoped3A : memref<!tpu.dma_semaphore, #tpu.memory_space<semaphore_mem>>) src(%arg7 : memref<80x16xf32, #tpu.memory_space<hbm>>) dst(%arg22 : memref<80x16xf32, #tpu.memory_space<vmem>>)
      tpu.yield
    }) : () -> ()
    "tpu.region"() ({
      %run_scoped3A = tpu.sem_alloc : memref<!tpu.dma_semaphore, #tpu.memory_space<semaphore_mem>>
      %dma_start3A_79 = arith.constant 0 : i32
      %dma_start3A_80 = arith.constant 0 : i32
      %dma_start3A_81 = tpu.memref_slice %arg3[%add3A, %dma_start3A_79, %dma_start3A_80] : memref<32x126x80xi32, #tpu.memory_space<hbm>> -> memref<1x126x80xi32, #tpu.memory_space<hbm>>
      %dma_start3A_82 = tpu.memref_squeeze %dma_start3A_81 : memref<1x126x80xi32, #tpu.memory_space<hbm>> -> memref<126x80xi32, #tpu.memory_space<hbm>>
      %dma_start3A_83 = arith.constant 0 : i32
      %dma_start3A_84 = arith.constant 0 : i32
      %dma_start3A_85 = tpu.memref_slice %arg3[%add3A, %dma_start3A_83, %dma_start3A_84] : memref<32x126x80xi32, #tpu.memory_space<hbm>> -> memref<1x126x80xi32, #tpu.memory_space<hbm>>
      %dma_start3A_86 = tpu.memref_squeeze %dma_start3A_85 : memref<1x126x80xi32, #tpu.memory_space<hbm>> -> memref<126x80xi32, #tpu.memory_space<hbm>>
      tpu.enqueue_dma source(%dma_start3A_86 : memref<126x80xi32, #tpu.memory_space<hbm>>) target(%arg13 : memref<126x80xi32, #tpu.memory_space<vmem>>) target_semaphore(%run_scoped3A : memref<!tpu.dma_semaphore, #tpu.memory_space<semaphore_mem>>)
      %dma_wait3A = arith.constant 0 : i32
      %dma_wait3A_87 = arith.constant 0 : i32
      %dma_wait3A_88 = tpu.memref_slice %arg3[%add3A, %dma_wait3A, %dma_wait3A_87] : memref<32x126x80xi32, #tpu.memory_space<hbm>> -> memref<1x126x80xi32, #tpu.memory_space<hbm>>
      %dma_wait3A_89 = tpu.memref_squeeze %dma_wait3A_88 : memref<1x126x80xi32, #tpu.memory_space<hbm>> -> memref<126x80xi32, #tpu.memory_space<hbm>>
      %dma_wait3A_90 = arith.constant 0 : i32
      %dma_wait3A_91 = arith.constant 0 : i32
      %dma_wait3A_92 = tpu.memref_slice %arg3[%add3A, %dma_wait3A_90, %dma_wait3A_91] : memref<32x126x80xi32, #tpu.memory_space<hbm>> -> memref<1x126x80xi32, #tpu.memory_space<hbm>>
      %dma_wait3A_93 = tpu.memref_squeeze %dma_wait3A_92 : memref<1x126x80xi32, #tpu.memory_space<hbm>> -> memref<126x80xi32, #tpu.memory_space<hbm>>
      tpu.wait_dma2 semaphore(%run_scoped3A : memref<!tpu.dma_semaphore, #tpu.memory_space<semaphore_mem>>) src(%dma_wait3A_93 : memref<126x80xi32, #tpu.memory_space<hbm>>) dst(%arg13 : memref<126x80xi32, #tpu.memory_space<vmem>>)
      tpu.yield
    }) : () -> ()
    "tpu.region"() ({
      %run_scoped3A = tpu.sem_alloc : memref<!tpu.dma_semaphore, #tpu.memory_space<semaphore_mem>>
      %dma_start3A_79 = arith.constant 0 : i32
      %dma_start3A_80 = arith.constant 0 : i32
      %dma_start3A_81 = tpu.memref_slice %arg4[%add3A, %dma_start3A_79, %dma_start3A_80] : memref<32x126x80xi32, #tpu.memory_space<hbm>> -> memref<1x126x80xi32, #tpu.memory_space<hbm>>
      %dma_start3A_82 = tpu.memref_squeeze %dma_start3A_81 : memref<1x126x80xi32, #tpu.memory_space<hbm>> -> memref<126x80xi32, #tpu.memory_space<hbm>>
      %dma_start3A_83 = arith.constant 0 : i32
      %dma_start3A_84 = arith.constant 0 : i32
      %dma_start3A_85 = tpu.memref_slice %arg4[%add3A, %dma_start3A_83, %dma_start3A_84] : memref<32x126x80xi32, #tpu.memory_space<hbm>> -> memref<1x126x80xi32, #tpu.memory_space<hbm>>
      %dma_start3A_86 = tpu.memref_squeeze %dma_start3A_85 : memref<1x126x80xi32, #tpu.memory_space<hbm>> -> memref<126x80xi32, #tpu.memory_space<hbm>>
      tpu.enqueue_dma source(%dma_start3A_86 : memref<126x80xi32, #tpu.memory_space<hbm>>) target(%arg14 : memref<126x80xi32, #tpu.memory_space<vmem>>) target_semaphore(%run_scoped3A : memref<!tpu.dma_semaphore, #tpu.memory_space<semaphore_mem>>)
      %dma_wait3A = arith.constant 0 : i32
      %dma_wait3A_87 = arith.constant 0 : i32
      %dma_wait3A_88 = tpu.memref_slice %arg4[%add3A, %dma_wait3A, %dma_wait3A_87] : memref<32x126x80xi32, #tpu.memory_space<hbm>> -> memref<1x126x80xi32, #tpu.memory_space<hbm>>
      %dma_wait3A_89 = tpu.memref_squeeze %dma_wait3A_88 : memref<1x126x80xi32, #tpu.memory_space<hbm>> -> memref<126x80xi32, #tpu.memory_space<hbm>>
      %dma_wait3A_90 = arith.constant 0 : i32
      %dma_wait3A_91 = arith.constant 0 : i32
      %dma_wait3A_92 = tpu.memref_slice %arg4[%add3A, %dma_wait3A_90, %dma_wait3A_91] : memref<32x126x80xi32, #tpu.memory_space<hbm>> -> memref<1x126x80xi32, #tpu.memory_space<hbm>>
      %dma_wait3A_93 = tpu.memref_squeeze %dma_wait3A_92 : memref<1x126x80xi32, #tpu.memory_space<hbm>> -> memref<126x80xi32, #tpu.memory_space<hbm>>
      tpu.wait_dma2 semaphore(%run_scoped3A : memref<!tpu.dma_semaphore, #tpu.memory_space<semaphore_mem>>) src(%dma_wait3A_93 : memref<126x80xi32, #tpu.memory_space<hbm>>) dst(%arg14 : memref<126x80xi32, #tpu.memory_space<vmem>>)
      tpu.yield
    }) : () -> ()
    %barrier3A = arith.constant 0 : index
    tpu.barrier barrier_id(%barrier3A)
    %dma_start3A = arith.constant 0 : i32
    %dma_start3A_35 = arith.constant 0 : i32
    %dma_start3A_36 = tpu.memref_slice %arg13[%dma_start3A, %dma_start3A_35] : memref<126x80xi32, #tpu.memory_space<vmem>> -> memref<1x80xi32, #tpu.memory_space<vmem>>
    %dma_start3A_37 = tpu.memref_squeeze %dma_start3A_36 : memref<1x80xi32, #tpu.memory_space<vmem>> -> memref<80xi32, #tpu.memory_space<vmem>>
    %dma_start3A_38 = arith.constant 0 : i32
    %dma_start3A_39 = arith.constant 0 : i32
    %dma_start3A_40 = tpu.memref_slice %arg11[%dma_start3A_38, %dma_start3A_39] : memref<10240x32xf32, #tpu.memory_space<vmem_shared>> -> memref<10240x32xf32, #tpu.memory_space<vmem_shared>>
    tpu.enqueue_indirect_dma source(%dma_start3A_40 : memref<10240x32xf32, #tpu.memory_space<vmem_shared>>) target(%arg15 : memref<80x32xf32, #tpu.memory_space<vmem>>) offsets(%dma_start3A_37 : memref<80xi32, #tpu.memory_space<vmem>>) semaphore(%arg18 : memref<!tpu.dma_semaphore, #tpu.memory_space<semaphore_mem>>)
    %scan3A = arith.constant 0 : i32
    %scan3A_41 = arith.constant 0 : i32
    %scan3A_42 = arith.constant 63 : i32
    %scan3A_43 = arith.addi %scan3A_41, %scan3A_42 : i32
    %scan3A_44 = arith.constant 1 : i32
    scf.for %scan3A_79 = %scan3A_41 to %scan3A_43 step %scan3A_44  : i32 {
      %mul3A_80 = arith.constant 2 : i32
      %mul3A_81 = arith.muli %mul3A_80, %scan3A_79 : i32
      %add3A_82 = arith.constant 1 : i32
      %add3A_83 = arith.addi %mul3A_81, %add3A_82 : i32
      %lt3A = arith.constant 126 : i32
      %lt3A_84 = arith.cmpi slt, %add3A_83, %lt3A : i32
      %convert_element_type3A = arith.extui %lt3A_84 : i1 to i32
      %cond3A = arith.constant 0 : i32
      %cond3A_85 = arith.cmpi ne, %convert_element_type3A, %cond3A : i32
      scf.if %cond3A_85 {
        %add3A_106 = arith.constant 1 : i32
        %add3A_107 = arith.addi %mul3A_81, %add3A_106 : i32
        %dma_start3A_108 = arith.constant 0 : i32
        %dma_start3A_109 = tpu.memref_slice %arg13[%add3A_107, %dma_start3A_108] : memref<126x80xi32, #tpu.memory_space<vmem>> -> memref<1x80xi32, #tpu.memory_space<vmem>>
        %dma_start3A_110 = tpu.memref_squeeze %dma_start3A_109 : memref<1x80xi32, #tpu.memory_space<vmem>> -> memref<80xi32, #tpu.memory_space<vmem>>
        %dma_start3A_111 = arith.constant 0 : i32
        %dma_start3A_112 = arith.constant 0 : i32
        %dma_start3A_113 = tpu.memref_slice %arg11[%dma_start3A_111, %dma_start3A_112] : memref<10240x32xf32, #tpu.memory_space<vmem_shared>> -> memref<10240x32xf32, #tpu.memory_space<vmem_shared>>
        tpu.enqueue_indirect_dma source(%dma_start3A_113 : memref<10240x32xf32, #tpu.memory_space<vmem_shared>>) target(%arg16 : memref<80x32xf32, #tpu.memory_space<vmem>>) offsets(%dma_start3A_110 : memref<80xi32, #tpu.memory_space<vmem>>) semaphore(%arg19 : memref<!tpu.dma_semaphore, #tpu.memory_space<semaphore_mem>>)
      } else {
      }
      %dma_wait3A = arith.constant 0 : i32
      %dma_wait3A_86 = tpu.memref_slice %arg13[%mul3A_81, %dma_wait3A] : memref<126x80xi32, #tpu.memory_space<vmem>> -> memref<1x80xi32, #tpu.memory_space<vmem>>
      %dma_wait3A_87 = tpu.memref_squeeze %dma_wait3A_86 : memref<1x80xi32, #tpu.memory_space<vmem>> -> memref<80xi32, #tpu.memory_space<vmem>>
      %dma_wait3A_88 = arith.constant 0 : i32
      %dma_wait3A_89 = arith.constant 0 : i32
      %dma_wait3A_90 = tpu.memref_slice %arg11[%dma_wait3A_88, %dma_wait3A_89] : memref<10240x32xf32, #tpu.memory_space<vmem_shared>> -> memref<10240x32xf32, #tpu.memory_space<vmem_shared>>
      tpu.wait_indirect_dma semaphore(%arg18 : memref<!tpu.dma_semaphore, #tpu.memory_space<semaphore_mem>>) src(%dma_wait3A_90 : memref<10240x32xf32, #tpu.memory_space<vmem_shared>>) dst(%arg15 : memref<80x32xf32, #tpu.memory_space<vmem>>)
      "tpu.region"() ({
        %run_scoped3A = tpu.sem_alloc : memref<!tpu.dma_semaphore, #tpu.memory_space<semaphore_mem>>
        %dma_start3A_106 = arith.constant 0 : i32
        %dma_start3A_107 = tpu.memref_slice %arg14[%mul3A_81, %dma_start3A_106] : memref<126x80xi32, #tpu.memory_space<vmem>> -> memref<1x80xi32, #tpu.memory_space<vmem>>
        %dma_start3A_108 = tpu.memref_squeeze %dma_start3A_107 : memref<1x80xi32, #tpu.memory_space<vmem>> -> memref<80xi32, #tpu.memory_space<vmem>>
        %dma_start3A_109 = arith.constant 0 : i32
        %dma_start3A_110 = arith.constant 0 : i32
        %dma_start3A_111 = tpu.memref_slice %arg20[%dma_start3A_109, %dma_start3A_110] : memref<10240x16xf32, #tpu.memory_space<vmem_shared>> -> memref<10240x16xf32, #tpu.memory_space<vmem_shared>>
        tpu.enqueue_indirect_dma source(%arg22 : memref<80x16xf32, #tpu.memory_space<vmem>>) target(%dma_start3A_111 : memref<10240x16xf32, #tpu.memory_space<vmem_shared>>) offsets(%dma_start3A_108 : memref<80xi32, #tpu.memory_space<vmem>>) semaphore(%run_scoped3A : memref<!tpu.dma_semaphore, #tpu.memory_space<semaphore_mem>>) {add = true}
        %dma_wait3A_112 = arith.constant 0 : i32
        %dma_wait3A_113 = tpu.memref_slice %arg14[%mul3A_81, %dma_wait3A_112] : memref<126x80xi32, #tpu.memory_space<vmem>> -> memref<1x80xi32, #tpu.memory_space<vmem>>
        %dma_wait3A_114 = tpu.memref_squeeze %dma_wait3A_113 : memref<1x80xi32, #tpu.memory_space<vmem>> -> memref<80xi32, #tpu.memory_space<vmem>>
        %dma_wait3A_115 = arith.constant 0 : i32
        %dma_wait3A_116 = arith.constant 0 : i32
        %dma_wait3A_117 = tpu.memref_slice %arg20[%dma_wait3A_115, %dma_wait3A_116] : memref<10240x16xf32, #tpu.memory_space<vmem_shared>> -> memref<10240x16xf32, #tpu.memory_space<vmem_shared>>
        tpu.wait_indirect_dma semaphore(%run_scoped3A : memref<!tpu.dma_semaphore, #tpu.memory_space<semaphore_mem>>) src(%arg22 : memref<80x16xf32, #tpu.memory_space<vmem>>) dst(%dma_wait3A_117 : memref<10240x16xf32, #tpu.memory_space<vmem_shared>>)
        tpu.yield
      }) : () -> ()
      "tpu.region"() ({
        %run_scoped3A = tpu.sem_alloc : memref<!tpu.dma_semaphore, #tpu.memory_space<semaphore_mem>>
        %dma_start3A_106 = arith.constant 0 : i32
        %dma_start3A_107 = tpu.memref_slice %arg14[%mul3A_81, %dma_start3A_106] : memref<126x80xi32, #tpu.memory_space<vmem>> -> memref<1x80xi32, #tpu.memory_space<vmem>>
        %dma_start3A_108 = tpu.memref_squeeze %dma_start3A_107 : memref<1x80xi32, #tpu.memory_space<vmem>> -> memref<80xi32, #tpu.memory_space<vmem>>
        %dma_start3A_109 = arith.constant 0 : i32
        %dma_start3A_110 = arith.constant 0 : i32
        %dma_start3A_111 = tpu.memref_slice %arg10[%dma_start3A_109, %dma_start3A_110] : memref<10240x32xf32, #tpu.memory_space<vmem_shared>> -> memref<10240x32xf32, #tpu.memory_space<vmem_shared>>
        tpu.enqueue_indirect_dma source(%arg15 : memref<80x32xf32, #tpu.memory_space<vmem>>) target(%dma_start3A_111 : memref<10240x32xf32, #tpu.memory_space<vmem_shared>>) offsets(%dma_start3A_108 : memref<80xi32, #tpu.memory_space<vmem>>) semaphore(%run_scoped3A : memref<!tpu.dma_semaphore, #tpu.memory_space<semaphore_mem>>) {add = true}
        %dma_wait3A_112 = arith.constant 0 : i32
        %dma_wait3A_113 = tpu.memref_slice %arg14[%mul3A_81, %dma_wait3A_112] : memref<126x80xi32, #tpu.memory_space<vmem>> -> memref<1x80xi32, #tpu.memory_space<vmem>>
        %dma_wait3A_114 = tpu.memref_squeeze %dma_wait3A_113 : memref<1x80xi32, #tpu.memory_space<vmem>> -> memref<80xi32, #tpu.memory_space<vmem>>
        %dma_wait3A_115 = arith.constant 0 : i32
        %dma_wait3A_116 = arith.constant 0 : i32
        %dma_wait3A_117 = tpu.memref_slice %arg10[%dma_wait3A_115, %dma_wait3A_116] : memref<10240x32xf32, #tpu.memory_space<vmem_shared>> -> memref<10240x32xf32, #tpu.memory_space<vmem_shared>>
        tpu.wait_indirect_dma semaphore(%run_scoped3A : memref<!tpu.dma_semaphore, #tpu.memory_space<semaphore_mem>>) src(%arg15 : memref<80x32xf32, #tpu.memory_space<vmem>>) dst(%dma_wait3A_117 : memref<10240x32xf32, #tpu.memory_space<vmem_shared>>)
        tpu.yield
      }) : () -> ()
      %add3A_91 = arith.constant 1 : i32
      %add3A_92 = arith.addi %mul3A_81, %add3A_91 : i32
      %add3A_93 = arith.constant 2 : i32
      %add3A_94 = arith.addi %mul3A_81, %add3A_93 : i32
      %lt3A_95 = arith.constant 126 : i32
      %lt3A_96 = arith.cmpi slt, %add3A_94, %lt3A_95 : i32
      %convert_element_type3A_97 = arith.extui %lt3A_96 : i1 to i32
      %cond3A_98 = arith.constant 0 : i32
      %cond3A_99 = arith.cmpi ne, %convert_element_type3A_97, %cond3A_98 : i32
      scf.if %cond3A_99 {
        %add3A_106 = arith.constant 1 : i32
        %add3A_107 = arith.addi %add3A_92, %add3A_106 : i32
        %dma_start3A_108 = arith.constant 0 : i32
        %dma_start3A_109 = tpu.memref_slice %arg13[%add3A_107, %dma_start3A_108] : memref<126x80xi32, #tpu.memory_space<vmem>> -> memref<1x80xi32, #tpu.memory_space<vmem>>
        %dma_start3A_110 = tpu.memref_squeeze %dma_start3A_109 : memref<1x80xi32, #tpu.memory_space<vmem>> -> memref<80xi32, #tpu.memory_space<vmem>>
        %dma_start3A_111 = arith.constant 0 : i32
        %dma_start3A_112 = arith.constant 0 : i32
        %dma_start3A_113 = tpu.memref_slice %arg11[%dma_start3A_111, %dma_start3A_112] : memref<10240x32xf32, #tpu.memory_space<vmem_shared>> -> memref<10240x32xf32, #tpu.memory_space<vmem_shared>>
        tpu.enqueue_indirect_dma source(%dma_start3A_113 : memref<10240x32xf32, #tpu.memory_space<vmem_shared>>) target(%arg15 : memref<80x32xf32, #tpu.memory_space<vmem>>) offsets(%dma_start3A_110 : memref<80xi32, #tpu.memory_space<vmem>>) semaphore(%arg18 : memref<!tpu.dma_semaphore, #tpu.memory_space<semaphore_mem>>)
      } else {
      }
      %dma_wait3A_100 = arith.constant 0 : i32
      %dma_wait3A_101 = tpu.memref_slice %arg13[%add3A_92, %dma_wait3A_100] : memref<126x80xi32, #tpu.memory_space<vmem>> -> memref<1x80xi32, #tpu.memory_space<vmem>>
      %dma_wait3A_102 = tpu.memref_squeeze %dma_wait3A_101 : memref<1x80xi32, #tpu.memory_space<vmem>> -> memref<80xi32, #tpu.memory_space<vmem>>
      %dma_wait3A_103 = arith.constant 0 : i32
      %dma_wait3A_104 = arith.constant 0 : i32
      %dma_wait3A_105 = tpu.memref_slice %arg11[%dma_wait3A_103, %dma_wait3A_104] : memref<10240x32xf32, #tpu.memory_space<vmem_shared>> -> memref<10240x32xf32, #tpu.memory_space<vmem_shared>>
      tpu.wait_indirect_dma semaphore(%arg19 : memref<!tpu.dma_semaphore, #tpu.memory_space<semaphore_mem>>) src(%dma_wait3A_105 : memref<10240x32xf32, #tpu.memory_space<vmem_shared>>) dst(%arg16 : memref<80x32xf32, #tpu.memory_space<vmem>>)
      "tpu.region"() ({
        %run_scoped3A = tpu.sem_alloc : memref<!tpu.dma_semaphore, #tpu.memory_space<semaphore_mem>>
        %dma_start3A_106 = arith.constant 0 : i32
        %dma_start3A_107 = tpu.memref_slice %arg14[%add3A_92, %dma_start3A_106] : memref<126x80xi32, #tpu.memory_space<vmem>> -> memref<1x80xi32, #tpu.memory_space<vmem>>
        %dma_start3A_108 = tpu.memref_squeeze %dma_start3A_107 : memref<1x80xi32, #tpu.memory_space<vmem>> -> memref<80xi32, #tpu.memory_space<vmem>>
        %dma_start3A_109 = arith.constant 0 : i32
        %dma_start3A_110 = arith.constant 0 : i32
        %dma_start3A_111 = tpu.memref_slice %arg20[%dma_start3A_109, %dma_start3A_110] : memref<10240x16xf32, #tpu.memory_space<vmem_shared>> -> memref<10240x16xf32, #tpu.memory_space<vmem_shared>>
        tpu.enqueue_indirect_dma source(%arg22 : memref<80x16xf32, #tpu.memory_space<vmem>>) target(%dma_start3A_111 : memref<10240x16xf32, #tpu.memory_space<vmem_shared>>) offsets(%dma_start3A_108 : memref<80xi32, #tpu.memory_space<vmem>>) semaphore(%run_scoped3A : memref<!tpu.dma_semaphore, #tpu.memory_space<semaphore_mem>>) {add = true}
        %dma_wait3A_112 = arith.constant 0 : i32
        %dma_wait3A_113 = tpu.memref_slice %arg14[%add3A_92, %dma_wait3A_112] : memref<126x80xi32, #tpu.memory_space<vmem>> -> memref<1x80xi32, #tpu.memory_space<vmem>>
        %dma_wait3A_114 = tpu.memref_squeeze %dma_wait3A_113 : memref<1x80xi32, #tpu.memory_space<vmem>> -> memref<80xi32, #tpu.memory_space<vmem>>
        %dma_wait3A_115 = arith.constant 0 : i32
        %dma_wait3A_116 = arith.constant 0 : i32
        %dma_wait3A_117 = tpu.memref_slice %arg20[%dma_wait3A_115, %dma_wait3A_116] : memref<10240x16xf32, #tpu.memory_space<vmem_shared>> -> memref<10240x16xf32, #tpu.memory_space<vmem_shared>>
        tpu.wait_indirect_dma semaphore(%run_scoped3A : memref<!tpu.dma_semaphore, #tpu.memory_space<semaphore_mem>>) src(%arg22 : memref<80x16xf32, #tpu.memory_space<vmem>>) dst(%dma_wait3A_117 : memref<10240x16xf32, #tpu.memory_space<vmem_shared>>)
        tpu.yield
      }) : () -> ()
      "tpu.region"() ({
        %run_scoped3A = tpu.sem_alloc : memref<!tpu.dma_semaphore, #tpu.memory_space<semaphore_mem>>
        %dma_start3A_106 = arith.constant 0 : i32
        %dma_start3A_107 = tpu.memref_slice %arg14[%add3A_92, %dma_start3A_106] : memref<126x80xi32, #tpu.memory_space<vmem>> -> memref<1x80xi32, #tpu.memory_space<vmem>>
        %dma_start3A_108 = tpu.memref_squeeze %dma_start3A_107 : memref<1x80xi32, #tpu.memory_space<vmem>> -> memref<80xi32, #tpu.memory_space<vmem>>
        %dma_start3A_109 = arith.constant 0 : i32
        %dma_start3A_110 = arith.constant 0 : i32
        %dma_start3A_111 = tpu.memref_slice %arg10[%dma_start3A_109, %dma_start3A_110] : memref<10240x32xf32, #tpu.memory_space<vmem_shared>> -> memref<10240x32xf32, #tpu.memory_space<vmem_shared>>
        tpu.enqueue_indirect_dma source(%arg16 : memref<80x32xf32, #tpu.memory_space<vmem>>) target(%dma_start3A_111 : memref<10240x32xf32, #tpu.memory_space<vmem_shared>>) offsets(%dma_start3A_108 : memref<80xi32, #tpu.memory_space<vmem>>) semaphore(%run_scoped3A : memref<!tpu.dma_semaphore, #tpu.memory_space<semaphore_mem>>) {add = true}
        %dma_wait3A_112 = arith.constant 0 : i32
        %dma_wait3A_113 = tpu.memref_slice %arg14[%add3A_92, %dma_wait3A_112] : memref<126x80xi32, #tpu.memory_space<vmem>> -> memref<1x80xi32, #tpu.memory_space<vmem>>
        %dma_wait3A_114 = tpu.memref_squeeze %dma_wait3A_113 : memref<1x80xi32, #tpu.memory_space<vmem>> -> memref<80xi32, #tpu.memory_space<vmem>>
        %dma_wait3A_115 = arith.constant 0 : i32
        %dma_wait3A_116 = arith.constant 0 : i32
        %dma_wait3A_117 = tpu.memref_slice %arg10[%dma_wait3A_115, %dma_wait3A_116] : memref<10240x32xf32, #tpu.memory_space<vmem_shared>> -> memref<10240x32xf32, #tpu.memory_space<vmem_shared>>
        tpu.wait_indirect_dma semaphore(%run_scoped3A : memref<!tpu.dma_semaphore, #tpu.memory_space<semaphore_mem>>) src(%arg16 : memref<80x32xf32, #tpu.memory_space<vmem>>) dst(%dma_wait3A_117 : memref<10240x32xf32, #tpu.memory_space<vmem_shared>>)
        tpu.yield
      }) : () -> ()
    }
    %scan3A_45 = arith.constant 63 : i32
    %barrier3A_46 = arith.constant 0 : index
    tpu.barrier barrier_id(%barrier3A_46)
    %add3A_47 = arith.constant 0 : i32
    %add3A_48 = arith.addi %mul3A_2, %add3A_47 : i32
    "tpu.region"() ({
      %run_scoped3A = tpu.sem_alloc : memref<!tpu.dma_semaphore, #tpu.memory_space<semaphore_mem>>
      %dma_start3A_79 = arith.constant 0 : i32
      %dma_start3A_80 = tpu.memref_slice %arg10[%add3A_48, %dma_start3A_79] : memref<10240x32xf32, #tpu.memory_space<vmem_shared>> -> memref<80x32xf32, #tpu.memory_space<vmem_shared>>
      %dma_start3A_81 = arith.constant 0 : i32
      %dma_start3A_82 = tpu.memref_slice %arg10[%add3A_48, %dma_start3A_81] : memref<10240x32xf32, #tpu.memory_space<vmem_shared>> -> memref<80x32xf32, #tpu.memory_space<vmem_shared>>
      tpu.enqueue_dma source(%dma_start3A_82 : memref<80x32xf32, #tpu.memory_space<vmem_shared>>) target(%arg17 : memref<80x32xf32, #tpu.memory_space<vmem>>) target_semaphore(%run_scoped3A : memref<!tpu.dma_semaphore, #tpu.memory_space<semaphore_mem>>)
      %dma_wait3A = arith.constant 0 : i32
      %dma_wait3A_83 = tpu.memref_slice %arg10[%add3A_48, %dma_wait3A] : memref<10240x32xf32, #tpu.memory_space<vmem_shared>> -> memref<80x32xf32, #tpu.memory_space<vmem_shared>>
      %dma_wait3A_84 = arith.constant 0 : i32
      %dma_wait3A_85 = tpu.memref_slice %arg10[%add3A_48, %dma_wait3A_84] : memref<10240x32xf32, #tpu.memory_space<vmem_shared>> -> memref<80x32xf32, #tpu.memory_space<vmem_shared>>
      tpu.wait_dma2 semaphore(%run_scoped3A : memref<!tpu.dma_semaphore, #tpu.memory_space<semaphore_mem>>) src(%dma_wait3A_85 : memref<80x32xf32, #tpu.memory_space<vmem_shared>>) dst(%arg17 : memref<80x32xf32, #tpu.memory_space<vmem>>)
      tpu.yield
    }) : () -> ()
    "tpu.region"() ({
      %run_scoped3A = tpu.sem_alloc : memref<!tpu.dma_semaphore, #tpu.memory_space<semaphore_mem>>
      %dma_start3A_79 = arith.constant 0 : i32
      %dma_start3A_80 = tpu.memref_slice %arg8[%arg0, %add3A_48, %dma_start3A_79] : memref<2x10240x32xf32, #tpu.memory_space<hbm>> -> memref<1x80x32xf32, #tpu.memory_space<hbm>>
      %dma_start3A_81 = tpu.memref_squeeze %dma_start3A_80 : memref<1x80x32xf32, #tpu.memory_space<hbm>> -> memref<80x32xf32, #tpu.memory_space<hbm>>
      %dma_start3A_82 = arith.constant 0 : i32
      %dma_start3A_83 = tpu.memref_slice %arg8[%arg0, %add3A_48, %dma_start3A_82] : memref<2x10240x32xf32, #tpu.memory_space<hbm>> -> memref<1x80x32xf32, #tpu.memory_space<hbm>>
      %dma_start3A_84 = tpu.memref_squeeze %dma_start3A_83 : memref<1x80x32xf32, #tpu.memory_space<hbm>> -> memref<80x32xf32, #tpu.memory_space<hbm>>
      tpu.enqueue_dma source(%arg17 : memref<80x32xf32, #tpu.memory_space<vmem>>) target(%dma_start3A_84 : memref<80x32xf32, #tpu.memory_space<hbm>>) target_semaphore(%run_scoped3A : memref<!tpu.dma_semaphore, #tpu.memory_space<semaphore_mem>>)
      %dma_wait3A = arith.constant 0 : i32
      %dma_wait3A_85 = tpu.memref_slice %arg8[%arg0, %add3A_48, %dma_wait3A] : memref<2x10240x32xf32, #tpu.memory_space<hbm>> -> memref<1x80x32xf32, #tpu.memory_space<hbm>>
      %dma_wait3A_86 = tpu.memref_squeeze %dma_wait3A_85 : memref<1x80x32xf32, #tpu.memory_space<hbm>> -> memref<80x32xf32, #tpu.memory_space<hbm>>
      %dma_wait3A_87 = arith.constant 0 : i32
      %dma_wait3A_88 = tpu.memref_slice %arg8[%arg0, %add3A_48, %dma_wait3A_87] : memref<2x10240x32xf32, #tpu.memory_space<hbm>> -> memref<1x80x32xf32, #tpu.memory_space<hbm>>
      %dma_wait3A_89 = tpu.memref_squeeze %dma_wait3A_88 : memref<1x80x32xf32, #tpu.memory_space<hbm>> -> memref<80x32xf32, #tpu.memory_space<hbm>>
      tpu.wait_dma2 semaphore(%run_scoped3A : memref<!tpu.dma_semaphore, #tpu.memory_space<semaphore_mem>>) src(%arg17 : memref<80x32xf32, #tpu.memory_space<vmem>>) dst(%dma_wait3A_89 : memref<80x32xf32, #tpu.memory_space<hbm>>)
      tpu.yield
    }) : () -> ()
    %add3A_49 = arith.constant 80 : i32
    %add3A_50 = arith.addi %mul3A_2, %add3A_49 : i32
    "tpu.region"() ({
      %run_scoped3A = tpu.sem_alloc : memref<!tpu.dma_semaphore, #tpu.memory_space<semaphore_mem>>
      %dma_start3A_79 = arith.constant 0 : i32
      %dma_start3A_80 = tpu.memref_slice %arg10[%add3A_50, %dma_start3A_79] : memref<10240x32xf32, #tpu.memory_space<vmem_shared>> -> memref<80x32xf32, #tpu.memory_space<vmem_shared>>
      %dma_start3A_81 = arith.constant 0 : i32
      %dma_start3A_82 = tpu.memref_slice %arg10[%add3A_50, %dma_start3A_81] : memref<10240x32xf32, #tpu.memory_space<vmem_shared>> -> memref<80x32xf32, #tpu.memory_space<vmem_shared>>
      tpu.enqueue_dma source(%dma_start3A_82 : memref<80x32xf32, #tpu.memory_space<vmem_shared>>) target(%arg17 : memref<80x32xf32, #tpu.memory_space<vmem>>) target_semaphore(%run_scoped3A : memref<!tpu.dma_semaphore, #tpu.memory_space<semaphore_mem>>)
      %dma_wait3A = arith.constant 0 : i32
      %dma_wait3A_83 = tpu.memref_slice %arg10[%add3A_50, %dma_wait3A] : memref<10240x32xf32, #tpu.memory_space<vmem_shared>> -> memref<80x32xf32, #tpu.memory_space<vmem_shared>>
      %dma_wait3A_84 = arith.constant 0 : i32
      %dma_wait3A_85 = tpu.memref_slice %arg10[%add3A_50, %dma_wait3A_84] : memref<10240x32xf32, #tpu.memory_space<vmem_shared>> -> memref<80x32xf32, #tpu.memory_space<vmem_shared>>
      tpu.wait_dma2 semaphore(%run_scoped3A : memref<!tpu.dma_semaphore, #tpu.memory_space<semaphore_mem>>) src(%dma_wait3A_85 : memref<80x32xf32, #tpu.memory_space<vmem_shared>>) dst(%arg17 : memref<80x32xf32, #tpu.memory_space<vmem>>)
      tpu.yield
    }) : () -> ()
    "tpu.region"() ({
      %run_scoped3A = tpu.sem_alloc : memref<!tpu.dma_semaphore, #tpu.memory_space<semaphore_mem>>
      %dma_start3A_79 = arith.constant 0 : i32
      %dma_start3A_80 = tpu.memref_slice %arg8[%arg0, %add3A_50, %dma_start3A_79] : memref<2x10240x32xf32, #tpu.memory_space<hbm>> -> memref<1x80x32xf32, #tpu.memory_space<hbm>>
      %dma_start3A_81 = tpu.memref_squeeze %dma_start3A_80 : memref<1x80x32xf32, #tpu.memory_space<hbm>> -> memref<80x32xf32, #tpu.memory_space<hbm>>
      %dma_start3A_82 = arith.constant 0 : i32
      %dma_start3A_83 = tpu.memref_slice %arg8[%arg0, %add3A_50, %dma_start3A_82] : memref<2x10240x32xf32, #tpu.memory_space<hbm>> -> memref<1x80x32xf32, #tpu.memory_space<hbm>>
      %dma_start3A_84 = tpu.memref_squeeze %dma_start3A_83 : memref<1x80x32xf32, #tpu.memory_space<hbm>> -> memref<80x32xf32, #tpu.memory_space<hbm>>
      tpu.enqueue_dma source(%arg17 : memref<80x32xf32, #tpu.memory_space<vmem>>) target(%dma_start3A_84 : memref<80x32xf32, #tpu.memory_space<hbm>>) target_semaphore(%run_scoped3A : memref<!tpu.dma_semaphore, #tpu.memory_space<semaphore_mem>>)
      %dma_wait3A = arith.constant 0 : i32
      %dma_wait3A_85 = tpu.memref_slice %arg8[%arg0, %add3A_50, %dma_wait3A] : memref<2x10240x32xf32, #tpu.memory_space<hbm>> -> memref<1x80x32xf32, #tpu.memory_space<hbm>>
      %dma_wait3A_86 = tpu.memref_squeeze %dma_wait3A_85 : memref<1x80x32xf32, #tpu.memory_space<hbm>> -> memref<80x32xf32, #tpu.memory_space<hbm>>
      %dma_wait3A_87 = arith.constant 0 : i32
      %dma_wait3A_88 = tpu.memref_slice %arg8[%arg0, %add3A_50, %dma_wait3A_87] : memref<2x10240x32xf32, #tpu.memory_space<hbm>> -> memref<1x80x32xf32, #tpu.memory_space<hbm>>
      %dma_wait3A_89 = tpu.memref_squeeze %dma_wait3A_88 : memref<1x80x32xf32, #tpu.memory_space<hbm>> -> memref<80x32xf32, #tpu.memory_space<hbm>>
      tpu.wait_dma2 semaphore(%run_scoped3A : memref<!tpu.dma_semaphore, #tpu.memory_space<semaphore_mem>>) src(%arg17 : memref<80x32xf32, #tpu.memory_space<vmem>>) dst(%dma_wait3A_89 : memref<80x32xf32, #tpu.memory_space<hbm>>)
      tpu.yield
    }) : () -> ()
    %add3A_51 = arith.constant 160 : i32
    %add3A_52 = arith.addi %mul3A_2, %add3A_51 : i32
    "tpu.region"() ({
      %run_scoped3A = tpu.sem_alloc : memref<!tpu.dma_semaphore, #tpu.memory_space<semaphore_mem>>
      %dma_start3A_79 = arith.constant 0 : i32
      %dma_start3A_80 = tpu.memref_slice %arg10[%add3A_52, %dma_start3A_79] : memref<10240x32xf32, #tpu.memory_space<vmem_shared>> -> memref<80x32xf32, #tpu.memory_space<vmem_shared>>
      %dma_start3A_81 = arith.constant 0 : i32
      %dma_start3A_82 = tpu.memref_slice %arg10[%add3A_52, %dma_start3A_81] : memref<10240x32xf32, #tpu.memory_space<vmem_shared>> -> memref<80x32xf32, #tpu.memory_space<vmem_shared>>
      tpu.enqueue_dma source(%dma_start3A_82 : memref<80x32xf32, #tpu.memory_space<vmem_shared>>) target(%arg17 : memref<80x32xf32, #tpu.memory_space<vmem>>) target_semaphore(%run_scoped3A : memref<!tpu.dma_semaphore, #tpu.memory_space<semaphore_mem>>)
      %dma_wait3A = arith.constant 0 : i32
      %dma_wait3A_83 = tpu.memref_slice %arg10[%add3A_52, %dma_wait3A] : memref<10240x32xf32, #tpu.memory_space<vmem_shared>> -> memref<80x32xf32, #tpu.memory_space<vmem_shared>>
      %dma_wait3A_84 = arith.constant 0 : i32
      %dma_wait3A_85 = tpu.memref_slice %arg10[%add3A_52, %dma_wait3A_84] : memref<10240x32xf32, #tpu.memory_space<vmem_shared>> -> memref<80x32xf32, #tpu.memory_space<vmem_shared>>
      tpu.wait_dma2 semaphore(%run_scoped3A : memref<!tpu.dma_semaphore, #tpu.memory_space<semaphore_mem>>) src(%dma_wait3A_85 : memref<80x32xf32, #tpu.memory_space<vmem_shared>>) dst(%arg17 : memref<80x32xf32, #tpu.memory_space<vmem>>)
      tpu.yield
    }) : () -> ()
    "tpu.region"() ({
      %run_scoped3A = tpu.sem_alloc : memref<!tpu.dma_semaphore, #tpu.memory_space<semaphore_mem>>
      %dma_start3A_79 = arith.constant 0 : i32
      %dma_start3A_80 = tpu.memref_slice %arg8[%arg0, %add3A_52, %dma_start3A_79] : memref<2x10240x32xf32, #tpu.memory_space<hbm>> -> memref<1x80x32xf32, #tpu.memory_space<hbm>>
      %dma_start3A_81 = tpu.memref_squeeze %dma_start3A_80 : memref<1x80x32xf32, #tpu.memory_space<hbm>> -> memref<80x32xf32, #tpu.memory_space<hbm>>
      %dma_start3A_82 = arith.constant 0 : i32
      %dma_start3A_83 = tpu.memref_slice %arg8[%arg0, %add3A_52, %dma_start3A_82] : memref<2x10240x32xf32, #tpu.memory_space<hbm>> -> memref<1x80x32xf32, #tpu.memory_space<hbm>>
      %dma_start3A_84 = tpu.memref_squeeze %dma_start3A_83 : memref<1x80x32xf32, #tpu.memory_space<hbm>> -> memref<80x32xf32, #tpu.memory_space<hbm>>
      tpu.enqueue_dma source(%arg17 : memref<80x32xf32, #tpu.memory_space<vmem>>) target(%dma_start3A_84 : memref<80x32xf32, #tpu.memory_space<hbm>>) target_semaphore(%run_scoped3A : memref<!tpu.dma_semaphore, #tpu.memory_space<semaphore_mem>>)
      %dma_wait3A = arith.constant 0 : i32
      %dma_wait3A_85 = tpu.memref_slice %arg8[%arg0, %add3A_52, %dma_wait3A] : memref<2x10240x32xf32, #tpu.memory_space<hbm>> -> memref<1x80x32xf32, #tpu.memory_space<hbm>>
      %dma_wait3A_86 = tpu.memref_squeeze %dma_wait3A_85 : memref<1x80x32xf32, #tpu.memory_space<hbm>> -> memref<80x32xf32, #tpu.memory_space<hbm>>
      %dma_wait3A_87 = arith.constant 0 : i32
      %dma_wait3A_88 = tpu.memref_slice %arg8[%arg0, %add3A_52, %dma_wait3A_87] : memref<2x10240x32xf32, #tpu.memory_space<hbm>> -> memref<1x80x32xf32, #tpu.memory_space<hbm>>
      %dma_wait3A_89 = tpu.memref_squeeze %dma_wait3A_88 : memref<1x80x32xf32, #tpu.memory_space<hbm>> -> memref<80x32xf32, #tpu.memory_space<hbm>>
      tpu.wait_dma2 semaphore(%run_scoped3A : memref<!tpu.dma_semaphore, #tpu.memory_space<semaphore_mem>>) src(%arg17 : memref<80x32xf32, #tpu.memory_space<vmem>>) dst(%dma_wait3A_89 : memref<80x32xf32, #tpu.memory_space<hbm>>)
      tpu.yield
    }) : () -> ()
    %add3A_53 = arith.constant 240 : i32
    %add3A_54 = arith.addi %mul3A_2, %add3A_53 : i32
    "tpu.region"() ({
      %run_scoped3A = tpu.sem_alloc : memref<!tpu.dma_semaphore, #tpu.memory_space<semaphore_mem>>
      %dma_start3A_79 = arith.constant 0 : i32
      %dma_start3A_80 = tpu.memref_slice %arg10[%add3A_54, %dma_start3A_79] : memref<10240x32xf32, #tpu.memory_space<vmem_shared>> -> memref<80x32xf32, #tpu.memory_space<vmem_shared>>
      %dma_start3A_81 = arith.constant 0 : i32
      %dma_start3A_82 = tpu.memref_slice %arg10[%add3A_54, %dma_start3A_81] : memref<10240x32xf32, #tpu.memory_space<vmem_shared>> -> memref<80x32xf32, #tpu.memory_space<vmem_shared>>
      tpu.enqueue_dma source(%dma_start3A_82 : memref<80x32xf32, #tpu.memory_space<vmem_shared>>) target(%arg17 : memref<80x32xf32, #tpu.memory_space<vmem>>) target_semaphore(%run_scoped3A : memref<!tpu.dma_semaphore, #tpu.memory_space<semaphore_mem>>)
      %dma_wait3A = arith.constant 0 : i32
      %dma_wait3A_83 = tpu.memref_slice %arg10[%add3A_54, %dma_wait3A] : memref<10240x32xf32, #tpu.memory_space<vmem_shared>> -> memref<80x32xf32, #tpu.memory_space<vmem_shared>>
      %dma_wait3A_84 = arith.constant 0 : i32
      %dma_wait3A_85 = tpu.memref_slice %arg10[%add3A_54, %dma_wait3A_84] : memref<10240x32xf32, #tpu.memory_space<vmem_shared>> -> memref<80x32xf32, #tpu.memory_space<vmem_shared>>
      tpu.wait_dma2 semaphore(%run_scoped3A : memref<!tpu.dma_semaphore, #tpu.memory_space<semaphore_mem>>) src(%dma_wait3A_85 : memref<80x32xf32, #tpu.memory_space<vmem_shared>>) dst(%arg17 : memref<80x32xf32, #tpu.memory_space<vmem>>)
      tpu.yield
    }) : () -> ()
    "tpu.region"() ({
      %run_scoped3A = tpu.sem_alloc : memref<!tpu.dma_semaphore, #tpu.memory_space<semaphore_mem>>
      %dma_start3A_79 = arith.constant 0 : i32
      %dma_start3A_80 = tpu.memref_slice %arg8[%arg0, %add3A_54, %dma_start3A_79] : memref<2x10240x32xf32, #tpu.memory_space<hbm>> -> memref<1x80x32xf32, #tpu.memory_space<hbm>>
      %dma_start3A_81 = tpu.memref_squeeze %dma_start3A_80 : memref<1x80x32xf32, #tpu.memory_space<hbm>> -> memref<80x32xf32, #tpu.memory_space<hbm>>
      %dma_start3A_82 = arith.constant 0 : i32
      %dma_start3A_83 = tpu.memref_slice %arg8[%arg0, %add3A_54, %dma_start3A_82] : memref<2x10240x32xf32, #tpu.memory_space<hbm>> -> memref<1x80x32xf32, #tpu.memory_space<hbm>>
      %dma_start3A_84 = tpu.memref_squeeze %dma_start3A_83 : memref<1x80x32xf32, #tpu.memory_space<hbm>> -> memref<80x32xf32, #tpu.memory_space<hbm>>
      tpu.enqueue_dma source(%arg17 : memref<80x32xf32, #tpu.memory_space<vmem>>) target(%dma_start3A_84 : memref<80x32xf32, #tpu.memory_space<hbm>>) target_semaphore(%run_scoped3A : memref<!tpu.dma_semaphore, #tpu.memory_space<semaphore_mem>>)
      %dma_wait3A = arith.constant 0 : i32
      %dma_wait3A_85 = tpu.memref_slice %arg8[%arg0, %add3A_54, %dma_wait3A] : memref<2x10240x32xf32, #tpu.memory_space<hbm>> -> memref<1x80x32xf32, #tpu.memory_space<hbm>>
      %dma_wait3A_86 = tpu.memref_squeeze %dma_wait3A_85 : memref<1x80x32xf32, #tpu.memory_space<hbm>> -> memref<80x32xf32, #tpu.memory_space<hbm>>
      %dma_wait3A_87 = arith.constant 0 : i32
      %dma_wait3A_88 = tpu.memref_slice %arg8[%arg0, %add3A_54, %dma_wait3A_87] : memref<2x10240x32xf32, #tpu.memory_space<hbm>> -> memref<1x80x32xf32, #tpu.memory_space<hbm>>
      %dma_wait3A_89 = tpu.memref_squeeze %dma_wait3A_88 : memref<1x80x32xf32, #tpu.memory_space<hbm>> -> memref<80x32xf32, #tpu.memory_space<hbm>>
      tpu.wait_dma2 semaphore(%run_scoped3A : memref<!tpu.dma_semaphore, #tpu.memory_space<semaphore_mem>>) src(%arg17 : memref<80x32xf32, #tpu.memory_space<vmem>>) dst(%dma_wait3A_89 : memref<80x32xf32, #tpu.memory_space<hbm>>)
      tpu.yield
    }) : () -> ()
    %add3A_55 = arith.constant 320 : i32
    %add3A_56 = arith.addi %mul3A_2, %add3A_55 : i32
    "tpu.region"() ({
      %run_scoped3A = tpu.sem_alloc : memref<!tpu.dma_semaphore, #tpu.memory_space<semaphore_mem>>
      %dma_start3A_79 = arith.constant 0 : i32
      %dma_start3A_80 = tpu.memref_slice %arg10[%add3A_56, %dma_start3A_79] : memref<10240x32xf32, #tpu.memory_space<vmem_shared>> -> memref<80x32xf32, #tpu.memory_space<vmem_shared>>
      %dma_start3A_81 = arith.constant 0 : i32
      %dma_start3A_82 = tpu.memref_slice %arg10[%add3A_56, %dma_start3A_81] : memref<10240x32xf32, #tpu.memory_space<vmem_shared>> -> memref<80x32xf32, #tpu.memory_space<vmem_shared>>
      tpu.enqueue_dma source(%dma_start3A_82 : memref<80x32xf32, #tpu.memory_space<vmem_shared>>) target(%arg17 : memref<80x32xf32, #tpu.memory_space<vmem>>) target_semaphore(%run_scoped3A : memref<!tpu.dma_semaphore, #tpu.memory_space<semaphore_mem>>)
      %dma_wait3A = arith.constant 0 : i32
      %dma_wait3A_83 = tpu.memref_slice %arg10[%add3A_56, %dma_wait3A] : memref<10240x32xf32, #tpu.memory_space<vmem_shared>> -> memref<80x32xf32, #tpu.memory_space<vmem_shared>>
      %dma_wait3A_84 = arith.constant 0 : i32
      %dma_wait3A_85 = tpu.memref_slice %arg10[%add3A_56, %dma_wait3A_84] : memref<10240x32xf32, #tpu.memory_space<vmem_shared>> -> memref<80x32xf32, #tpu.memory_space<vmem_shared>>
      tpu.wait_dma2 semaphore(%run_scoped3A : memref<!tpu.dma_semaphore, #tpu.memory_space<semaphore_mem>>) src(%dma_wait3A_85 : memref<80x32xf32, #tpu.memory_space<vmem_shared>>) dst(%arg17 : memref<80x32xf32, #tpu.memory_space<vmem>>)
      tpu.yield
    }) : () -> ()
    "tpu.region"() ({
      %run_scoped3A = tpu.sem_alloc : memref<!tpu.dma_semaphore, #tpu.memory_space<semaphore_mem>>
      %dma_start3A_79 = arith.constant 0 : i32
      %dma_start3A_80 = tpu.memref_slice %arg8[%arg0, %add3A_56, %dma_start3A_79] : memref<2x10240x32xf32, #tpu.memory_space<hbm>> -> memref<1x80x32xf32, #tpu.memory_space<hbm>>
      %dma_start3A_81 = tpu.memref_squeeze %dma_start3A_80 : memref<1x80x32xf32, #tpu.memory_space<hbm>> -> memref<80x32xf32, #tpu.memory_space<hbm>>
      %dma_start3A_82 = arith.constant 0 : i32
      %dma_start3A_83 = tpu.memref_slice %arg8[%arg0, %add3A_56, %dma_start3A_82] : memref<2x10240x32xf32, #tpu.memory_space<hbm>> -> memref<1x80x32xf32, #tpu.memory_space<hbm>>
      %dma_start3A_84 = tpu.memref_squeeze %dma_start3A_83 : memref<1x80x32xf32, #tpu.memory_space<hbm>> -> memref<80x32xf32, #tpu.memory_space<hbm>>
      tpu.enqueue_dma source(%arg17 : memref<80x32xf32, #tpu.memory_space<vmem>>) target(%dma_start3A_84 : memref<80x32xf32, #tpu.memory_space<hbm>>) target_semaphore(%run_scoped3A : memref<!tpu.dma_semaphore, #tpu.memory_space<semaphore_mem>>)
      %dma_wait3A = arith.constant 0 : i32
      %dma_wait3A_85 = tpu.memref_slice %arg8[%arg0, %add3A_56, %dma_wait3A] : memref<2x10240x32xf32, #tpu.memory_space<hbm>> -> memref<1x80x32xf32, #tpu.memory_space<hbm>>
      %dma_wait3A_86 = tpu.memref_squeeze %dma_wait3A_85 : memref<1x80x32xf32, #tpu.memory_space<hbm>> -> memref<80x32xf32, #tpu.memory_space<hbm>>
      %dma_wait3A_87 = arith.constant 0 : i32
      %dma_wait3A_88 = tpu.memref_slice %arg8[%arg0, %add3A_56, %dma_wait3A_87] : memref<2x10240x32xf32, #tpu.memory_space<hbm>> -> memref<1x80x32xf32, #tpu.memory_space<hbm>>
      %dma_wait3A_89 = tpu.memref_squeeze %dma_wait3A_88 : memref<1x80x32xf32, #tpu.memory_space<hbm>> -> memref<80x32xf32, #tpu.memory_space<hbm>>
      tpu.wait_dma2 semaphore(%run_scoped3A : memref<!tpu.dma_semaphore, #tpu.memory_space<semaphore_mem>>) src(%arg17 : memref<80x32xf32, #tpu.memory_space<vmem>>) dst(%dma_wait3A_89 : memref<80x32xf32, #tpu.memory_space<hbm>>)
      tpu.yield
    }) : () -> ()
    %add3A_57 = arith.constant 400 : i32
    %add3A_58 = arith.addi %mul3A_2, %add3A_57 : i32
    "tpu.region"() ({
      %run_scoped3A = tpu.sem_alloc : memref<!tpu.dma_semaphore, #tpu.memory_space<semaphore_mem>>
      %dma_start3A_79 = arith.constant 0 : i32
      %dma_start3A_80 = tpu.memref_slice %arg10[%add3A_58, %dma_start3A_79] : memref<10240x32xf32, #tpu.memory_space<vmem_shared>> -> memref<80x32xf32, #tpu.memory_space<vmem_shared>>
      %dma_start3A_81 = arith.constant 0 : i32
      %dma_start3A_82 = tpu.memref_slice %arg10[%add3A_58, %dma_start3A_81] : memref<10240x32xf32, #tpu.memory_space<vmem_shared>> -> memref<80x32xf32, #tpu.memory_space<vmem_shared>>
      tpu.enqueue_dma source(%dma_start3A_82 : memref<80x32xf32, #tpu.memory_space<vmem_shared>>) target(%arg17 : memref<80x32xf32, #tpu.memory_space<vmem>>) target_semaphore(%run_scoped3A : memref<!tpu.dma_semaphore, #tpu.memory_space<semaphore_mem>>)
      %dma_wait3A = arith.constant 0 : i32
      %dma_wait3A_83 = tpu.memref_slice %arg10[%add3A_58, %dma_wait3A] : memref<10240x32xf32, #tpu.memory_space<vmem_shared>> -> memref<80x32xf32, #tpu.memory_space<vmem_shared>>
      %dma_wait3A_84 = arith.constant 0 : i32
      %dma_wait3A_85 = tpu.memref_slice %arg10[%add3A_58, %dma_wait3A_84] : memref<10240x32xf32, #tpu.memory_space<vmem_shared>> -> memref<80x32xf32, #tpu.memory_space<vmem_shared>>
      tpu.wait_dma2 semaphore(%run_scoped3A : memref<!tpu.dma_semaphore, #tpu.memory_space<semaphore_mem>>) src(%dma_wait3A_85 : memref<80x32xf32, #tpu.memory_space<vmem_shared>>) dst(%arg17 : memref<80x32xf32, #tpu.memory_space<vmem>>)
      tpu.yield
    }) : () -> ()
    "tpu.region"() ({
      %run_scoped3A = tpu.sem_alloc : memref<!tpu.dma_semaphore, #tpu.memory_space<semaphore_mem>>
      %dma_start3A_79 = arith.constant 0 : i32
      %dma_start3A_80 = tpu.memref_slice %arg8[%arg0, %add3A_58, %dma_start3A_79] : memref<2x10240x32xf32, #tpu.memory_space<hbm>> -> memref<1x80x32xf32, #tpu.memory_space<hbm>>
      %dma_start3A_81 = tpu.memref_squeeze %dma_start3A_80 : memref<1x80x32xf32, #tpu.memory_space<hbm>> -> memref<80x32xf32, #tpu.memory_space<hbm>>
      %dma_start3A_82 = arith.constant 0 : i32
      %dma_start3A_83 = tpu.memref_slice %arg8[%arg0, %add3A_58, %dma_start3A_82] : memref<2x10240x32xf32, #tpu.memory_space<hbm>> -> memref<1x80x32xf32, #tpu.memory_space<hbm>>
      %dma_start3A_84 = tpu.memref_squeeze %dma_start3A_83 : memref<1x80x32xf32, #tpu.memory_space<hbm>> -> memref<80x32xf32, #tpu.memory_space<hbm>>
      tpu.enqueue_dma source(%arg17 : memref<80x32xf32, #tpu.memory_space<vmem>>) target(%dma_start3A_84 : memref<80x32xf32, #tpu.memory_space<hbm>>) target_semaphore(%run_scoped3A : memref<!tpu.dma_semaphore, #tpu.memory_space<semaphore_mem>>)
      %dma_wait3A = arith.constant 0 : i32
      %dma_wait3A_85 = tpu.memref_slice %arg8[%arg0, %add3A_58, %dma_wait3A] : memref<2x10240x32xf32, #tpu.memory_space<hbm>> -> memref<1x80x32xf32, #tpu.memory_space<hbm>>
      %dma_wait3A_86 = tpu.memref_squeeze %dma_wait3A_85 : memref<1x80x32xf32, #tpu.memory_space<hbm>> -> memref<80x32xf32, #tpu.memory_space<hbm>>
      %dma_wait3A_87 = arith.constant 0 : i32
      %dma_wait3A_88 = tpu.memref_slice %arg8[%arg0, %add3A_58, %dma_wait3A_87] : memref<2x10240x32xf32, #tpu.memory_space<hbm>> -> memref<1x80x32xf32, #tpu.memory_space<hbm>>
      %dma_wait3A_89 = tpu.memref_squeeze %dma_wait3A_88 : memref<1x80x32xf32, #tpu.memory_space<hbm>> -> memref<80x32xf32, #tpu.memory_space<hbm>>
      tpu.wait_dma2 semaphore(%run_scoped3A : memref<!tpu.dma_semaphore, #tpu.memory_space<semaphore_mem>>) src(%arg17 : memref<80x32xf32, #tpu.memory_space<vmem>>) dst(%dma_wait3A_89 : memref<80x32xf32, #tpu.memory_space<hbm>>)
      tpu.yield
    }) : () -> ()
    %add3A_59 = arith.constant 480 : i32
    %add3A_60 = arith.addi %mul3A_2, %add3A_59 : i32
    "tpu.region"() ({
      %run_scoped3A = tpu.sem_alloc : memref<!tpu.dma_semaphore, #tpu.memory_space<semaphore_mem>>
      %dma_start3A_79 = arith.constant 0 : i32
      %dma_start3A_80 = tpu.memref_slice %arg10[%add3A_60, %dma_start3A_79] : memref<10240x32xf32, #tpu.memory_space<vmem_shared>> -> memref<80x32xf32, #tpu.memory_space<vmem_shared>>
      %dma_start3A_81 = arith.constant 0 : i32
      %dma_start3A_82 = tpu.memref_slice %arg10[%add3A_60, %dma_start3A_81] : memref<10240x32xf32, #tpu.memory_space<vmem_shared>> -> memref<80x32xf32, #tpu.memory_space<vmem_shared>>
      tpu.enqueue_dma source(%dma_start3A_82 : memref<80x32xf32, #tpu.memory_space<vmem_shared>>) target(%arg17 : memref<80x32xf32, #tpu.memory_space<vmem>>) target_semaphore(%run_scoped3A : memref<!tpu.dma_semaphore, #tpu.memory_space<semaphore_mem>>)
      %dma_wait3A = arith.constant 0 : i32
      %dma_wait3A_83 = tpu.memref_slice %arg10[%add3A_60, %dma_wait3A] : memref<10240x32xf32, #tpu.memory_space<vmem_shared>> -> memref<80x32xf32, #tpu.memory_space<vmem_shared>>
      %dma_wait3A_84 = arith.constant 0 : i32
      %dma_wait3A_85 = tpu.memref_slice %arg10[%add3A_60, %dma_wait3A_84] : memref<10240x32xf32, #tpu.memory_space<vmem_shared>> -> memref<80x32xf32, #tpu.memory_space<vmem_shared>>
      tpu.wait_dma2 semaphore(%run_scoped3A : memref<!tpu.dma_semaphore, #tpu.memory_space<semaphore_mem>>) src(%dma_wait3A_85 : memref<80x32xf32, #tpu.memory_space<vmem_shared>>) dst(%arg17 : memref<80x32xf32, #tpu.memory_space<vmem>>)
      tpu.yield
    }) : () -> ()
    "tpu.region"() ({
      %run_scoped3A = tpu.sem_alloc : memref<!tpu.dma_semaphore, #tpu.memory_space<semaphore_mem>>
      %dma_start3A_79 = arith.constant 0 : i32
      %dma_start3A_80 = tpu.memref_slice %arg8[%arg0, %add3A_60, %dma_start3A_79] : memref<2x10240x32xf32, #tpu.memory_space<hbm>> -> memref<1x80x32xf32, #tpu.memory_space<hbm>>
      %dma_start3A_81 = tpu.memref_squeeze %dma_start3A_80 : memref<1x80x32xf32, #tpu.memory_space<hbm>> -> memref<80x32xf32, #tpu.memory_space<hbm>>
      %dma_start3A_82 = arith.constant 0 : i32
      %dma_start3A_83 = tpu.memref_slice %arg8[%arg0, %add3A_60, %dma_start3A_82] : memref<2x10240x32xf32, #tpu.memory_space<hbm>> -> memref<1x80x32xf32, #tpu.memory_space<hbm>>
      %dma_start3A_84 = tpu.memref_squeeze %dma_start3A_83 : memref<1x80x32xf32, #tpu.memory_space<hbm>> -> memref<80x32xf32, #tpu.memory_space<hbm>>
      tpu.enqueue_dma source(%arg17 : memref<80x32xf32, #tpu.memory_space<vmem>>) target(%dma_start3A_84 : memref<80x32xf32, #tpu.memory_space<hbm>>) target_semaphore(%run_scoped3A : memref<!tpu.dma_semaphore, #tpu.memory_space<semaphore_mem>>)
      %dma_wait3A = arith.constant 0 : i32
      %dma_wait3A_85 = tpu.memref_slice %arg8[%arg0, %add3A_60, %dma_wait3A] : memref<2x10240x32xf32, #tpu.memory_space<hbm>> -> memref<1x80x32xf32, #tpu.memory_space<hbm>>
      %dma_wait3A_86 = tpu.memref_squeeze %dma_wait3A_85 : memref<1x80x32xf32, #tpu.memory_space<hbm>> -> memref<80x32xf32, #tpu.memory_space<hbm>>
      %dma_wait3A_87 = arith.constant 0 : i32
      %dma_wait3A_88 = tpu.memref_slice %arg8[%arg0, %add3A_60, %dma_wait3A_87] : memref<2x10240x32xf32, #tpu.memory_space<hbm>> -> memref<1x80x32xf32, #tpu.memory_space<hbm>>
      %dma_wait3A_89 = tpu.memref_squeeze %dma_wait3A_88 : memref<1x80x32xf32, #tpu.memory_space<hbm>> -> memref<80x32xf32, #tpu.memory_space<hbm>>
      tpu.wait_dma2 semaphore(%run_scoped3A : memref<!tpu.dma_semaphore, #tpu.memory_space<semaphore_mem>>) src(%arg17 : memref<80x32xf32, #tpu.memory_space<vmem>>) dst(%dma_wait3A_89 : memref<80x32xf32, #tpu.memory_space<hbm>>)
      tpu.yield
    }) : () -> ()
    %add3A_61 = arith.constant 560 : i32
    %add3A_62 = arith.addi %mul3A_2, %add3A_61 : i32
    "tpu.region"() ({
      %run_scoped3A = tpu.sem_alloc : memref<!tpu.dma_semaphore, #tpu.memory_space<semaphore_mem>>
      %dma_start3A_79 = arith.constant 0 : i32
      %dma_start3A_80 = tpu.memref_slice %arg10[%add3A_62, %dma_start3A_79] : memref<10240x32xf32, #tpu.memory_space<vmem_shared>> -> memref<80x32xf32, #tpu.memory_space<vmem_shared>>
      %dma_start3A_81 = arith.constant 0 : i32
      %dma_start3A_82 = tpu.memref_slice %arg10[%add3A_62, %dma_start3A_81] : memref<10240x32xf32, #tpu.memory_space<vmem_shared>> -> memref<80x32xf32, #tpu.memory_space<vmem_shared>>
      tpu.enqueue_dma source(%dma_start3A_82 : memref<80x32xf32, #tpu.memory_space<vmem_shared>>) target(%arg17 : memref<80x32xf32, #tpu.memory_space<vmem>>) target_semaphore(%run_scoped3A : memref<!tpu.dma_semaphore, #tpu.memory_space<semaphore_mem>>)
      %dma_wait3A = arith.constant 0 : i32
      %dma_wait3A_83 = tpu.memref_slice %arg10[%add3A_62, %dma_wait3A] : memref<10240x32xf32, #tpu.memory_space<vmem_shared>> -> memref<80x32xf32, #tpu.memory_space<vmem_shared>>
      %dma_wait3A_84 = arith.constant 0 : i32
      %dma_wait3A_85 = tpu.memref_slice %arg10[%add3A_62, %dma_wait3A_84] : memref<10240x32xf32, #tpu.memory_space<vmem_shared>> -> memref<80x32xf32, #tpu.memory_space<vmem_shared>>
      tpu.wait_dma2 semaphore(%run_scoped3A : memref<!tpu.dma_semaphore, #tpu.memory_space<semaphore_mem>>) src(%dma_wait3A_85 : memref<80x32xf32, #tpu.memory_space<vmem_shared>>) dst(%arg17 : memref<80x32xf32, #tpu.memory_space<vmem>>)
      tpu.yield
    }) : () -> ()
    "tpu.region"() ({
      %run_scoped3A = tpu.sem_alloc : memref<!tpu.dma_semaphore, #tpu.memory_space<semaphore_mem>>
      %dma_start3A_79 = arith.constant 0 : i32
      %dma_start3A_80 = tpu.memref_slice %arg8[%arg0, %add3A_62, %dma_start3A_79] : memref<2x10240x32xf32, #tpu.memory_space<hbm>> -> memref<1x80x32xf32, #tpu.memory_space<hbm>>
      %dma_start3A_81 = tpu.memref_squeeze %dma_start3A_80 : memref<1x80x32xf32, #tpu.memory_space<hbm>> -> memref<80x32xf32, #tpu.memory_space<hbm>>
      %dma_start3A_82 = arith.constant 0 : i32
      %dma_start3A_83 = tpu.memref_slice %arg8[%arg0, %add3A_62, %dma_start3A_82] : memref<2x10240x32xf32, #tpu.memory_space<hbm>> -> memref<1x80x32xf32, #tpu.memory_space<hbm>>
      %dma_start3A_84 = tpu.memref_squeeze %dma_start3A_83 : memref<1x80x32xf32, #tpu.memory_space<hbm>> -> memref<80x32xf32, #tpu.memory_space<hbm>>
      tpu.enqueue_dma source(%arg17 : memref<80x32xf32, #tpu.memory_space<vmem>>) target(%dma_start3A_84 : memref<80x32xf32, #tpu.memory_space<hbm>>) target_semaphore(%run_scoped3A : memref<!tpu.dma_semaphore, #tpu.memory_space<semaphore_mem>>)
      %dma_wait3A = arith.constant 0 : i32
      %dma_wait3A_85 = tpu.memref_slice %arg8[%arg0, %add3A_62, %dma_wait3A] : memref<2x10240x32xf32, #tpu.memory_space<hbm>> -> memref<1x80x32xf32, #tpu.memory_space<hbm>>
      %dma_wait3A_86 = tpu.memref_squeeze %dma_wait3A_85 : memref<1x80x32xf32, #tpu.memory_space<hbm>> -> memref<80x32xf32, #tpu.memory_space<hbm>>
      %dma_wait3A_87 = arith.constant 0 : i32
      %dma_wait3A_88 = tpu.memref_slice %arg8[%arg0, %add3A_62, %dma_wait3A_87] : memref<2x10240x32xf32, #tpu.memory_space<hbm>> -> memref<1x80x32xf32, #tpu.memory_space<hbm>>
      %dma_wait3A_89 = tpu.memref_squeeze %dma_wait3A_88 : memref<1x80x32xf32, #tpu.memory_space<hbm>> -> memref<80x32xf32, #tpu.memory_space<hbm>>
      tpu.wait_dma2 semaphore(%run_scoped3A : memref<!tpu.dma_semaphore, #tpu.memory_space<semaphore_mem>>) src(%arg17 : memref<80x32xf32, #tpu.memory_space<vmem>>) dst(%dma_wait3A_89 : memref<80x32xf32, #tpu.memory_space<hbm>>)
      tpu.yield
    }) : () -> ()
    %add3A_63 = arith.constant 0 : i32
    %add3A_64 = arith.addi %mul3A_2, %add3A_63 : i32
    "tpu.region"() ({
      %run_scoped3A = tpu.sem_alloc : memref<!tpu.dma_semaphore, #tpu.memory_space<semaphore_mem>>
      %dma_start3A_79 = arith.constant 0 : i32
      %dma_start3A_80 = tpu.memref_slice %arg20[%add3A_64, %dma_start3A_79] : memref<10240x16xf32, #tpu.memory_space<vmem_shared>> -> memref<80x16xf32, #tpu.memory_space<vmem_shared>>
      %dma_start3A_81 = arith.constant 0 : i32
      %dma_start3A_82 = tpu.memref_slice %arg20[%add3A_64, %dma_start3A_81] : memref<10240x16xf32, #tpu.memory_space<vmem_shared>> -> memref<80x16xf32, #tpu.memory_space<vmem_shared>>
      tpu.enqueue_dma source(%dma_start3A_82 : memref<80x16xf32, #tpu.memory_space<vmem_shared>>) target(%arg21 : memref<80x16xf32, #tpu.memory_space<vmem>>) target_semaphore(%run_scoped3A : memref<!tpu.dma_semaphore, #tpu.memory_space<semaphore_mem>>)
      %dma_wait3A = arith.constant 0 : i32
      %dma_wait3A_83 = tpu.memref_slice %arg20[%add3A_64, %dma_wait3A] : memref<10240x16xf32, #tpu.memory_space<vmem_shared>> -> memref<80x16xf32, #tpu.memory_space<vmem_shared>>
      %dma_wait3A_84 = arith.constant 0 : i32
      %dma_wait3A_85 = tpu.memref_slice %arg20[%add3A_64, %dma_wait3A_84] : memref<10240x16xf32, #tpu.memory_space<vmem_shared>> -> memref<80x16xf32, #tpu.memory_space<vmem_shared>>
      tpu.wait_dma2 semaphore(%run_scoped3A : memref<!tpu.dma_semaphore, #tpu.memory_space<semaphore_mem>>) src(%dma_wait3A_85 : memref<80x16xf32, #tpu.memory_space<vmem_shared>>) dst(%arg21 : memref<80x16xf32, #tpu.memory_space<vmem>>)
      tpu.yield
    }) : () -> ()
    "tpu.region"() ({
      %run_scoped3A = tpu.sem_alloc : memref<!tpu.dma_semaphore, #tpu.memory_space<semaphore_mem>>
      %dma_start3A_79 = arith.constant 0 : i32
      %dma_start3A_80 = tpu.memref_slice %arg9[%arg0, %add3A_64, %dma_start3A_79] : memref<2x10240x16xf32, #tpu.memory_space<hbm>> -> memref<1x80x16xf32, #tpu.memory_space<hbm>>
      %dma_start3A_81 = tpu.memref_squeeze %dma_start3A_80 : memref<1x80x16xf32, #tpu.memory_space<hbm>> -> memref<80x16xf32, #tpu.memory_space<hbm>>
      %dma_start3A_82 = arith.constant 0 : i32
      %dma_start3A_83 = tpu.memref_slice %arg9[%arg0, %add3A_64, %dma_start3A_82] : memref<2x10240x16xf32, #tpu.memory_space<hbm>> -> memref<1x80x16xf32, #tpu.memory_space<hbm>>
      %dma_start3A_84 = tpu.memref_squeeze %dma_start3A_83 : memref<1x80x16xf32, #tpu.memory_space<hbm>> -> memref<80x16xf32, #tpu.memory_space<hbm>>
      tpu.enqueue_dma source(%arg21 : memref<80x16xf32, #tpu.memory_space<vmem>>) target(%dma_start3A_84 : memref<80x16xf32, #tpu.memory_space<hbm>>) target_semaphore(%run_scoped3A : memref<!tpu.dma_semaphore, #tpu.memory_space<semaphore_mem>>)
      %dma_wait3A = arith.constant 0 : i32
      %dma_wait3A_85 = tpu.memref_slice %arg9[%arg0, %add3A_64, %dma_wait3A] : memref<2x10240x16xf32, #tpu.memory_space<hbm>> -> memref<1x80x16xf32, #tpu.memory_space<hbm>>
      %dma_wait3A_86 = tpu.memref_squeeze %dma_wait3A_85 : memref<1x80x16xf32, #tpu.memory_space<hbm>> -> memref<80x16xf32, #tpu.memory_space<hbm>>
      %dma_wait3A_87 = arith.constant 0 : i32
      %dma_wait3A_88 = tpu.memref_slice %arg9[%arg0, %add3A_64, %dma_wait3A_87] : memref<2x10240x16xf32, #tpu.memory_space<hbm>> -> memref<1x80x16xf32, #tpu.memory_space<hbm>>
      %dma_wait3A_89 = tpu.memref_squeeze %dma_wait3A_88 : memref<1x80x16xf32, #tpu.memory_space<hbm>> -> memref<80x16xf32, #tpu.memory_space<hbm>>
      tpu.wait_dma2 semaphore(%run_scoped3A : memref<!tpu.dma_semaphore, #tpu.memory_space<semaphore_mem>>) src(%arg21 : memref<80x16xf32, #tpu.memory_space<vmem>>) dst(%dma_wait3A_89 : memref<80x16xf32, #tpu.memory_space<hbm>>)
      tpu.yield
    }) : () -> ()
    %add3A_65 = arith.constant 80 : i32
    %add3A_66 = arith.addi %mul3A_2, %add3A_65 : i32
    "tpu.region"() ({
      %run_scoped3A = tpu.sem_alloc : memref<!tpu.dma_semaphore, #tpu.memory_space<semaphore_mem>>
      %dma_start3A_79 = arith.constant 0 : i32
      %dma_start3A_80 = tpu.memref_slice %arg20[%add3A_66, %dma_start3A_79] : memref<10240x16xf32, #tpu.memory_space<vmem_shared>> -> memref<80x16xf32, #tpu.memory_space<vmem_shared>>
      %dma_start3A_81 = arith.constant 0 : i32
      %dma_start3A_82 = tpu.memref_slice %arg20[%add3A_66, %dma_start3A_81] : memref<10240x16xf32, #tpu.memory_space<vmem_shared>> -> memref<80x16xf32, #tpu.memory_space<vmem_shared>>
      tpu.enqueue_dma source(%dma_start3A_82 : memref<80x16xf32, #tpu.memory_space<vmem_shared>>) target(%arg21 : memref<80x16xf32, #tpu.memory_space<vmem>>) target_semaphore(%run_scoped3A : memref<!tpu.dma_semaphore, #tpu.memory_space<semaphore_mem>>)
      %dma_wait3A = arith.constant 0 : i32
      %dma_wait3A_83 = tpu.memref_slice %arg20[%add3A_66, %dma_wait3A] : memref<10240x16xf32, #tpu.memory_space<vmem_shared>> -> memref<80x16xf32, #tpu.memory_space<vmem_shared>>
      %dma_wait3A_84 = arith.constant 0 : i32
      %dma_wait3A_85 = tpu.memref_slice %arg20[%add3A_66, %dma_wait3A_84] : memref<10240x16xf32, #tpu.memory_space<vmem_shared>> -> memref<80x16xf32, #tpu.memory_space<vmem_shared>>
      tpu.wait_dma2 semaphore(%run_scoped3A : memref<!tpu.dma_semaphore, #tpu.memory_space<semaphore_mem>>) src(%dma_wait3A_85 : memref<80x16xf32, #tpu.memory_space<vmem_shared>>) dst(%arg21 : memref<80x16xf32, #tpu.memory_space<vmem>>)
      tpu.yield
    }) : () -> ()
    "tpu.region"() ({
      %run_scoped3A = tpu.sem_alloc : memref<!tpu.dma_semaphore, #tpu.memory_space<semaphore_mem>>
      %dma_start3A_79 = arith.constant 0 : i32
      %dma_start3A_80 = tpu.memref_slice %arg9[%arg0, %add3A_66, %dma_start3A_79] : memref<2x10240x16xf32, #tpu.memory_space<hbm>> -> memref<1x80x16xf32, #tpu.memory_space<hbm>>
      %dma_start3A_81 = tpu.memref_squeeze %dma_start3A_80 : memref<1x80x16xf32, #tpu.memory_space<hbm>> -> memref<80x16xf32, #tpu.memory_space<hbm>>
      %dma_start3A_82 = arith.constant 0 : i32
      %dma_start3A_83 = tpu.memref_slice %arg9[%arg0, %add3A_66, %dma_start3A_82] : memref<2x10240x16xf32, #tpu.memory_space<hbm>> -> memref<1x80x16xf32, #tpu.memory_space<hbm>>
      %dma_start3A_84 = tpu.memref_squeeze %dma_start3A_83 : memref<1x80x16xf32, #tpu.memory_space<hbm>> -> memref<80x16xf32, #tpu.memory_space<hbm>>
      tpu.enqueue_dma source(%arg21 : memref<80x16xf32, #tpu.memory_space<vmem>>) target(%dma_start3A_84 : memref<80x16xf32, #tpu.memory_space<hbm>>) target_semaphore(%run_scoped3A : memref<!tpu.dma_semaphore, #tpu.memory_space<semaphore_mem>>)
      %dma_wait3A = arith.constant 0 : i32
      %dma_wait3A_85 = tpu.memref_slice %arg9[%arg0, %add3A_66, %dma_wait3A] : memref<2x10240x16xf32, #tpu.memory_space<hbm>> -> memref<1x80x16xf32, #tpu.memory_space<hbm>>
      %dma_wait3A_86 = tpu.memref_squeeze %dma_wait3A_85 : memref<1x80x16xf32, #tpu.memory_space<hbm>> -> memref<80x16xf32, #tpu.memory_space<hbm>>
      %dma_wait3A_87 = arith.constant 0 : i32
      %dma_wait3A_88 = tpu.memref_slice %arg9[%arg0, %add3A_66, %dma_wait3A_87] : memref<2x10240x16xf32, #tpu.memory_space<hbm>> -> memref<1x80x16xf32, #tpu.memory_space<hbm>>
      %dma_wait3A_89 = tpu.memref_squeeze %dma_wait3A_88 : memref<1x80x16xf32, #tpu.memory_space<hbm>> -> memref<80x16xf32, #tpu.memory_space<hbm>>
      tpu.wait_dma2 semaphore(%run_scoped3A : memref<!tpu.dma_semaphore, #tpu.memory_space<semaphore_mem>>) src(%arg21 : memref<80x16xf32, #tpu.memory_space<vmem>>) dst(%dma_wait3A_89 : memref<80x16xf32, #tpu.memory_space<hbm>>)
      tpu.yield
    }) : () -> ()
    %add3A_67 = arith.constant 160 : i32
    %add3A_68 = arith.addi %mul3A_2, %add3A_67 : i32
    "tpu.region"() ({
      %run_scoped3A = tpu.sem_alloc : memref<!tpu.dma_semaphore, #tpu.memory_space<semaphore_mem>>
      %dma_start3A_79 = arith.constant 0 : i32
      %dma_start3A_80 = tpu.memref_slice %arg20[%add3A_68, %dma_start3A_79] : memref<10240x16xf32, #tpu.memory_space<vmem_shared>> -> memref<80x16xf32, #tpu.memory_space<vmem_shared>>
      %dma_start3A_81 = arith.constant 0 : i32
      %dma_start3A_82 = tpu.memref_slice %arg20[%add3A_68, %dma_start3A_81] : memref<10240x16xf32, #tpu.memory_space<vmem_shared>> -> memref<80x16xf32, #tpu.memory_space<vmem_shared>>
      tpu.enqueue_dma source(%dma_start3A_82 : memref<80x16xf32, #tpu.memory_space<vmem_shared>>) target(%arg21 : memref<80x16xf32, #tpu.memory_space<vmem>>) target_semaphore(%run_scoped3A : memref<!tpu.dma_semaphore, #tpu.memory_space<semaphore_mem>>)
      %dma_wait3A = arith.constant 0 : i32
      %dma_wait3A_83 = tpu.memref_slice %arg20[%add3A_68, %dma_wait3A] : memref<10240x16xf32, #tpu.memory_space<vmem_shared>> -> memref<80x16xf32, #tpu.memory_space<vmem_shared>>
      %dma_wait3A_84 = arith.constant 0 : i32
      %dma_wait3A_85 = tpu.memref_slice %arg20[%add3A_68, %dma_wait3A_84] : memref<10240x16xf32, #tpu.memory_space<vmem_shared>> -> memref<80x16xf32, #tpu.memory_space<vmem_shared>>
      tpu.wait_dma2 semaphore(%run_scoped3A : memref<!tpu.dma_semaphore, #tpu.memory_space<semaphore_mem>>) src(%dma_wait3A_85 : memref<80x16xf32, #tpu.memory_space<vmem_shared>>) dst(%arg21 : memref<80x16xf32, #tpu.memory_space<vmem>>)
      tpu.yield
    }) : () -> ()
    "tpu.region"() ({
      %run_scoped3A = tpu.sem_alloc : memref<!tpu.dma_semaphore, #tpu.memory_space<semaphore_mem>>
      %dma_start3A_79 = arith.constant 0 : i32
      %dma_start3A_80 = tpu.memref_slice %arg9[%arg0, %add3A_68, %dma_start3A_79] : memref<2x10240x16xf32, #tpu.memory_space<hbm>> -> memref<1x80x16xf32, #tpu.memory_space<hbm>>
      %dma_start3A_81 = tpu.memref_squeeze %dma_start3A_80 : memref<1x80x16xf32, #tpu.memory_space<hbm>> -> memref<80x16xf32, #tpu.memory_space<hbm>>
      %dma_start3A_82 = arith.constant 0 : i32
      %dma_start3A_83 = tpu.memref_slice %arg9[%arg0, %add3A_68, %dma_start3A_82] : memref<2x10240x16xf32, #tpu.memory_space<hbm>> -> memref<1x80x16xf32, #tpu.memory_space<hbm>>
      %dma_start3A_84 = tpu.memref_squeeze %dma_start3A_83 : memref<1x80x16xf32, #tpu.memory_space<hbm>> -> memref<80x16xf32, #tpu.memory_space<hbm>>
      tpu.enqueue_dma source(%arg21 : memref<80x16xf32, #tpu.memory_space<vmem>>) target(%dma_start3A_84 : memref<80x16xf32, #tpu.memory_space<hbm>>) target_semaphore(%run_scoped3A : memref<!tpu.dma_semaphore, #tpu.memory_space<semaphore_mem>>)
      %dma_wait3A = arith.constant 0 : i32
      %dma_wait3A_85 = tpu.memref_slice %arg9[%arg0, %add3A_68, %dma_wait3A] : memref<2x10240x16xf32, #tpu.memory_space<hbm>> -> memref<1x80x16xf32, #tpu.memory_space<hbm>>
      %dma_wait3A_86 = tpu.memref_squeeze %dma_wait3A_85 : memref<1x80x16xf32, #tpu.memory_space<hbm>> -> memref<80x16xf32, #tpu.memory_space<hbm>>
      %dma_wait3A_87 = arith.constant 0 : i32
      %dma_wait3A_88 = tpu.memref_slice %arg9[%arg0, %add3A_68, %dma_wait3A_87] : memref<2x10240x16xf32, #tpu.memory_space<hbm>> -> memref<1x80x16xf32, #tpu.memory_space<hbm>>
      %dma_wait3A_89 = tpu.memref_squeeze %dma_wait3A_88 : memref<1x80x16xf32, #tpu.memory_space<hbm>> -> memref<80x16xf32, #tpu.memory_space<hbm>>
      tpu.wait_dma2 semaphore(%run_scoped3A : memref<!tpu.dma_semaphore, #tpu.memory_space<semaphore_mem>>) src(%arg21 : memref<80x16xf32, #tpu.memory_space<vmem>>) dst(%dma_wait3A_89 : memref<80x16xf32, #tpu.memory_space<hbm>>)
      tpu.yield
    }) : () -> ()
    %add3A_69 = arith.constant 240 : i32
    %add3A_70 = arith.addi %mul3A_2, %add3A_69 : i32
    "tpu.region"() ({
      %run_scoped3A = tpu.sem_alloc : memref<!tpu.dma_semaphore, #tpu.memory_space<semaphore_mem>>
      %dma_start3A_79 = arith.constant 0 : i32
      %dma_start3A_80 = tpu.memref_slice %arg20[%add3A_70, %dma_start3A_79] : memref<10240x16xf32, #tpu.memory_space<vmem_shared>> -> memref<80x16xf32, #tpu.memory_space<vmem_shared>>
      %dma_start3A_81 = arith.constant 0 : i32
      %dma_start3A_82 = tpu.memref_slice %arg20[%add3A_70, %dma_start3A_81] : memref<10240x16xf32, #tpu.memory_space<vmem_shared>> -> memref<80x16xf32, #tpu.memory_space<vmem_shared>>
      tpu.enqueue_dma source(%dma_start3A_82 : memref<80x16xf32, #tpu.memory_space<vmem_shared>>) target(%arg21 : memref<80x16xf32, #tpu.memory_space<vmem>>) target_semaphore(%run_scoped3A : memref<!tpu.dma_semaphore, #tpu.memory_space<semaphore_mem>>)
      %dma_wait3A = arith.constant 0 : i32
      %dma_wait3A_83 = tpu.memref_slice %arg20[%add3A_70, %dma_wait3A] : memref<10240x16xf32, #tpu.memory_space<vmem_shared>> -> memref<80x16xf32, #tpu.memory_space<vmem_shared>>
      %dma_wait3A_84 = arith.constant 0 : i32
      %dma_wait3A_85 = tpu.memref_slice %arg20[%add3A_70, %dma_wait3A_84] : memref<10240x16xf32, #tpu.memory_space<vmem_shared>> -> memref<80x16xf32, #tpu.memory_space<vmem_shared>>
      tpu.wait_dma2 semaphore(%run_scoped3A : memref<!tpu.dma_semaphore, #tpu.memory_space<semaphore_mem>>) src(%dma_wait3A_85 : memref<80x16xf32, #tpu.memory_space<vmem_shared>>) dst(%arg21 : memref<80x16xf32, #tpu.memory_space<vmem>>)
      tpu.yield
    }) : () -> ()
    "tpu.region"() ({
      %run_scoped3A = tpu.sem_alloc : memref<!tpu.dma_semaphore, #tpu.memory_space<semaphore_mem>>
      %dma_start3A_79 = arith.constant 0 : i32
      %dma_start3A_80 = tpu.memref_slice %arg9[%arg0, %add3A_70, %dma_start3A_79] : memref<2x10240x16xf32, #tpu.memory_space<hbm>> -> memref<1x80x16xf32, #tpu.memory_space<hbm>>
      %dma_start3A_81 = tpu.memref_squeeze %dma_start3A_80 : memref<1x80x16xf32, #tpu.memory_space<hbm>> -> memref<80x16xf32, #tpu.memory_space<hbm>>
      %dma_start3A_82 = arith.constant 0 : i32
      %dma_start3A_83 = tpu.memref_slice %arg9[%arg0, %add3A_70, %dma_start3A_82] : memref<2x10240x16xf32, #tpu.memory_space<hbm>> -> memref<1x80x16xf32, #tpu.memory_space<hbm>>
      %dma_start3A_84 = tpu.memref_squeeze %dma_start3A_83 : memref<1x80x16xf32, #tpu.memory_space<hbm>> -> memref<80x16xf32, #tpu.memory_space<hbm>>
      tpu.enqueue_dma source(%arg21 : memref<80x16xf32, #tpu.memory_space<vmem>>) target(%dma_start3A_84 : memref<80x16xf32, #tpu.memory_space<hbm>>) target_semaphore(%run_scoped3A : memref<!tpu.dma_semaphore, #tpu.memory_space<semaphore_mem>>)
      %dma_wait3A = arith.constant 0 : i32
      %dma_wait3A_85 = tpu.memref_slice %arg9[%arg0, %add3A_70, %dma_wait3A] : memref<2x10240x16xf32, #tpu.memory_space<hbm>> -> memref<1x80x16xf32, #tpu.memory_space<hbm>>
      %dma_wait3A_86 = tpu.memref_squeeze %dma_wait3A_85 : memref<1x80x16xf32, #tpu.memory_space<hbm>> -> memref<80x16xf32, #tpu.memory_space<hbm>>
      %dma_wait3A_87 = arith.constant 0 : i32
      %dma_wait3A_88 = tpu.memref_slice %arg9[%arg0, %add3A_70, %dma_wait3A_87] : memref<2x10240x16xf32, #tpu.memory_space<hbm>> -> memref<1x80x16xf32, #tpu.memory_space<hbm>>
      %dma_wait3A_89 = tpu.memref_squeeze %dma_wait3A_88 : memref<1x80x16xf32, #tpu.memory_space<hbm>> -> memref<80x16xf32, #tpu.memory_space<hbm>>
      tpu.wait_dma2 semaphore(%run_scoped3A : memref<!tpu.dma_semaphore, #tpu.memory_space<semaphore_mem>>) src(%arg21 : memref<80x16xf32, #tpu.memory_space<vmem>>) dst(%dma_wait3A_89 : memref<80x16xf32, #tpu.memory_space<hbm>>)
      tpu.yield
    }) : () -> ()
    %add3A_71 = arith.constant 320 : i32
    %add3A_72 = arith.addi %mul3A_2, %add3A_71 : i32
    "tpu.region"() ({
      %run_scoped3A = tpu.sem_alloc : memref<!tpu.dma_semaphore, #tpu.memory_space<semaphore_mem>>
      %dma_start3A_79 = arith.constant 0 : i32
      %dma_start3A_80 = tpu.memref_slice %arg20[%add3A_72, %dma_start3A_79] : memref<10240x16xf32, #tpu.memory_space<vmem_shared>> -> memref<80x16xf32, #tpu.memory_space<vmem_shared>>
      %dma_start3A_81 = arith.constant 0 : i32
      %dma_start3A_82 = tpu.memref_slice %arg20[%add3A_72, %dma_start3A_81] : memref<10240x16xf32, #tpu.memory_space<vmem_shared>> -> memref<80x16xf32, #tpu.memory_space<vmem_shared>>
      tpu.enqueue_dma source(%dma_start3A_82 : memref<80x16xf32, #tpu.memory_space<vmem_shared>>) target(%arg21 : memref<80x16xf32, #tpu.memory_space<vmem>>) target_semaphore(%run_scoped3A : memref<!tpu.dma_semaphore, #tpu.memory_space<semaphore_mem>>)
      %dma_wait3A = arith.constant 0 : i32
      %dma_wait3A_83 = tpu.memref_slice %arg20[%add3A_72, %dma_wait3A] : memref<10240x16xf32, #tpu.memory_space<vmem_shared>> -> memref<80x16xf32, #tpu.memory_space<vmem_shared>>
      %dma_wait3A_84 = arith.constant 0 : i32
      %dma_wait3A_85 = tpu.memref_slice %arg20[%add3A_72, %dma_wait3A_84] : memref<10240x16xf32, #tpu.memory_space<vmem_shared>> -> memref<80x16xf32, #tpu.memory_space<vmem_shared>>
      tpu.wait_dma2 semaphore(%run_scoped3A : memref<!tpu.dma_semaphore, #tpu.memory_space<semaphore_mem>>) src(%dma_wait3A_85 : memref<80x16xf32, #tpu.memory_space<vmem_shared>>) dst(%arg21 : memref<80x16xf32, #tpu.memory_space<vmem>>)
      tpu.yield
    }) : () -> ()
    "tpu.region"() ({
      %run_scoped3A = tpu.sem_alloc : memref<!tpu.dma_semaphore, #tpu.memory_space<semaphore_mem>>
      %dma_start3A_79 = arith.constant 0 : i32
      %dma_start3A_80 = tpu.memref_slice %arg9[%arg0, %add3A_72, %dma_start3A_79] : memref<2x10240x16xf32, #tpu.memory_space<hbm>> -> memref<1x80x16xf32, #tpu.memory_space<hbm>>
      %dma_start3A_81 = tpu.memref_squeeze %dma_start3A_80 : memref<1x80x16xf32, #tpu.memory_space<hbm>> -> memref<80x16xf32, #tpu.memory_space<hbm>>
      %dma_start3A_82 = arith.constant 0 : i32
      %dma_start3A_83 = tpu.memref_slice %arg9[%arg0, %add3A_72, %dma_start3A_82] : memref<2x10240x16xf32, #tpu.memory_space<hbm>> -> memref<1x80x16xf32, #tpu.memory_space<hbm>>
      %dma_start3A_84 = tpu.memref_squeeze %dma_start3A_83 : memref<1x80x16xf32, #tpu.memory_space<hbm>> -> memref<80x16xf32, #tpu.memory_space<hbm>>
      tpu.enqueue_dma source(%arg21 : memref<80x16xf32, #tpu.memory_space<vmem>>) target(%dma_start3A_84 : memref<80x16xf32, #tpu.memory_space<hbm>>) target_semaphore(%run_scoped3A : memref<!tpu.dma_semaphore, #tpu.memory_space<semaphore_mem>>)
      %dma_wait3A = arith.constant 0 : i32
      %dma_wait3A_85 = tpu.memref_slice %arg9[%arg0, %add3A_72, %dma_wait3A] : memref<2x10240x16xf32, #tpu.memory_space<hbm>> -> memref<1x80x16xf32, #tpu.memory_space<hbm>>
      %dma_wait3A_86 = tpu.memref_squeeze %dma_wait3A_85 : memref<1x80x16xf32, #tpu.memory_space<hbm>> -> memref<80x16xf32, #tpu.memory_space<hbm>>
      %dma_wait3A_87 = arith.constant 0 : i32
      %dma_wait3A_88 = tpu.memref_slice %arg9[%arg0, %add3A_72, %dma_wait3A_87] : memref<2x10240x16xf32, #tpu.memory_space<hbm>> -> memref<1x80x16xf32, #tpu.memory_space<hbm>>
      %dma_wait3A_89 = tpu.memref_squeeze %dma_wait3A_88 : memref<1x80x16xf32, #tpu.memory_space<hbm>> -> memref<80x16xf32, #tpu.memory_space<hbm>>
      tpu.wait_dma2 semaphore(%run_scoped3A : memref<!tpu.dma_semaphore, #tpu.memory_space<semaphore_mem>>) src(%arg21 : memref<80x16xf32, #tpu.memory_space<vmem>>) dst(%dma_wait3A_89 : memref<80x16xf32, #tpu.memory_space<hbm>>)
      tpu.yield
    }) : () -> ()
    %add3A_73 = arith.constant 400 : i32
    %add3A_74 = arith.addi %mul3A_2, %add3A_73 : i32
    "tpu.region"() ({
      %run_scoped3A = tpu.sem_alloc : memref<!tpu.dma_semaphore, #tpu.memory_space<semaphore_mem>>
      %dma_start3A_79 = arith.constant 0 : i32
      %dma_start3A_80 = tpu.memref_slice %arg20[%add3A_74, %dma_start3A_79] : memref<10240x16xf32, #tpu.memory_space<vmem_shared>> -> memref<80x16xf32, #tpu.memory_space<vmem_shared>>
      %dma_start3A_81 = arith.constant 0 : i32
      %dma_start3A_82 = tpu.memref_slice %arg20[%add3A_74, %dma_start3A_81] : memref<10240x16xf32, #tpu.memory_space<vmem_shared>> -> memref<80x16xf32, #tpu.memory_space<vmem_shared>>
      tpu.enqueue_dma source(%dma_start3A_82 : memref<80x16xf32, #tpu.memory_space<vmem_shared>>) target(%arg21 : memref<80x16xf32, #tpu.memory_space<vmem>>) target_semaphore(%run_scoped3A : memref<!tpu.dma_semaphore, #tpu.memory_space<semaphore_mem>>)
      %dma_wait3A = arith.constant 0 : i32
      %dma_wait3A_83 = tpu.memref_slice %arg20[%add3A_74, %dma_wait3A] : memref<10240x16xf32, #tpu.memory_space<vmem_shared>> -> memref<80x16xf32, #tpu.memory_space<vmem_shared>>
      %dma_wait3A_84 = arith.constant 0 : i32
      %dma_wait3A_85 = tpu.memref_slice %arg20[%add3A_74, %dma_wait3A_84] : memref<10240x16xf32, #tpu.memory_space<vmem_shared>> -> memref<80x16xf32, #tpu.memory_space<vmem_shared>>
      tpu.wait_dma2 semaphore(%run_scoped3A : memref<!tpu.dma_semaphore, #tpu.memory_space<semaphore_mem>>) src(%dma_wait3A_85 : memref<80x16xf32, #tpu.memory_space<vmem_shared>>) dst(%arg21 : memref<80x16xf32, #tpu.memory_space<vmem>>)
      tpu.yield
    }) : () -> ()
    "tpu.region"() ({
      %run_scoped3A = tpu.sem_alloc : memref<!tpu.dma_semaphore, #tpu.memory_space<semaphore_mem>>
      %dma_start3A_79 = arith.constant 0 : i32
      %dma_start3A_80 = tpu.memref_slice %arg9[%arg0, %add3A_74, %dma_start3A_79] : memref<2x10240x16xf32, #tpu.memory_space<hbm>> -> memref<1x80x16xf32, #tpu.memory_space<hbm>>
      %dma_start3A_81 = tpu.memref_squeeze %dma_start3A_80 : memref<1x80x16xf32, #tpu.memory_space<hbm>> -> memref<80x16xf32, #tpu.memory_space<hbm>>
      %dma_start3A_82 = arith.constant 0 : i32
      %dma_start3A_83 = tpu.memref_slice %arg9[%arg0, %add3A_74, %dma_start3A_82] : memref<2x10240x16xf32, #tpu.memory_space<hbm>> -> memref<1x80x16xf32, #tpu.memory_space<hbm>>
      %dma_start3A_84 = tpu.memref_squeeze %dma_start3A_83 : memref<1x80x16xf32, #tpu.memory_space<hbm>> -> memref<80x16xf32, #tpu.memory_space<hbm>>
      tpu.enqueue_dma source(%arg21 : memref<80x16xf32, #tpu.memory_space<vmem>>) target(%dma_start3A_84 : memref<80x16xf32, #tpu.memory_space<hbm>>) target_semaphore(%run_scoped3A : memref<!tpu.dma_semaphore, #tpu.memory_space<semaphore_mem>>)
      %dma_wait3A = arith.constant 0 : i32
      %dma_wait3A_85 = tpu.memref_slice %arg9[%arg0, %add3A_74, %dma_wait3A] : memref<2x10240x16xf32, #tpu.memory_space<hbm>> -> memref<1x80x16xf32, #tpu.memory_space<hbm>>
      %dma_wait3A_86 = tpu.memref_squeeze %dma_wait3A_85 : memref<1x80x16xf32, #tpu.memory_space<hbm>> -> memref<80x16xf32, #tpu.memory_space<hbm>>
      %dma_wait3A_87 = arith.constant 0 : i32
      %dma_wait3A_88 = tpu.memref_slice %arg9[%arg0, %add3A_74, %dma_wait3A_87] : memref<2x10240x16xf32, #tpu.memory_space<hbm>> -> memref<1x80x16xf32, #tpu.memory_space<hbm>>
      %dma_wait3A_89 = tpu.memref_squeeze %dma_wait3A_88 : memref<1x80x16xf32, #tpu.memory_space<hbm>> -> memref<80x16xf32, #tpu.memory_space<hbm>>
      tpu.wait_dma2 semaphore(%run_scoped3A : memref<!tpu.dma_semaphore, #tpu.memory_space<semaphore_mem>>) src(%arg21 : memref<80x16xf32, #tpu.memory_space<vmem>>) dst(%dma_wait3A_89 : memref<80x16xf32, #tpu.memory_space<hbm>>)
      tpu.yield
    }) : () -> ()
    %add3A_75 = arith.constant 480 : i32
    %add3A_76 = arith.addi %mul3A_2, %add3A_75 : i32
    "tpu.region"() ({
      %run_scoped3A = tpu.sem_alloc : memref<!tpu.dma_semaphore, #tpu.memory_space<semaphore_mem>>
      %dma_start3A_79 = arith.constant 0 : i32
      %dma_start3A_80 = tpu.memref_slice %arg20[%add3A_76, %dma_start3A_79] : memref<10240x16xf32, #tpu.memory_space<vmem_shared>> -> memref<80x16xf32, #tpu.memory_space<vmem_shared>>
      %dma_start3A_81 = arith.constant 0 : i32
      %dma_start3A_82 = tpu.memref_slice %arg20[%add3A_76, %dma_start3A_81] : memref<10240x16xf32, #tpu.memory_space<vmem_shared>> -> memref<80x16xf32, #tpu.memory_space<vmem_shared>>
      tpu.enqueue_dma source(%dma_start3A_82 : memref<80x16xf32, #tpu.memory_space<vmem_shared>>) target(%arg21 : memref<80x16xf32, #tpu.memory_space<vmem>>) target_semaphore(%run_scoped3A : memref<!tpu.dma_semaphore, #tpu.memory_space<semaphore_mem>>)
      %dma_wait3A = arith.constant 0 : i32
      %dma_wait3A_83 = tpu.memref_slice %arg20[%add3A_76, %dma_wait3A] : memref<10240x16xf32, #tpu.memory_space<vmem_shared>> -> memref<80x16xf32, #tpu.memory_space<vmem_shared>>
      %dma_wait3A_84 = arith.constant 0 : i32
      %dma_wait3A_85 = tpu.memref_slice %arg20[%add3A_76, %dma_wait3A_84] : memref<10240x16xf32, #tpu.memory_space<vmem_shared>> -> memref<80x16xf32, #tpu.memory_space<vmem_shared>>
      tpu.wait_dma2 semaphore(%run_scoped3A : memref<!tpu.dma_semaphore, #tpu.memory_space<semaphore_mem>>) src(%dma_wait3A_85 : memref<80x16xf32, #tpu.memory_space<vmem_shared>>) dst(%arg21 : memref<80x16xf32, #tpu.memory_space<vmem>>)
      tpu.yield
    }) : () -> ()
    "tpu.region"() ({
      %run_scoped3A = tpu.sem_alloc : memref<!tpu.dma_semaphore, #tpu.memory_space<semaphore_mem>>
      %dma_start3A_79 = arith.constant 0 : i32
      %dma_start3A_80 = tpu.memref_slice %arg9[%arg0, %add3A_76, %dma_start3A_79] : memref<2x10240x16xf32, #tpu.memory_space<hbm>> -> memref<1x80x16xf32, #tpu.memory_space<hbm>>
      %dma_start3A_81 = tpu.memref_squeeze %dma_start3A_80 : memref<1x80x16xf32, #tpu.memory_space<hbm>> -> memref<80x16xf32, #tpu.memory_space<hbm>>
      %dma_start3A_82 = arith.constant 0 : i32
      %dma_start3A_83 = tpu.memref_slice %arg9[%arg0, %add3A_76, %dma_start3A_82] : memref<2x10240x16xf32, #tpu.memory_space<hbm>> -> memref<1x80x16xf32, #tpu.memory_space<hbm>>
      %dma_start3A_84 = tpu.memref_squeeze %dma_start3A_83 : memref<1x80x16xf32, #tpu.memory_space<hbm>> -> memref<80x16xf32, #tpu.memory_space<hbm>>
      tpu.enqueue_dma source(%arg21 : memref<80x16xf32, #tpu.memory_space<vmem>>) target(%dma_start3A_84 : memref<80x16xf32, #tpu.memory_space<hbm>>) target_semaphore(%run_scoped3A : memref<!tpu.dma_semaphore, #tpu.memory_space<semaphore_mem>>)
      %dma_wait3A = arith.constant 0 : i32
      %dma_wait3A_85 = tpu.memref_slice %arg9[%arg0, %add3A_76, %dma_wait3A] : memref<2x10240x16xf32, #tpu.memory_space<hbm>> -> memref<1x80x16xf32, #tpu.memory_space<hbm>>
      %dma_wait3A_86 = tpu.memref_squeeze %dma_wait3A_85 : memref<1x80x16xf32, #tpu.memory_space<hbm>> -> memref<80x16xf32, #tpu.memory_space<hbm>>
      %dma_wait3A_87 = arith.constant 0 : i32
      %dma_wait3A_88 = tpu.memref_slice %arg9[%arg0, %add3A_76, %dma_wait3A_87] : memref<2x10240x16xf32, #tpu.memory_space<hbm>> -> memref<1x80x16xf32, #tpu.memory_space<hbm>>
      %dma_wait3A_89 = tpu.memref_squeeze %dma_wait3A_88 : memref<1x80x16xf32, #tpu.memory_space<hbm>> -> memref<80x16xf32, #tpu.memory_space<hbm>>
      tpu.wait_dma2 semaphore(%run_scoped3A : memref<!tpu.dma_semaphore, #tpu.memory_space<semaphore_mem>>) src(%arg21 : memref<80x16xf32, #tpu.memory_space<vmem>>) dst(%dma_wait3A_89 : memref<80x16xf32, #tpu.memory_space<hbm>>)
      tpu.yield
    }) : () -> ()
    %add3A_77 = arith.constant 560 : i32
    %add3A_78 = arith.addi %mul3A_2, %add3A_77 : i32
    "tpu.region"() ({
      %run_scoped3A = tpu.sem_alloc : memref<!tpu.dma_semaphore, #tpu.memory_space<semaphore_mem>>
      %dma_start3A_79 = arith.constant 0 : i32
      %dma_start3A_80 = tpu.memref_slice %arg20[%add3A_78, %dma_start3A_79] : memref<10240x16xf32, #tpu.memory_space<vmem_shared>> -> memref<80x16xf32, #tpu.memory_space<vmem_shared>>
      %dma_start3A_81 = arith.constant 0 : i32
      %dma_start3A_82 = tpu.memref_slice %arg20[%add3A_78, %dma_start3A_81] : memref<10240x16xf32, #tpu.memory_space<vmem_shared>> -> memref<80x16xf32, #tpu.memory_space<vmem_shared>>
      tpu.enqueue_dma source(%dma_start3A_82 : memref<80x16xf32, #tpu.memory_space<vmem_shared>>) target(%arg21 : memref<80x16xf32, #tpu.memory_space<vmem>>) target_semaphore(%run_scoped3A : memref<!tpu.dma_semaphore, #tpu.memory_space<semaphore_mem>>)
      %dma_wait3A = arith.constant 0 : i32
      %dma_wait3A_83 = tpu.memref_slice %arg20[%add3A_78, %dma_wait3A] : memref<10240x16xf32, #tpu.memory_space<vmem_shared>> -> memref<80x16xf32, #tpu.memory_space<vmem_shared>>
      %dma_wait3A_84 = arith.constant 0 : i32
      %dma_wait3A_85 = tpu.memref_slice %arg20[%add3A_78, %dma_wait3A_84] : memref<10240x16xf32, #tpu.memory_space<vmem_shared>> -> memref<80x16xf32, #tpu.memory_space<vmem_shared>>
      tpu.wait_dma2 semaphore(%run_scoped3A : memref<!tpu.dma_semaphore, #tpu.memory_space<semaphore_mem>>) src(%dma_wait3A_85 : memref<80x16xf32, #tpu.memory_space<vmem_shared>>) dst(%arg21 : memref<80x16xf32, #tpu.memory_space<vmem>>)
      tpu.yield
    }) : () -> ()
    "tpu.region"() ({
      %run_scoped3A = tpu.sem_alloc : memref<!tpu.dma_semaphore, #tpu.memory_space<semaphore_mem>>
      %dma_start3A_79 = arith.constant 0 : i32
      %dma_start3A_80 = tpu.memref_slice %arg9[%arg0, %add3A_78, %dma_start3A_79] : memref<2x10240x16xf32, #tpu.memory_space<hbm>> -> memref<1x80x16xf32, #tpu.memory_space<hbm>>
      %dma_start3A_81 = tpu.memref_squeeze %dma_start3A_80 : memref<1x80x16xf32, #tpu.memory_space<hbm>> -> memref<80x16xf32, #tpu.memory_space<hbm>>
      %dma_start3A_82 = arith.constant 0 : i32
      %dma_start3A_83 = tpu.memref_slice %arg9[%arg0, %add3A_78, %dma_start3A_82] : memref<2x10240x16xf32, #tpu.memory_space<hbm>> -> memref<1x80x16xf32, #tpu.memory_space<hbm>>
      %dma_start3A_84 = tpu.memref_squeeze %dma_start3A_83 : memref<1x80x16xf32, #tpu.memory_space<hbm>> -> memref<80x16xf32, #tpu.memory_space<hbm>>
      tpu.enqueue_dma source(%arg21 : memref<80x16xf32, #tpu.memory_space<vmem>>) target(%dma_start3A_84 : memref<80x16xf32, #tpu.memory_space<hbm>>) target_semaphore(%run_scoped3A : memref<!tpu.dma_semaphore, #tpu.memory_space<semaphore_mem>>)
      %dma_wait3A = arith.constant 0 : i32
      %dma_wait3A_85 = tpu.memref_slice %arg9[%arg0, %add3A_78, %dma_wait3A] : memref<2x10240x16xf32, #tpu.memory_space<hbm>> -> memref<1x80x16xf32, #tpu.memory_space<hbm>>
      %dma_wait3A_86 = tpu.memref_squeeze %dma_wait3A_85 : memref<1x80x16xf32, #tpu.memory_space<hbm>> -> memref<80x16xf32, #tpu.memory_space<hbm>>
      %dma_wait3A_87 = arith.constant 0 : i32
      %dma_wait3A_88 = tpu.memref_slice %arg9[%arg0, %add3A_78, %dma_wait3A_87] : memref<2x10240x16xf32, #tpu.memory_space<hbm>> -> memref<1x80x16xf32, #tpu.memory_space<hbm>>
      %dma_wait3A_89 = tpu.memref_squeeze %dma_wait3A_88 : memref<1x80x16xf32, #tpu.memory_space<hbm>> -> memref<80x16xf32, #tpu.memory_space<hbm>>
      tpu.wait_dma2 semaphore(%run_scoped3A : memref<!tpu.dma_semaphore, #tpu.memory_space<semaphore_mem>>) src(%arg21 : memref<80x16xf32, #tpu.memory_space<vmem>>) dst(%dma_wait3A_89 : memref<80x16xf32, #tpu.memory_space<hbm>>)
      tpu.yield
    }) : () -> ()
    return
  }
}

#map = affine_map<(d0, d1) -> (0, 0)>
#map1 = affine_map<(d0, d1) -> (0, 0, 0)>
module attributes {stable_mosaic.version = 14 : i64} {
  func.func @edge_pass(%arg0: i32, %arg1: i32, %arg2: memref<10240x32xf32, #tpu.memory_space<hbm>>, %arg3: memref<32x126x80xi32, #tpu.memory_space<hbm>>, %arg4: memref<32x126x80xi32, #tpu.memory_space<hbm>>, %arg5: memref<80x32xf32, #tpu.memory_space<hbm>>, %arg6: memref<2x10240x32xf32, #tpu.memory_space<hbm>>, %arg7: memref<10240x32xf32, #tpu.memory_space<vmem_shared>>, %arg8: memref<10240x32xf32, #tpu.memory_space<vmem_shared>>, %arg9: memref<640x32xf32, #tpu.memory_space<vmem>>, %arg10: memref<126x80xi32, #tpu.memory_space<vmem>>, %arg11: memref<126x80xi32, #tpu.memory_space<vmem>>, %arg12: memref<80x32xf32, #tpu.memory_space<vmem>>, %arg13: memref<80x32xf32, #tpu.memory_space<vmem>>, %arg14: memref<80x32xf32, #tpu.memory_space<vmem>>, %arg15: memref<!tpu.dma_semaphore, #tpu.memory_space<semaphore_mem>>, %arg16: memref<!tpu.dma_semaphore, #tpu.memory_space<semaphore_mem>>) attributes {dimension_semantics = [#tpu.dimension_semantics<core_parallel>, #tpu.dimension_semantics<subcore_parallel>], iteration_bounds = array<i64: 2, 16>, scalar_prefetch = 0 : i64, scratch_operands = 10 : i64, tpu.core_type = #tpu.core_type<sc_vector_subcore>, window_params = [{transform_indices = #map}, {transform_indices = #map1}, {transform_indices = #map1}, {transform_indices = #map}, {transform_indices = #map1}]} {
    %mul3A = arith.constant 16 : i32
    %mul3A_0 = arith.muli %arg0, %mul3A : i32
    %add3A = arith.addi %mul3A_0, %arg1 : i32
    %mul3A_1 = arith.constant 640 : i32
    %mul3A_2 = arith.muli %arg1, %mul3A_1 : i32
    "tpu.region"() ({
      %run_scoped3A = tpu.sem_alloc : memref<!tpu.dma_semaphore, #tpu.memory_space<semaphore_mem>>
      %dma_start3A_47 = arith.constant 0 : i32
      %dma_start3A_48 = tpu.memref_slice %arg2[%mul3A_2, %dma_start3A_47] : memref<10240x32xf32, #tpu.memory_space<hbm>> -> memref<640x32xf32, #tpu.memory_space<hbm>>
      %dma_start3A_49 = arith.constant 0 : i32
      %dma_start3A_50 = tpu.memref_slice %arg2[%mul3A_2, %dma_start3A_49] : memref<10240x32xf32, #tpu.memory_space<hbm>> -> memref<640x32xf32, #tpu.memory_space<hbm>>
      tpu.enqueue_dma source(%dma_start3A_50 : memref<640x32xf32, #tpu.memory_space<hbm>>) target(%arg9 : memref<640x32xf32, #tpu.memory_space<vmem>>) target_semaphore(%run_scoped3A : memref<!tpu.dma_semaphore, #tpu.memory_space<semaphore_mem>>)
      %dma_wait3A = arith.constant 0 : i32
      %dma_wait3A_51 = tpu.memref_slice %arg2[%mul3A_2, %dma_wait3A] : memref<10240x32xf32, #tpu.memory_space<hbm>> -> memref<640x32xf32, #tpu.memory_space<hbm>>
      %dma_wait3A_52 = arith.constant 0 : i32
      %dma_wait3A_53 = tpu.memref_slice %arg2[%mul3A_2, %dma_wait3A_52] : memref<10240x32xf32, #tpu.memory_space<hbm>> -> memref<640x32xf32, #tpu.memory_space<hbm>>
      tpu.wait_dma2 semaphore(%run_scoped3A : memref<!tpu.dma_semaphore, #tpu.memory_space<semaphore_mem>>) src(%dma_wait3A_53 : memref<640x32xf32, #tpu.memory_space<hbm>>) dst(%arg9 : memref<640x32xf32, #tpu.memory_space<vmem>>)
      tpu.yield
    }) : () -> ()
    "tpu.region"() ({
      %run_scoped3A = tpu.sem_alloc : memref<!tpu.dma_semaphore, #tpu.memory_space<semaphore_mem>>
      %dma_start3A_47 = arith.constant 0 : i32
      %dma_start3A_48 = tpu.memref_slice %arg8[%mul3A_2, %dma_start3A_47] : memref<10240x32xf32, #tpu.memory_space<vmem_shared>> -> memref<640x32xf32, #tpu.memory_space<vmem_shared>>
      %dma_start3A_49 = arith.constant 0 : i32
      %dma_start3A_50 = tpu.memref_slice %arg8[%mul3A_2, %dma_start3A_49] : memref<10240x32xf32, #tpu.memory_space<vmem_shared>> -> memref<640x32xf32, #tpu.memory_space<vmem_shared>>
      tpu.enqueue_dma source(%arg9 : memref<640x32xf32, #tpu.memory_space<vmem>>) target(%dma_start3A_50 : memref<640x32xf32, #tpu.memory_space<vmem_shared>>) target_semaphore(%run_scoped3A : memref<!tpu.dma_semaphore, #tpu.memory_space<semaphore_mem>>)
      %dma_wait3A = arith.constant 0 : i32
      %dma_wait3A_51 = tpu.memref_slice %arg8[%mul3A_2, %dma_wait3A] : memref<10240x32xf32, #tpu.memory_space<vmem_shared>> -> memref<640x32xf32, #tpu.memory_space<vmem_shared>>
      %dma_wait3A_52 = arith.constant 0 : i32
      %dma_wait3A_53 = tpu.memref_slice %arg8[%mul3A_2, %dma_wait3A_52] : memref<10240x32xf32, #tpu.memory_space<vmem_shared>> -> memref<640x32xf32, #tpu.memory_space<vmem_shared>>
      tpu.wait_dma2 semaphore(%run_scoped3A : memref<!tpu.dma_semaphore, #tpu.memory_space<semaphore_mem>>) src(%arg9 : memref<640x32xf32, #tpu.memory_space<vmem>>) dst(%dma_wait3A_53 : memref<640x32xf32, #tpu.memory_space<vmem_shared>>)
      tpu.yield
    }) : () -> ()
    "tpu.region"() ({
      %run_scoped3A = tpu.sem_alloc : memref<!tpu.dma_semaphore, #tpu.memory_space<semaphore_mem>>
      tpu.enqueue_dma source(%arg5 : memref<80x32xf32, #tpu.memory_space<hbm>>) target(%arg14 : memref<80x32xf32, #tpu.memory_space<vmem>>) target_semaphore(%run_scoped3A : memref<!tpu.dma_semaphore, #tpu.memory_space<semaphore_mem>>)
      tpu.wait_dma2 semaphore(%run_scoped3A : memref<!tpu.dma_semaphore, #tpu.memory_space<semaphore_mem>>) src(%arg5 : memref<80x32xf32, #tpu.memory_space<hbm>>) dst(%arg14 : memref<80x32xf32, #tpu.memory_space<vmem>>)
      tpu.yield
    }) : () -> ()
    %add3A_3 = arith.constant 0 : i32
    %add3A_4 = arith.addi %mul3A_2, %add3A_3 : i32
    "tpu.region"() ({
      %run_scoped3A = tpu.sem_alloc : memref<!tpu.dma_semaphore, #tpu.memory_space<semaphore_mem>>
      %dma_start3A_47 = arith.constant 0 : i32
      %dma_start3A_48 = tpu.memref_slice %arg7[%add3A_4, %dma_start3A_47] : memref<10240x32xf32, #tpu.memory_space<vmem_shared>> -> memref<80x32xf32, #tpu.memory_space<vmem_shared>>
      %dma_start3A_49 = arith.constant 0 : i32
      %dma_start3A_50 = tpu.memref_slice %arg7[%add3A_4, %dma_start3A_49] : memref<10240x32xf32, #tpu.memory_space<vmem_shared>> -> memref<80x32xf32, #tpu.memory_space<vmem_shared>>
      tpu.enqueue_dma source(%arg14 : memref<80x32xf32, #tpu.memory_space<vmem>>) target(%dma_start3A_50 : memref<80x32xf32, #tpu.memory_space<vmem_shared>>) target_semaphore(%run_scoped3A : memref<!tpu.dma_semaphore, #tpu.memory_space<semaphore_mem>>)
      %dma_wait3A = arith.constant 0 : i32
      %dma_wait3A_51 = tpu.memref_slice %arg7[%add3A_4, %dma_wait3A] : memref<10240x32xf32, #tpu.memory_space<vmem_shared>> -> memref<80x32xf32, #tpu.memory_space<vmem_shared>>
      %dma_wait3A_52 = arith.constant 0 : i32
      %dma_wait3A_53 = tpu.memref_slice %arg7[%add3A_4, %dma_wait3A_52] : memref<10240x32xf32, #tpu.memory_space<vmem_shared>> -> memref<80x32xf32, #tpu.memory_space<vmem_shared>>
      tpu.wait_dma2 semaphore(%run_scoped3A : memref<!tpu.dma_semaphore, #tpu.memory_space<semaphore_mem>>) src(%arg14 : memref<80x32xf32, #tpu.memory_space<vmem>>) dst(%dma_wait3A_53 : memref<80x32xf32, #tpu.memory_space<vmem_shared>>)
      tpu.yield
    }) : () -> ()
    %add3A_5 = arith.constant 80 : i32
    %add3A_6 = arith.addi %mul3A_2, %add3A_5 : i32
    "tpu.region"() ({
      %run_scoped3A = tpu.sem_alloc : memref<!tpu.dma_semaphore, #tpu.memory_space<semaphore_mem>>
      %dma_start3A_47 = arith.constant 0 : i32
      %dma_start3A_48 = tpu.memref_slice %arg7[%add3A_6, %dma_start3A_47] : memref<10240x32xf32, #tpu.memory_space<vmem_shared>> -> memref<80x32xf32, #tpu.memory_space<vmem_shared>>
      %dma_start3A_49 = arith.constant 0 : i32
      %dma_start3A_50 = tpu.memref_slice %arg7[%add3A_6, %dma_start3A_49] : memref<10240x32xf32, #tpu.memory_space<vmem_shared>> -> memref<80x32xf32, #tpu.memory_space<vmem_shared>>
      tpu.enqueue_dma source(%arg14 : memref<80x32xf32, #tpu.memory_space<vmem>>) target(%dma_start3A_50 : memref<80x32xf32, #tpu.memory_space<vmem_shared>>) target_semaphore(%run_scoped3A : memref<!tpu.dma_semaphore, #tpu.memory_space<semaphore_mem>>)
      %dma_wait3A = arith.constant 0 : i32
      %dma_wait3A_51 = tpu.memref_slice %arg7[%add3A_6, %dma_wait3A] : memref<10240x32xf32, #tpu.memory_space<vmem_shared>> -> memref<80x32xf32, #tpu.memory_space<vmem_shared>>
      %dma_wait3A_52 = arith.constant 0 : i32
      %dma_wait3A_53 = tpu.memref_slice %arg7[%add3A_6, %dma_wait3A_52] : memref<10240x32xf32, #tpu.memory_space<vmem_shared>> -> memref<80x32xf32, #tpu.memory_space<vmem_shared>>
      tpu.wait_dma2 semaphore(%run_scoped3A : memref<!tpu.dma_semaphore, #tpu.memory_space<semaphore_mem>>) src(%arg14 : memref<80x32xf32, #tpu.memory_space<vmem>>) dst(%dma_wait3A_53 : memref<80x32xf32, #tpu.memory_space<vmem_shared>>)
      tpu.yield
    }) : () -> ()
    %add3A_7 = arith.constant 160 : i32
    %add3A_8 = arith.addi %mul3A_2, %add3A_7 : i32
    "tpu.region"() ({
      %run_scoped3A = tpu.sem_alloc : memref<!tpu.dma_semaphore, #tpu.memory_space<semaphore_mem>>
      %dma_start3A_47 = arith.constant 0 : i32
      %dma_start3A_48 = tpu.memref_slice %arg7[%add3A_8, %dma_start3A_47] : memref<10240x32xf32, #tpu.memory_space<vmem_shared>> -> memref<80x32xf32, #tpu.memory_space<vmem_shared>>
      %dma_start3A_49 = arith.constant 0 : i32
      %dma_start3A_50 = tpu.memref_slice %arg7[%add3A_8, %dma_start3A_49] : memref<10240x32xf32, #tpu.memory_space<vmem_shared>> -> memref<80x32xf32, #tpu.memory_space<vmem_shared>>
      tpu.enqueue_dma source(%arg14 : memref<80x32xf32, #tpu.memory_space<vmem>>) target(%dma_start3A_50 : memref<80x32xf32, #tpu.memory_space<vmem_shared>>) target_semaphore(%run_scoped3A : memref<!tpu.dma_semaphore, #tpu.memory_space<semaphore_mem>>)
      %dma_wait3A = arith.constant 0 : i32
      %dma_wait3A_51 = tpu.memref_slice %arg7[%add3A_8, %dma_wait3A] : memref<10240x32xf32, #tpu.memory_space<vmem_shared>> -> memref<80x32xf32, #tpu.memory_space<vmem_shared>>
      %dma_wait3A_52 = arith.constant 0 : i32
      %dma_wait3A_53 = tpu.memref_slice %arg7[%add3A_8, %dma_wait3A_52] : memref<10240x32xf32, #tpu.memory_space<vmem_shared>> -> memref<80x32xf32, #tpu.memory_space<vmem_shared>>
      tpu.wait_dma2 semaphore(%run_scoped3A : memref<!tpu.dma_semaphore, #tpu.memory_space<semaphore_mem>>) src(%arg14 : memref<80x32xf32, #tpu.memory_space<vmem>>) dst(%dma_wait3A_53 : memref<80x32xf32, #tpu.memory_space<vmem_shared>>)
      tpu.yield
    }) : () -> ()
    %add3A_9 = arith.constant 240 : i32
    %add3A_10 = arith.addi %mul3A_2, %add3A_9 : i32
    "tpu.region"() ({
      %run_scoped3A = tpu.sem_alloc : memref<!tpu.dma_semaphore, #tpu.memory_space<semaphore_mem>>
      %dma_start3A_47 = arith.constant 0 : i32
      %dma_start3A_48 = tpu.memref_slice %arg7[%add3A_10, %dma_start3A_47] : memref<10240x32xf32, #tpu.memory_space<vmem_shared>> -> memref<80x32xf32, #tpu.memory_space<vmem_shared>>
      %dma_start3A_49 = arith.constant 0 : i32
      %dma_start3A_50 = tpu.memref_slice %arg7[%add3A_10, %dma_start3A_49] : memref<10240x32xf32, #tpu.memory_space<vmem_shared>> -> memref<80x32xf32, #tpu.memory_space<vmem_shared>>
      tpu.enqueue_dma source(%arg14 : memref<80x32xf32, #tpu.memory_space<vmem>>) target(%dma_start3A_50 : memref<80x32xf32, #tpu.memory_space<vmem_shared>>) target_semaphore(%run_scoped3A : memref<!tpu.dma_semaphore, #tpu.memory_space<semaphore_mem>>)
      %dma_wait3A = arith.constant 0 : i32
      %dma_wait3A_51 = tpu.memref_slice %arg7[%add3A_10, %dma_wait3A] : memref<10240x32xf32, #tpu.memory_space<vmem_shared>> -> memref<80x32xf32, #tpu.memory_space<vmem_shared>>
      %dma_wait3A_52 = arith.constant 0 : i32
      %dma_wait3A_53 = tpu.memref_slice %arg7[%add3A_10, %dma_wait3A_52] : memref<10240x32xf32, #tpu.memory_space<vmem_shared>> -> memref<80x32xf32, #tpu.memory_space<vmem_shared>>
      tpu.wait_dma2 semaphore(%run_scoped3A : memref<!tpu.dma_semaphore, #tpu.memory_space<semaphore_mem>>) src(%arg14 : memref<80x32xf32, #tpu.memory_space<vmem>>) dst(%dma_wait3A_53 : memref<80x32xf32, #tpu.memory_space<vmem_shared>>)
      tpu.yield
    }) : () -> ()
    %add3A_11 = arith.constant 320 : i32
    %add3A_12 = arith.addi %mul3A_2, %add3A_11 : i32
    "tpu.region"() ({
      %run_scoped3A = tpu.sem_alloc : memref<!tpu.dma_semaphore, #tpu.memory_space<semaphore_mem>>
      %dma_start3A_47 = arith.constant 0 : i32
      %dma_start3A_48 = tpu.memref_slice %arg7[%add3A_12, %dma_start3A_47] : memref<10240x32xf32, #tpu.memory_space<vmem_shared>> -> memref<80x32xf32, #tpu.memory_space<vmem_shared>>
      %dma_start3A_49 = arith.constant 0 : i32
      %dma_start3A_50 = tpu.memref_slice %arg7[%add3A_12, %dma_start3A_49] : memref<10240x32xf32, #tpu.memory_space<vmem_shared>> -> memref<80x32xf32, #tpu.memory_space<vmem_shared>>
      tpu.enqueue_dma source(%arg14 : memref<80x32xf32, #tpu.memory_space<vmem>>) target(%dma_start3A_50 : memref<80x32xf32, #tpu.memory_space<vmem_shared>>) target_semaphore(%run_scoped3A : memref<!tpu.dma_semaphore, #tpu.memory_space<semaphore_mem>>)
      %dma_wait3A = arith.constant 0 : i32
      %dma_wait3A_51 = tpu.memref_slice %arg7[%add3A_12, %dma_wait3A] : memref<10240x32xf32, #tpu.memory_space<vmem_shared>> -> memref<80x32xf32, #tpu.memory_space<vmem_shared>>
      %dma_wait3A_52 = arith.constant 0 : i32
      %dma_wait3A_53 = tpu.memref_slice %arg7[%add3A_12, %dma_wait3A_52] : memref<10240x32xf32, #tpu.memory_space<vmem_shared>> -> memref<80x32xf32, #tpu.memory_space<vmem_shared>>
      tpu.wait_dma2 semaphore(%run_scoped3A : memref<!tpu.dma_semaphore, #tpu.memory_space<semaphore_mem>>) src(%arg14 : memref<80x32xf32, #tpu.memory_space<vmem>>) dst(%dma_wait3A_53 : memref<80x32xf32, #tpu.memory_space<vmem_shared>>)
      tpu.yield
    }) : () -> ()
    %add3A_13 = arith.constant 400 : i32
    %add3A_14 = arith.addi %mul3A_2, %add3A_13 : i32
    "tpu.region"() ({
      %run_scoped3A = tpu.sem_alloc : memref<!tpu.dma_semaphore, #tpu.memory_space<semaphore_mem>>
      %dma_start3A_47 = arith.constant 0 : i32
      %dma_start3A_48 = tpu.memref_slice %arg7[%add3A_14, %dma_start3A_47] : memref<10240x32xf32, #tpu.memory_space<vmem_shared>> -> memref<80x32xf32, #tpu.memory_space<vmem_shared>>
      %dma_start3A_49 = arith.constant 0 : i32
      %dma_start3A_50 = tpu.memref_slice %arg7[%add3A_14, %dma_start3A_49] : memref<10240x32xf32, #tpu.memory_space<vmem_shared>> -> memref<80x32xf32, #tpu.memory_space<vmem_shared>>
      tpu.enqueue_dma source(%arg14 : memref<80x32xf32, #tpu.memory_space<vmem>>) target(%dma_start3A_50 : memref<80x32xf32, #tpu.memory_space<vmem_shared>>) target_semaphore(%run_scoped3A : memref<!tpu.dma_semaphore, #tpu.memory_space<semaphore_mem>>)
      %dma_wait3A = arith.constant 0 : i32
      %dma_wait3A_51 = tpu.memref_slice %arg7[%add3A_14, %dma_wait3A] : memref<10240x32xf32, #tpu.memory_space<vmem_shared>> -> memref<80x32xf32, #tpu.memory_space<vmem_shared>>
      %dma_wait3A_52 = arith.constant 0 : i32
      %dma_wait3A_53 = tpu.memref_slice %arg7[%add3A_14, %dma_wait3A_52] : memref<10240x32xf32, #tpu.memory_space<vmem_shared>> -> memref<80x32xf32, #tpu.memory_space<vmem_shared>>
      tpu.wait_dma2 semaphore(%run_scoped3A : memref<!tpu.dma_semaphore, #tpu.memory_space<semaphore_mem>>) src(%arg14 : memref<80x32xf32, #tpu.memory_space<vmem>>) dst(%dma_wait3A_53 : memref<80x32xf32, #tpu.memory_space<vmem_shared>>)
      tpu.yield
    }) : () -> ()
    %add3A_15 = arith.constant 480 : i32
    %add3A_16 = arith.addi %mul3A_2, %add3A_15 : i32
    "tpu.region"() ({
      %run_scoped3A = tpu.sem_alloc : memref<!tpu.dma_semaphore, #tpu.memory_space<semaphore_mem>>
      %dma_start3A_47 = arith.constant 0 : i32
      %dma_start3A_48 = tpu.memref_slice %arg7[%add3A_16, %dma_start3A_47] : memref<10240x32xf32, #tpu.memory_space<vmem_shared>> -> memref<80x32xf32, #tpu.memory_space<vmem_shared>>
      %dma_start3A_49 = arith.constant 0 : i32
      %dma_start3A_50 = tpu.memref_slice %arg7[%add3A_16, %dma_start3A_49] : memref<10240x32xf32, #tpu.memory_space<vmem_shared>> -> memref<80x32xf32, #tpu.memory_space<vmem_shared>>
      tpu.enqueue_dma source(%arg14 : memref<80x32xf32, #tpu.memory_space<vmem>>) target(%dma_start3A_50 : memref<80x32xf32, #tpu.memory_space<vmem_shared>>) target_semaphore(%run_scoped3A : memref<!tpu.dma_semaphore, #tpu.memory_space<semaphore_mem>>)
      %dma_wait3A = arith.constant 0 : i32
      %dma_wait3A_51 = tpu.memref_slice %arg7[%add3A_16, %dma_wait3A] : memref<10240x32xf32, #tpu.memory_space<vmem_shared>> -> memref<80x32xf32, #tpu.memory_space<vmem_shared>>
      %dma_wait3A_52 = arith.constant 0 : i32
      %dma_wait3A_53 = tpu.memref_slice %arg7[%add3A_16, %dma_wait3A_52] : memref<10240x32xf32, #tpu.memory_space<vmem_shared>> -> memref<80x32xf32, #tpu.memory_space<vmem_shared>>
      tpu.wait_dma2 semaphore(%run_scoped3A : memref<!tpu.dma_semaphore, #tpu.memory_space<semaphore_mem>>) src(%arg14 : memref<80x32xf32, #tpu.memory_space<vmem>>) dst(%dma_wait3A_53 : memref<80x32xf32, #tpu.memory_space<vmem_shared>>)
      tpu.yield
    }) : () -> ()
    %add3A_17 = arith.constant 560 : i32
    %add3A_18 = arith.addi %mul3A_2, %add3A_17 : i32
    "tpu.region"() ({
      %run_scoped3A = tpu.sem_alloc : memref<!tpu.dma_semaphore, #tpu.memory_space<semaphore_mem>>
      %dma_start3A_47 = arith.constant 0 : i32
      %dma_start3A_48 = tpu.memref_slice %arg7[%add3A_18, %dma_start3A_47] : memref<10240x32xf32, #tpu.memory_space<vmem_shared>> -> memref<80x32xf32, #tpu.memory_space<vmem_shared>>
      %dma_start3A_49 = arith.constant 0 : i32
      %dma_start3A_50 = tpu.memref_slice %arg7[%add3A_18, %dma_start3A_49] : memref<10240x32xf32, #tpu.memory_space<vmem_shared>> -> memref<80x32xf32, #tpu.memory_space<vmem_shared>>
      tpu.enqueue_dma source(%arg14 : memref<80x32xf32, #tpu.memory_space<vmem>>) target(%dma_start3A_50 : memref<80x32xf32, #tpu.memory_space<vmem_shared>>) target_semaphore(%run_scoped3A : memref<!tpu.dma_semaphore, #tpu.memory_space<semaphore_mem>>)
      %dma_wait3A = arith.constant 0 : i32
      %dma_wait3A_51 = tpu.memref_slice %arg7[%add3A_18, %dma_wait3A] : memref<10240x32xf32, #tpu.memory_space<vmem_shared>> -> memref<80x32xf32, #tpu.memory_space<vmem_shared>>
      %dma_wait3A_52 = arith.constant 0 : i32
      %dma_wait3A_53 = tpu.memref_slice %arg7[%add3A_18, %dma_wait3A_52] : memref<10240x32xf32, #tpu.memory_space<vmem_shared>> -> memref<80x32xf32, #tpu.memory_space<vmem_shared>>
      tpu.wait_dma2 semaphore(%run_scoped3A : memref<!tpu.dma_semaphore, #tpu.memory_space<semaphore_mem>>) src(%arg14 : memref<80x32xf32, #tpu.memory_space<vmem>>) dst(%dma_wait3A_53 : memref<80x32xf32, #tpu.memory_space<vmem_shared>>)
      tpu.yield
    }) : () -> ()
    "tpu.region"() ({
      %run_scoped3A = tpu.sem_alloc : memref<!tpu.dma_semaphore, #tpu.memory_space<semaphore_mem>>
      %dma_start3A_47 = arith.constant 0 : i32
      %dma_start3A_48 = arith.constant 0 : i32
      %dma_start3A_49 = tpu.memref_slice %arg3[%add3A, %dma_start3A_47, %dma_start3A_48] : memref<32x126x80xi32, #tpu.memory_space<hbm>> -> memref<1x126x80xi32, #tpu.memory_space<hbm>>
      %dma_start3A_50 = tpu.memref_squeeze %dma_start3A_49 : memref<1x126x80xi32, #tpu.memory_space<hbm>> -> memref<126x80xi32, #tpu.memory_space<hbm>>
      %dma_start3A_51 = arith.constant 0 : i32
      %dma_start3A_52 = arith.constant 0 : i32
      %dma_start3A_53 = tpu.memref_slice %arg3[%add3A, %dma_start3A_51, %dma_start3A_52] : memref<32x126x80xi32, #tpu.memory_space<hbm>> -> memref<1x126x80xi32, #tpu.memory_space<hbm>>
      %dma_start3A_54 = tpu.memref_squeeze %dma_start3A_53 : memref<1x126x80xi32, #tpu.memory_space<hbm>> -> memref<126x80xi32, #tpu.memory_space<hbm>>
      tpu.enqueue_dma source(%dma_start3A_54 : memref<126x80xi32, #tpu.memory_space<hbm>>) target(%arg10 : memref<126x80xi32, #tpu.memory_space<vmem>>) target_semaphore(%run_scoped3A : memref<!tpu.dma_semaphore, #tpu.memory_space<semaphore_mem>>)
      %dma_wait3A = arith.constant 0 : i32
      %dma_wait3A_55 = arith.constant 0 : i32
      %dma_wait3A_56 = tpu.memref_slice %arg3[%add3A, %dma_wait3A, %dma_wait3A_55] : memref<32x126x80xi32, #tpu.memory_space<hbm>> -> memref<1x126x80xi32, #tpu.memory_space<hbm>>
      %dma_wait3A_57 = tpu.memref_squeeze %dma_wait3A_56 : memref<1x126x80xi32, #tpu.memory_space<hbm>> -> memref<126x80xi32, #tpu.memory_space<hbm>>
      %dma_wait3A_58 = arith.constant 0 : i32
      %dma_wait3A_59 = arith.constant 0 : i32
      %dma_wait3A_60 = tpu.memref_slice %arg3[%add3A, %dma_wait3A_58, %dma_wait3A_59] : memref<32x126x80xi32, #tpu.memory_space<hbm>> -> memref<1x126x80xi32, #tpu.memory_space<hbm>>
      %dma_wait3A_61 = tpu.memref_squeeze %dma_wait3A_60 : memref<1x126x80xi32, #tpu.memory_space<hbm>> -> memref<126x80xi32, #tpu.memory_space<hbm>>
      tpu.wait_dma2 semaphore(%run_scoped3A : memref<!tpu.dma_semaphore, #tpu.memory_space<semaphore_mem>>) src(%dma_wait3A_61 : memref<126x80xi32, #tpu.memory_space<hbm>>) dst(%arg10 : memref<126x80xi32, #tpu.memory_space<vmem>>)
      tpu.yield
    }) : () -> ()
    "tpu.region"() ({
      %run_scoped3A = tpu.sem_alloc : memref<!tpu.dma_semaphore, #tpu.memory_space<semaphore_mem>>
      %dma_start3A_47 = arith.constant 0 : i32
      %dma_start3A_48 = arith.constant 0 : i32
      %dma_start3A_49 = tpu.memref_slice %arg4[%add3A, %dma_start3A_47, %dma_start3A_48] : memref<32x126x80xi32, #tpu.memory_space<hbm>> -> memref<1x126x80xi32, #tpu.memory_space<hbm>>
      %dma_start3A_50 = tpu.memref_squeeze %dma_start3A_49 : memref<1x126x80xi32, #tpu.memory_space<hbm>> -> memref<126x80xi32, #tpu.memory_space<hbm>>
      %dma_start3A_51 = arith.constant 0 : i32
      %dma_start3A_52 = arith.constant 0 : i32
      %dma_start3A_53 = tpu.memref_slice %arg4[%add3A, %dma_start3A_51, %dma_start3A_52] : memref<32x126x80xi32, #tpu.memory_space<hbm>> -> memref<1x126x80xi32, #tpu.memory_space<hbm>>
      %dma_start3A_54 = tpu.memref_squeeze %dma_start3A_53 : memref<1x126x80xi32, #tpu.memory_space<hbm>> -> memref<126x80xi32, #tpu.memory_space<hbm>>
      tpu.enqueue_dma source(%dma_start3A_54 : memref<126x80xi32, #tpu.memory_space<hbm>>) target(%arg11 : memref<126x80xi32, #tpu.memory_space<vmem>>) target_semaphore(%run_scoped3A : memref<!tpu.dma_semaphore, #tpu.memory_space<semaphore_mem>>)
      %dma_wait3A = arith.constant 0 : i32
      %dma_wait3A_55 = arith.constant 0 : i32
      %dma_wait3A_56 = tpu.memref_slice %arg4[%add3A, %dma_wait3A, %dma_wait3A_55] : memref<32x126x80xi32, #tpu.memory_space<hbm>> -> memref<1x126x80xi32, #tpu.memory_space<hbm>>
      %dma_wait3A_57 = tpu.memref_squeeze %dma_wait3A_56 : memref<1x126x80xi32, #tpu.memory_space<hbm>> -> memref<126x80xi32, #tpu.memory_space<hbm>>
      %dma_wait3A_58 = arith.constant 0 : i32
      %dma_wait3A_59 = arith.constant 0 : i32
      %dma_wait3A_60 = tpu.memref_slice %arg4[%add3A, %dma_wait3A_58, %dma_wait3A_59] : memref<32x126x80xi32, #tpu.memory_space<hbm>> -> memref<1x126x80xi32, #tpu.memory_space<hbm>>
      %dma_wait3A_61 = tpu.memref_squeeze %dma_wait3A_60 : memref<1x126x80xi32, #tpu.memory_space<hbm>> -> memref<126x80xi32, #tpu.memory_space<hbm>>
      tpu.wait_dma2 semaphore(%run_scoped3A : memref<!tpu.dma_semaphore, #tpu.memory_space<semaphore_mem>>) src(%dma_wait3A_61 : memref<126x80xi32, #tpu.memory_space<hbm>>) dst(%arg11 : memref<126x80xi32, #tpu.memory_space<vmem>>)
      tpu.yield
    }) : () -> ()
    %barrier3A = arith.constant 0 : index
    tpu.barrier barrier_id(%barrier3A)
    %dma_start3A = arith.constant 0 : i32
    %dma_start3A_19 = arith.constant 0 : i32
    %dma_start3A_20 = tpu.memref_slice %arg10[%dma_start3A, %dma_start3A_19] : memref<126x80xi32, #tpu.memory_space<vmem>> -> memref<1x80xi32, #tpu.memory_space<vmem>>
    %dma_start3A_21 = tpu.memref_squeeze %dma_start3A_20 : memref<1x80xi32, #tpu.memory_space<vmem>> -> memref<80xi32, #tpu.memory_space<vmem>>
    %dma_start3A_22 = arith.constant 0 : i32
    %dma_start3A_23 = arith.constant 0 : i32
    %dma_start3A_24 = tpu.memref_slice %arg8[%dma_start3A_22, %dma_start3A_23] : memref<10240x32xf32, #tpu.memory_space<vmem_shared>> -> memref<10240x32xf32, #tpu.memory_space<vmem_shared>>
    tpu.enqueue_indirect_dma source(%dma_start3A_24 : memref<10240x32xf32, #tpu.memory_space<vmem_shared>>) target(%arg12 : memref<80x32xf32, #tpu.memory_space<vmem>>) offsets(%dma_start3A_21 : memref<80xi32, #tpu.memory_space<vmem>>) semaphore(%arg15 : memref<!tpu.dma_semaphore, #tpu.memory_space<semaphore_mem>>)
    %scan3A = arith.constant 0 : i32
    %scan3A_25 = arith.constant 0 : i32
    %scan3A_26 = arith.constant 63 : i32
    %scan3A_27 = arith.addi %scan3A_25, %scan3A_26 : i32
    %scan3A_28 = arith.constant 1 : i32
    scf.for %scan3A_47 = %scan3A_25 to %scan3A_27 step %scan3A_28  : i32 {
      %mul3A_48 = arith.constant 2 : i32
      %mul3A_49 = arith.muli %mul3A_48, %scan3A_47 : i32
      %add3A_50 = arith.constant 1 : i32
      %add3A_51 = arith.addi %mul3A_49, %add3A_50 : i32
      %lt3A = arith.constant 126 : i32
      %lt3A_52 = arith.cmpi slt, %add3A_51, %lt3A : i32
      %convert_element_type3A = arith.extui %lt3A_52 : i1 to i32
      %cond3A = arith.constant 0 : i32
      %cond3A_53 = arith.cmpi ne, %convert_element_type3A, %cond3A : i32
      scf.if %cond3A_53 {
        %add3A_74 = arith.constant 1 : i32
        %add3A_75 = arith.addi %mul3A_49, %add3A_74 : i32
        %dma_start3A_76 = arith.constant 0 : i32
        %dma_start3A_77 = tpu.memref_slice %arg10[%add3A_75, %dma_start3A_76] : memref<126x80xi32, #tpu.memory_space<vmem>> -> memref<1x80xi32, #tpu.memory_space<vmem>>
        %dma_start3A_78 = tpu.memref_squeeze %dma_start3A_77 : memref<1x80xi32, #tpu.memory_space<vmem>> -> memref<80xi32, #tpu.memory_space<vmem>>
        %dma_start3A_79 = arith.constant 0 : i32
        %dma_start3A_80 = arith.constant 0 : i32
        %dma_start3A_81 = tpu.memref_slice %arg8[%dma_start3A_79, %dma_start3A_80] : memref<10240x32xf32, #tpu.memory_space<vmem_shared>> -> memref<10240x32xf32, #tpu.memory_space<vmem_shared>>
        tpu.enqueue_indirect_dma source(%dma_start3A_81 : memref<10240x32xf32, #tpu.memory_space<vmem_shared>>) target(%arg13 : memref<80x32xf32, #tpu.memory_space<vmem>>) offsets(%dma_start3A_78 : memref<80xi32, #tpu.memory_space<vmem>>) semaphore(%arg16 : memref<!tpu.dma_semaphore, #tpu.memory_space<semaphore_mem>>)
      } else {
      }
      %dma_wait3A = arith.constant 0 : i32
      %dma_wait3A_54 = tpu.memref_slice %arg10[%mul3A_49, %dma_wait3A] : memref<126x80xi32, #tpu.memory_space<vmem>> -> memref<1x80xi32, #tpu.memory_space<vmem>>
      %dma_wait3A_55 = tpu.memref_squeeze %dma_wait3A_54 : memref<1x80xi32, #tpu.memory_space<vmem>> -> memref<80xi32, #tpu.memory_space<vmem>>
      %dma_wait3A_56 = arith.constant 0 : i32
      %dma_wait3A_57 = arith.constant 0 : i32
      %dma_wait3A_58 = tpu.memref_slice %arg8[%dma_wait3A_56, %dma_wait3A_57] : memref<10240x32xf32, #tpu.memory_space<vmem_shared>> -> memref<10240x32xf32, #tpu.memory_space<vmem_shared>>
      tpu.wait_indirect_dma semaphore(%arg15 : memref<!tpu.dma_semaphore, #tpu.memory_space<semaphore_mem>>) src(%dma_wait3A_58 : memref<10240x32xf32, #tpu.memory_space<vmem_shared>>) dst(%arg12 : memref<80x32xf32, #tpu.memory_space<vmem>>)
      "tpu.region"() ({
        %run_scoped3A = tpu.sem_alloc : memref<!tpu.dma_semaphore, #tpu.memory_space<semaphore_mem>>
        %dma_start3A_74 = arith.constant 0 : i32
        %dma_start3A_75 = tpu.memref_slice %arg11[%mul3A_49, %dma_start3A_74] : memref<126x80xi32, #tpu.memory_space<vmem>> -> memref<1x80xi32, #tpu.memory_space<vmem>>
        %dma_start3A_76 = tpu.memref_squeeze %dma_start3A_75 : memref<1x80xi32, #tpu.memory_space<vmem>> -> memref<80xi32, #tpu.memory_space<vmem>>
        %dma_start3A_77 = arith.constant 0 : i32
        %dma_start3A_78 = arith.constant 0 : i32
        %dma_start3A_79 = tpu.memref_slice %arg7[%dma_start3A_77, %dma_start3A_78] : memref<10240x32xf32, #tpu.memory_space<vmem_shared>> -> memref<10240x32xf32, #tpu.memory_space<vmem_shared>>
        tpu.enqueue_indirect_dma source(%arg12 : memref<80x32xf32, #tpu.memory_space<vmem>>) target(%dma_start3A_79 : memref<10240x32xf32, #tpu.memory_space<vmem_shared>>) offsets(%dma_start3A_76 : memref<80xi32, #tpu.memory_space<vmem>>) semaphore(%run_scoped3A : memref<!tpu.dma_semaphore, #tpu.memory_space<semaphore_mem>>) {add = true}
        %dma_wait3A_80 = arith.constant 0 : i32
        %dma_wait3A_81 = tpu.memref_slice %arg11[%mul3A_49, %dma_wait3A_80] : memref<126x80xi32, #tpu.memory_space<vmem>> -> memref<1x80xi32, #tpu.memory_space<vmem>>
        %dma_wait3A_82 = tpu.memref_squeeze %dma_wait3A_81 : memref<1x80xi32, #tpu.memory_space<vmem>> -> memref<80xi32, #tpu.memory_space<vmem>>
        %dma_wait3A_83 = arith.constant 0 : i32
        %dma_wait3A_84 = arith.constant 0 : i32
        %dma_wait3A_85 = tpu.memref_slice %arg7[%dma_wait3A_83, %dma_wait3A_84] : memref<10240x32xf32, #tpu.memory_space<vmem_shared>> -> memref<10240x32xf32, #tpu.memory_space<vmem_shared>>
        tpu.wait_indirect_dma semaphore(%run_scoped3A : memref<!tpu.dma_semaphore, #tpu.memory_space<semaphore_mem>>) src(%arg12 : memref<80x32xf32, #tpu.memory_space<vmem>>) dst(%dma_wait3A_85 : memref<10240x32xf32, #tpu.memory_space<vmem_shared>>)
        tpu.yield
      }) : () -> ()
      %add3A_59 = arith.constant 1 : i32
      %add3A_60 = arith.addi %mul3A_49, %add3A_59 : i32
      %add3A_61 = arith.constant 2 : i32
      %add3A_62 = arith.addi %mul3A_49, %add3A_61 : i32
      %lt3A_63 = arith.constant 126 : i32
      %lt3A_64 = arith.cmpi slt, %add3A_62, %lt3A_63 : i32
      %convert_element_type3A_65 = arith.extui %lt3A_64 : i1 to i32
      %cond3A_66 = arith.constant 0 : i32
      %cond3A_67 = arith.cmpi ne, %convert_element_type3A_65, %cond3A_66 : i32
      scf.if %cond3A_67 {
        %add3A_74 = arith.constant 1 : i32
        %add3A_75 = arith.addi %add3A_60, %add3A_74 : i32
        %dma_start3A_76 = arith.constant 0 : i32
        %dma_start3A_77 = tpu.memref_slice %arg10[%add3A_75, %dma_start3A_76] : memref<126x80xi32, #tpu.memory_space<vmem>> -> memref<1x80xi32, #tpu.memory_space<vmem>>
        %dma_start3A_78 = tpu.memref_squeeze %dma_start3A_77 : memref<1x80xi32, #tpu.memory_space<vmem>> -> memref<80xi32, #tpu.memory_space<vmem>>
        %dma_start3A_79 = arith.constant 0 : i32
        %dma_start3A_80 = arith.constant 0 : i32
        %dma_start3A_81 = tpu.memref_slice %arg8[%dma_start3A_79, %dma_start3A_80] : memref<10240x32xf32, #tpu.memory_space<vmem_shared>> -> memref<10240x32xf32, #tpu.memory_space<vmem_shared>>
        tpu.enqueue_indirect_dma source(%dma_start3A_81 : memref<10240x32xf32, #tpu.memory_space<vmem_shared>>) target(%arg12 : memref<80x32xf32, #tpu.memory_space<vmem>>) offsets(%dma_start3A_78 : memref<80xi32, #tpu.memory_space<vmem>>) semaphore(%arg15 : memref<!tpu.dma_semaphore, #tpu.memory_space<semaphore_mem>>)
      } else {
      }
      %dma_wait3A_68 = arith.constant 0 : i32
      %dma_wait3A_69 = tpu.memref_slice %arg10[%add3A_60, %dma_wait3A_68] : memref<126x80xi32, #tpu.memory_space<vmem>> -> memref<1x80xi32, #tpu.memory_space<vmem>>
      %dma_wait3A_70 = tpu.memref_squeeze %dma_wait3A_69 : memref<1x80xi32, #tpu.memory_space<vmem>> -> memref<80xi32, #tpu.memory_space<vmem>>
      %dma_wait3A_71 = arith.constant 0 : i32
      %dma_wait3A_72 = arith.constant 0 : i32
      %dma_wait3A_73 = tpu.memref_slice %arg8[%dma_wait3A_71, %dma_wait3A_72] : memref<10240x32xf32, #tpu.memory_space<vmem_shared>> -> memref<10240x32xf32, #tpu.memory_space<vmem_shared>>
      tpu.wait_indirect_dma semaphore(%arg16 : memref<!tpu.dma_semaphore, #tpu.memory_space<semaphore_mem>>) src(%dma_wait3A_73 : memref<10240x32xf32, #tpu.memory_space<vmem_shared>>) dst(%arg13 : memref<80x32xf32, #tpu.memory_space<vmem>>)
      "tpu.region"() ({
        %run_scoped3A = tpu.sem_alloc : memref<!tpu.dma_semaphore, #tpu.memory_space<semaphore_mem>>
        %dma_start3A_74 = arith.constant 0 : i32
        %dma_start3A_75 = tpu.memref_slice %arg11[%add3A_60, %dma_start3A_74] : memref<126x80xi32, #tpu.memory_space<vmem>> -> memref<1x80xi32, #tpu.memory_space<vmem>>
        %dma_start3A_76 = tpu.memref_squeeze %dma_start3A_75 : memref<1x80xi32, #tpu.memory_space<vmem>> -> memref<80xi32, #tpu.memory_space<vmem>>
        %dma_start3A_77 = arith.constant 0 : i32
        %dma_start3A_78 = arith.constant 0 : i32
        %dma_start3A_79 = tpu.memref_slice %arg7[%dma_start3A_77, %dma_start3A_78] : memref<10240x32xf32, #tpu.memory_space<vmem_shared>> -> memref<10240x32xf32, #tpu.memory_space<vmem_shared>>
        tpu.enqueue_indirect_dma source(%arg13 : memref<80x32xf32, #tpu.memory_space<vmem>>) target(%dma_start3A_79 : memref<10240x32xf32, #tpu.memory_space<vmem_shared>>) offsets(%dma_start3A_76 : memref<80xi32, #tpu.memory_space<vmem>>) semaphore(%run_scoped3A : memref<!tpu.dma_semaphore, #tpu.memory_space<semaphore_mem>>) {add = true}
        %dma_wait3A_80 = arith.constant 0 : i32
        %dma_wait3A_81 = tpu.memref_slice %arg11[%add3A_60, %dma_wait3A_80] : memref<126x80xi32, #tpu.memory_space<vmem>> -> memref<1x80xi32, #tpu.memory_space<vmem>>
        %dma_wait3A_82 = tpu.memref_squeeze %dma_wait3A_81 : memref<1x80xi32, #tpu.memory_space<vmem>> -> memref<80xi32, #tpu.memory_space<vmem>>
        %dma_wait3A_83 = arith.constant 0 : i32
        %dma_wait3A_84 = arith.constant 0 : i32
        %dma_wait3A_85 = tpu.memref_slice %arg7[%dma_wait3A_83, %dma_wait3A_84] : memref<10240x32xf32, #tpu.memory_space<vmem_shared>> -> memref<10240x32xf32, #tpu.memory_space<vmem_shared>>
        tpu.wait_indirect_dma semaphore(%run_scoped3A : memref<!tpu.dma_semaphore, #tpu.memory_space<semaphore_mem>>) src(%arg13 : memref<80x32xf32, #tpu.memory_space<vmem>>) dst(%dma_wait3A_85 : memref<10240x32xf32, #tpu.memory_space<vmem_shared>>)
        tpu.yield
      }) : () -> ()
    }
    %scan3A_29 = arith.constant 63 : i32
    %barrier3A_30 = arith.constant 0 : index
    tpu.barrier barrier_id(%barrier3A_30)
    %add3A_31 = arith.constant 0 : i32
    %add3A_32 = arith.addi %mul3A_2, %add3A_31 : i32
    "tpu.region"() ({
      %run_scoped3A = tpu.sem_alloc : memref<!tpu.dma_semaphore, #tpu.memory_space<semaphore_mem>>
      %dma_start3A_47 = arith.constant 0 : i32
      %dma_start3A_48 = tpu.memref_slice %arg7[%add3A_32, %dma_start3A_47] : memref<10240x32xf32, #tpu.memory_space<vmem_shared>> -> memref<80x32xf32, #tpu.memory_space<vmem_shared>>
      %dma_start3A_49 = arith.constant 0 : i32
      %dma_start3A_50 = tpu.memref_slice %arg7[%add3A_32, %dma_start3A_49] : memref<10240x32xf32, #tpu.memory_space<vmem_shared>> -> memref<80x32xf32, #tpu.memory_space<vmem_shared>>
      tpu.enqueue_dma source(%dma_start3A_50 : memref<80x32xf32, #tpu.memory_space<vmem_shared>>) target(%arg14 : memref<80x32xf32, #tpu.memory_space<vmem>>) target_semaphore(%run_scoped3A : memref<!tpu.dma_semaphore, #tpu.memory_space<semaphore_mem>>)
      %dma_wait3A = arith.constant 0 : i32
      %dma_wait3A_51 = tpu.memref_slice %arg7[%add3A_32, %dma_wait3A] : memref<10240x32xf32, #tpu.memory_space<vmem_shared>> -> memref<80x32xf32, #tpu.memory_space<vmem_shared>>
      %dma_wait3A_52 = arith.constant 0 : i32
      %dma_wait3A_53 = tpu.memref_slice %arg7[%add3A_32, %dma_wait3A_52] : memref<10240x32xf32, #tpu.memory_space<vmem_shared>> -> memref<80x32xf32, #tpu.memory_space<vmem_shared>>
      tpu.wait_dma2 semaphore(%run_scoped3A : memref<!tpu.dma_semaphore, #tpu.memory_space<semaphore_mem>>) src(%dma_wait3A_53 : memref<80x32xf32, #tpu.memory_space<vmem_shared>>) dst(%arg14 : memref<80x32xf32, #tpu.memory_space<vmem>>)
      tpu.yield
    }) : () -> ()
    "tpu.region"() ({
      %run_scoped3A = tpu.sem_alloc : memref<!tpu.dma_semaphore, #tpu.memory_space<semaphore_mem>>
      %dma_start3A_47 = arith.constant 0 : i32
      %dma_start3A_48 = tpu.memref_slice %arg6[%arg0, %add3A_32, %dma_start3A_47] : memref<2x10240x32xf32, #tpu.memory_space<hbm>> -> memref<1x80x32xf32, #tpu.memory_space<hbm>>
      %dma_start3A_49 = tpu.memref_squeeze %dma_start3A_48 : memref<1x80x32xf32, #tpu.memory_space<hbm>> -> memref<80x32xf32, #tpu.memory_space<hbm>>
      %dma_start3A_50 = arith.constant 0 : i32
      %dma_start3A_51 = tpu.memref_slice %arg6[%arg0, %add3A_32, %dma_start3A_50] : memref<2x10240x32xf32, #tpu.memory_space<hbm>> -> memref<1x80x32xf32, #tpu.memory_space<hbm>>
      %dma_start3A_52 = tpu.memref_squeeze %dma_start3A_51 : memref<1x80x32xf32, #tpu.memory_space<hbm>> -> memref<80x32xf32, #tpu.memory_space<hbm>>
      tpu.enqueue_dma source(%arg14 : memref<80x32xf32, #tpu.memory_space<vmem>>) target(%dma_start3A_52 : memref<80x32xf32, #tpu.memory_space<hbm>>) target_semaphore(%run_scoped3A : memref<!tpu.dma_semaphore, #tpu.memory_space<semaphore_mem>>)
      %dma_wait3A = arith.constant 0 : i32
      %dma_wait3A_53 = tpu.memref_slice %arg6[%arg0, %add3A_32, %dma_wait3A] : memref<2x10240x32xf32, #tpu.memory_space<hbm>> -> memref<1x80x32xf32, #tpu.memory_space<hbm>>
      %dma_wait3A_54 = tpu.memref_squeeze %dma_wait3A_53 : memref<1x80x32xf32, #tpu.memory_space<hbm>> -> memref<80x32xf32, #tpu.memory_space<hbm>>
      %dma_wait3A_55 = arith.constant 0 : i32
      %dma_wait3A_56 = tpu.memref_slice %arg6[%arg0, %add3A_32, %dma_wait3A_55] : memref<2x10240x32xf32, #tpu.memory_space<hbm>> -> memref<1x80x32xf32, #tpu.memory_space<hbm>>
      %dma_wait3A_57 = tpu.memref_squeeze %dma_wait3A_56 : memref<1x80x32xf32, #tpu.memory_space<hbm>> -> memref<80x32xf32, #tpu.memory_space<hbm>>
      tpu.wait_dma2 semaphore(%run_scoped3A : memref<!tpu.dma_semaphore, #tpu.memory_space<semaphore_mem>>) src(%arg14 : memref<80x32xf32, #tpu.memory_space<vmem>>) dst(%dma_wait3A_57 : memref<80x32xf32, #tpu.memory_space<hbm>>)
      tpu.yield
    }) : () -> ()
    %add3A_33 = arith.constant 80 : i32
    %add3A_34 = arith.addi %mul3A_2, %add3A_33 : i32
    "tpu.region"() ({
      %run_scoped3A = tpu.sem_alloc : memref<!tpu.dma_semaphore, #tpu.memory_space<semaphore_mem>>
      %dma_start3A_47 = arith.constant 0 : i32
      %dma_start3A_48 = tpu.memref_slice %arg7[%add3A_34, %dma_start3A_47] : memref<10240x32xf32, #tpu.memory_space<vmem_shared>> -> memref<80x32xf32, #tpu.memory_space<vmem_shared>>
      %dma_start3A_49 = arith.constant 0 : i32
      %dma_start3A_50 = tpu.memref_slice %arg7[%add3A_34, %dma_start3A_49] : memref<10240x32xf32, #tpu.memory_space<vmem_shared>> -> memref<80x32xf32, #tpu.memory_space<vmem_shared>>
      tpu.enqueue_dma source(%dma_start3A_50 : memref<80x32xf32, #tpu.memory_space<vmem_shared>>) target(%arg14 : memref<80x32xf32, #tpu.memory_space<vmem>>) target_semaphore(%run_scoped3A : memref<!tpu.dma_semaphore, #tpu.memory_space<semaphore_mem>>)
      %dma_wait3A = arith.constant 0 : i32
      %dma_wait3A_51 = tpu.memref_slice %arg7[%add3A_34, %dma_wait3A] : memref<10240x32xf32, #tpu.memory_space<vmem_shared>> -> memref<80x32xf32, #tpu.memory_space<vmem_shared>>
      %dma_wait3A_52 = arith.constant 0 : i32
      %dma_wait3A_53 = tpu.memref_slice %arg7[%add3A_34, %dma_wait3A_52] : memref<10240x32xf32, #tpu.memory_space<vmem_shared>> -> memref<80x32xf32, #tpu.memory_space<vmem_shared>>
      tpu.wait_dma2 semaphore(%run_scoped3A : memref<!tpu.dma_semaphore, #tpu.memory_space<semaphore_mem>>) src(%dma_wait3A_53 : memref<80x32xf32, #tpu.memory_space<vmem_shared>>) dst(%arg14 : memref<80x32xf32, #tpu.memory_space<vmem>>)
      tpu.yield
    }) : () -> ()
    "tpu.region"() ({
      %run_scoped3A = tpu.sem_alloc : memref<!tpu.dma_semaphore, #tpu.memory_space<semaphore_mem>>
      %dma_start3A_47 = arith.constant 0 : i32
      %dma_start3A_48 = tpu.memref_slice %arg6[%arg0, %add3A_34, %dma_start3A_47] : memref<2x10240x32xf32, #tpu.memory_space<hbm>> -> memref<1x80x32xf32, #tpu.memory_space<hbm>>
      %dma_start3A_49 = tpu.memref_squeeze %dma_start3A_48 : memref<1x80x32xf32, #tpu.memory_space<hbm>> -> memref<80x32xf32, #tpu.memory_space<hbm>>
      %dma_start3A_50 = arith.constant 0 : i32
      %dma_start3A_51 = tpu.memref_slice %arg6[%arg0, %add3A_34, %dma_start3A_50] : memref<2x10240x32xf32, #tpu.memory_space<hbm>> -> memref<1x80x32xf32, #tpu.memory_space<hbm>>
      %dma_start3A_52 = tpu.memref_squeeze %dma_start3A_51 : memref<1x80x32xf32, #tpu.memory_space<hbm>> -> memref<80x32xf32, #tpu.memory_space<hbm>>
      tpu.enqueue_dma source(%arg14 : memref<80x32xf32, #tpu.memory_space<vmem>>) target(%dma_start3A_52 : memref<80x32xf32, #tpu.memory_space<hbm>>) target_semaphore(%run_scoped3A : memref<!tpu.dma_semaphore, #tpu.memory_space<semaphore_mem>>)
      %dma_wait3A = arith.constant 0 : i32
      %dma_wait3A_53 = tpu.memref_slice %arg6[%arg0, %add3A_34, %dma_wait3A] : memref<2x10240x32xf32, #tpu.memory_space<hbm>> -> memref<1x80x32xf32, #tpu.memory_space<hbm>>
      %dma_wait3A_54 = tpu.memref_squeeze %dma_wait3A_53 : memref<1x80x32xf32, #tpu.memory_space<hbm>> -> memref<80x32xf32, #tpu.memory_space<hbm>>
      %dma_wait3A_55 = arith.constant 0 : i32
      %dma_wait3A_56 = tpu.memref_slice %arg6[%arg0, %add3A_34, %dma_wait3A_55] : memref<2x10240x32xf32, #tpu.memory_space<hbm>> -> memref<1x80x32xf32, #tpu.memory_space<hbm>>
      %dma_wait3A_57 = tpu.memref_squeeze %dma_wait3A_56 : memref<1x80x32xf32, #tpu.memory_space<hbm>> -> memref<80x32xf32, #tpu.memory_space<hbm>>
      tpu.wait_dma2 semaphore(%run_scoped3A : memref<!tpu.dma_semaphore, #tpu.memory_space<semaphore_mem>>) src(%arg14 : memref<80x32xf32, #tpu.memory_space<vmem>>) dst(%dma_wait3A_57 : memref<80x32xf32, #tpu.memory_space<hbm>>)
      tpu.yield
    }) : () -> ()
    %add3A_35 = arith.constant 160 : i32
    %add3A_36 = arith.addi %mul3A_2, %add3A_35 : i32
    "tpu.region"() ({
      %run_scoped3A = tpu.sem_alloc : memref<!tpu.dma_semaphore, #tpu.memory_space<semaphore_mem>>
      %dma_start3A_47 = arith.constant 0 : i32
      %dma_start3A_48 = tpu.memref_slice %arg7[%add3A_36, %dma_start3A_47] : memref<10240x32xf32, #tpu.memory_space<vmem_shared>> -> memref<80x32xf32, #tpu.memory_space<vmem_shared>>
      %dma_start3A_49 = arith.constant 0 : i32
      %dma_start3A_50 = tpu.memref_slice %arg7[%add3A_36, %dma_start3A_49] : memref<10240x32xf32, #tpu.memory_space<vmem_shared>> -> memref<80x32xf32, #tpu.memory_space<vmem_shared>>
      tpu.enqueue_dma source(%dma_start3A_50 : memref<80x32xf32, #tpu.memory_space<vmem_shared>>) target(%arg14 : memref<80x32xf32, #tpu.memory_space<vmem>>) target_semaphore(%run_scoped3A : memref<!tpu.dma_semaphore, #tpu.memory_space<semaphore_mem>>)
      %dma_wait3A = arith.constant 0 : i32
      %dma_wait3A_51 = tpu.memref_slice %arg7[%add3A_36, %dma_wait3A] : memref<10240x32xf32, #tpu.memory_space<vmem_shared>> -> memref<80x32xf32, #tpu.memory_space<vmem_shared>>
      %dma_wait3A_52 = arith.constant 0 : i32
      %dma_wait3A_53 = tpu.memref_slice %arg7[%add3A_36, %dma_wait3A_52] : memref<10240x32xf32, #tpu.memory_space<vmem_shared>> -> memref<80x32xf32, #tpu.memory_space<vmem_shared>>
      tpu.wait_dma2 semaphore(%run_scoped3A : memref<!tpu.dma_semaphore, #tpu.memory_space<semaphore_mem>>) src(%dma_wait3A_53 : memref<80x32xf32, #tpu.memory_space<vmem_shared>>) dst(%arg14 : memref<80x32xf32, #tpu.memory_space<vmem>>)
      tpu.yield
    }) : () -> ()
    "tpu.region"() ({
      %run_scoped3A = tpu.sem_alloc : memref<!tpu.dma_semaphore, #tpu.memory_space<semaphore_mem>>
      %dma_start3A_47 = arith.constant 0 : i32
      %dma_start3A_48 = tpu.memref_slice %arg6[%arg0, %add3A_36, %dma_start3A_47] : memref<2x10240x32xf32, #tpu.memory_space<hbm>> -> memref<1x80x32xf32, #tpu.memory_space<hbm>>
      %dma_start3A_49 = tpu.memref_squeeze %dma_start3A_48 : memref<1x80x32xf32, #tpu.memory_space<hbm>> -> memref<80x32xf32, #tpu.memory_space<hbm>>
      %dma_start3A_50 = arith.constant 0 : i32
      %dma_start3A_51 = tpu.memref_slice %arg6[%arg0, %add3A_36, %dma_start3A_50] : memref<2x10240x32xf32, #tpu.memory_space<hbm>> -> memref<1x80x32xf32, #tpu.memory_space<hbm>>
      %dma_start3A_52 = tpu.memref_squeeze %dma_start3A_51 : memref<1x80x32xf32, #tpu.memory_space<hbm>> -> memref<80x32xf32, #tpu.memory_space<hbm>>
      tpu.enqueue_dma source(%arg14 : memref<80x32xf32, #tpu.memory_space<vmem>>) target(%dma_start3A_52 : memref<80x32xf32, #tpu.memory_space<hbm>>) target_semaphore(%run_scoped3A : memref<!tpu.dma_semaphore, #tpu.memory_space<semaphore_mem>>)
      %dma_wait3A = arith.constant 0 : i32
      %dma_wait3A_53 = tpu.memref_slice %arg6[%arg0, %add3A_36, %dma_wait3A] : memref<2x10240x32xf32, #tpu.memory_space<hbm>> -> memref<1x80x32xf32, #tpu.memory_space<hbm>>
      %dma_wait3A_54 = tpu.memref_squeeze %dma_wait3A_53 : memref<1x80x32xf32, #tpu.memory_space<hbm>> -> memref<80x32xf32, #tpu.memory_space<hbm>>
      %dma_wait3A_55 = arith.constant 0 : i32
      %dma_wait3A_56 = tpu.memref_slice %arg6[%arg0, %add3A_36, %dma_wait3A_55] : memref<2x10240x32xf32, #tpu.memory_space<hbm>> -> memref<1x80x32xf32, #tpu.memory_space<hbm>>
      %dma_wait3A_57 = tpu.memref_squeeze %dma_wait3A_56 : memref<1x80x32xf32, #tpu.memory_space<hbm>> -> memref<80x32xf32, #tpu.memory_space<hbm>>
      tpu.wait_dma2 semaphore(%run_scoped3A : memref<!tpu.dma_semaphore, #tpu.memory_space<semaphore_mem>>) src(%arg14 : memref<80x32xf32, #tpu.memory_space<vmem>>) dst(%dma_wait3A_57 : memref<80x32xf32, #tpu.memory_space<hbm>>)
      tpu.yield
    }) : () -> ()
    %add3A_37 = arith.constant 240 : i32
    %add3A_38 = arith.addi %mul3A_2, %add3A_37 : i32
    "tpu.region"() ({
      %run_scoped3A = tpu.sem_alloc : memref<!tpu.dma_semaphore, #tpu.memory_space<semaphore_mem>>
      %dma_start3A_47 = arith.constant 0 : i32
      %dma_start3A_48 = tpu.memref_slice %arg7[%add3A_38, %dma_start3A_47] : memref<10240x32xf32, #tpu.memory_space<vmem_shared>> -> memref<80x32xf32, #tpu.memory_space<vmem_shared>>
      %dma_start3A_49 = arith.constant 0 : i32
      %dma_start3A_50 = tpu.memref_slice %arg7[%add3A_38, %dma_start3A_49] : memref<10240x32xf32, #tpu.memory_space<vmem_shared>> -> memref<80x32xf32, #tpu.memory_space<vmem_shared>>
      tpu.enqueue_dma source(%dma_start3A_50 : memref<80x32xf32, #tpu.memory_space<vmem_shared>>) target(%arg14 : memref<80x32xf32, #tpu.memory_space<vmem>>) target_semaphore(%run_scoped3A : memref<!tpu.dma_semaphore, #tpu.memory_space<semaphore_mem>>)
      %dma_wait3A = arith.constant 0 : i32
      %dma_wait3A_51 = tpu.memref_slice %arg7[%add3A_38, %dma_wait3A] : memref<10240x32xf32, #tpu.memory_space<vmem_shared>> -> memref<80x32xf32, #tpu.memory_space<vmem_shared>>
      %dma_wait3A_52 = arith.constant 0 : i32
      %dma_wait3A_53 = tpu.memref_slice %arg7[%add3A_38, %dma_wait3A_52] : memref<10240x32xf32, #tpu.memory_space<vmem_shared>> -> memref<80x32xf32, #tpu.memory_space<vmem_shared>>
      tpu.wait_dma2 semaphore(%run_scoped3A : memref<!tpu.dma_semaphore, #tpu.memory_space<semaphore_mem>>) src(%dma_wait3A_53 : memref<80x32xf32, #tpu.memory_space<vmem_shared>>) dst(%arg14 : memref<80x32xf32, #tpu.memory_space<vmem>>)
      tpu.yield
    }) : () -> ()
    "tpu.region"() ({
      %run_scoped3A = tpu.sem_alloc : memref<!tpu.dma_semaphore, #tpu.memory_space<semaphore_mem>>
      %dma_start3A_47 = arith.constant 0 : i32
      %dma_start3A_48 = tpu.memref_slice %arg6[%arg0, %add3A_38, %dma_start3A_47] : memref<2x10240x32xf32, #tpu.memory_space<hbm>> -> memref<1x80x32xf32, #tpu.memory_space<hbm>>
      %dma_start3A_49 = tpu.memref_squeeze %dma_start3A_48 : memref<1x80x32xf32, #tpu.memory_space<hbm>> -> memref<80x32xf32, #tpu.memory_space<hbm>>
      %dma_start3A_50 = arith.constant 0 : i32
      %dma_start3A_51 = tpu.memref_slice %arg6[%arg0, %add3A_38, %dma_start3A_50] : memref<2x10240x32xf32, #tpu.memory_space<hbm>> -> memref<1x80x32xf32, #tpu.memory_space<hbm>>
      %dma_start3A_52 = tpu.memref_squeeze %dma_start3A_51 : memref<1x80x32xf32, #tpu.memory_space<hbm>> -> memref<80x32xf32, #tpu.memory_space<hbm>>
      tpu.enqueue_dma source(%arg14 : memref<80x32xf32, #tpu.memory_space<vmem>>) target(%dma_start3A_52 : memref<80x32xf32, #tpu.memory_space<hbm>>) target_semaphore(%run_scoped3A : memref<!tpu.dma_semaphore, #tpu.memory_space<semaphore_mem>>)
      %dma_wait3A = arith.constant 0 : i32
      %dma_wait3A_53 = tpu.memref_slice %arg6[%arg0, %add3A_38, %dma_wait3A] : memref<2x10240x32xf32, #tpu.memory_space<hbm>> -> memref<1x80x32xf32, #tpu.memory_space<hbm>>
      %dma_wait3A_54 = tpu.memref_squeeze %dma_wait3A_53 : memref<1x80x32xf32, #tpu.memory_space<hbm>> -> memref<80x32xf32, #tpu.memory_space<hbm>>
      %dma_wait3A_55 = arith.constant 0 : i32
      %dma_wait3A_56 = tpu.memref_slice %arg6[%arg0, %add3A_38, %dma_wait3A_55] : memref<2x10240x32xf32, #tpu.memory_space<hbm>> -> memref<1x80x32xf32, #tpu.memory_space<hbm>>
      %dma_wait3A_57 = tpu.memref_squeeze %dma_wait3A_56 : memref<1x80x32xf32, #tpu.memory_space<hbm>> -> memref<80x32xf32, #tpu.memory_space<hbm>>
      tpu.wait_dma2 semaphore(%run_scoped3A : memref<!tpu.dma_semaphore, #tpu.memory_space<semaphore_mem>>) src(%arg14 : memref<80x32xf32, #tpu.memory_space<vmem>>) dst(%dma_wait3A_57 : memref<80x32xf32, #tpu.memory_space<hbm>>)
      tpu.yield
    }) : () -> ()
    %add3A_39 = arith.constant 320 : i32
    %add3A_40 = arith.addi %mul3A_2, %add3A_39 : i32
    "tpu.region"() ({
      %run_scoped3A = tpu.sem_alloc : memref<!tpu.dma_semaphore, #tpu.memory_space<semaphore_mem>>
      %dma_start3A_47 = arith.constant 0 : i32
      %dma_start3A_48 = tpu.memref_slice %arg7[%add3A_40, %dma_start3A_47] : memref<10240x32xf32, #tpu.memory_space<vmem_shared>> -> memref<80x32xf32, #tpu.memory_space<vmem_shared>>
      %dma_start3A_49 = arith.constant 0 : i32
      %dma_start3A_50 = tpu.memref_slice %arg7[%add3A_40, %dma_start3A_49] : memref<10240x32xf32, #tpu.memory_space<vmem_shared>> -> memref<80x32xf32, #tpu.memory_space<vmem_shared>>
      tpu.enqueue_dma source(%dma_start3A_50 : memref<80x32xf32, #tpu.memory_space<vmem_shared>>) target(%arg14 : memref<80x32xf32, #tpu.memory_space<vmem>>) target_semaphore(%run_scoped3A : memref<!tpu.dma_semaphore, #tpu.memory_space<semaphore_mem>>)
      %dma_wait3A = arith.constant 0 : i32
      %dma_wait3A_51 = tpu.memref_slice %arg7[%add3A_40, %dma_wait3A] : memref<10240x32xf32, #tpu.memory_space<vmem_shared>> -> memref<80x32xf32, #tpu.memory_space<vmem_shared>>
      %dma_wait3A_52 = arith.constant 0 : i32
      %dma_wait3A_53 = tpu.memref_slice %arg7[%add3A_40, %dma_wait3A_52] : memref<10240x32xf32, #tpu.memory_space<vmem_shared>> -> memref<80x32xf32, #tpu.memory_space<vmem_shared>>
      tpu.wait_dma2 semaphore(%run_scoped3A : memref<!tpu.dma_semaphore, #tpu.memory_space<semaphore_mem>>) src(%dma_wait3A_53 : memref<80x32xf32, #tpu.memory_space<vmem_shared>>) dst(%arg14 : memref<80x32xf32, #tpu.memory_space<vmem>>)
      tpu.yield
    }) : () -> ()
    "tpu.region"() ({
      %run_scoped3A = tpu.sem_alloc : memref<!tpu.dma_semaphore, #tpu.memory_space<semaphore_mem>>
      %dma_start3A_47 = arith.constant 0 : i32
      %dma_start3A_48 = tpu.memref_slice %arg6[%arg0, %add3A_40, %dma_start3A_47] : memref<2x10240x32xf32, #tpu.memory_space<hbm>> -> memref<1x80x32xf32, #tpu.memory_space<hbm>>
      %dma_start3A_49 = tpu.memref_squeeze %dma_start3A_48 : memref<1x80x32xf32, #tpu.memory_space<hbm>> -> memref<80x32xf32, #tpu.memory_space<hbm>>
      %dma_start3A_50 = arith.constant 0 : i32
      %dma_start3A_51 = tpu.memref_slice %arg6[%arg0, %add3A_40, %dma_start3A_50] : memref<2x10240x32xf32, #tpu.memory_space<hbm>> -> memref<1x80x32xf32, #tpu.memory_space<hbm>>
      %dma_start3A_52 = tpu.memref_squeeze %dma_start3A_51 : memref<1x80x32xf32, #tpu.memory_space<hbm>> -> memref<80x32xf32, #tpu.memory_space<hbm>>
      tpu.enqueue_dma source(%arg14 : memref<80x32xf32, #tpu.memory_space<vmem>>) target(%dma_start3A_52 : memref<80x32xf32, #tpu.memory_space<hbm>>) target_semaphore(%run_scoped3A : memref<!tpu.dma_semaphore, #tpu.memory_space<semaphore_mem>>)
      %dma_wait3A = arith.constant 0 : i32
      %dma_wait3A_53 = tpu.memref_slice %arg6[%arg0, %add3A_40, %dma_wait3A] : memref<2x10240x32xf32, #tpu.memory_space<hbm>> -> memref<1x80x32xf32, #tpu.memory_space<hbm>>
      %dma_wait3A_54 = tpu.memref_squeeze %dma_wait3A_53 : memref<1x80x32xf32, #tpu.memory_space<hbm>> -> memref<80x32xf32, #tpu.memory_space<hbm>>
      %dma_wait3A_55 = arith.constant 0 : i32
      %dma_wait3A_56 = tpu.memref_slice %arg6[%arg0, %add3A_40, %dma_wait3A_55] : memref<2x10240x32xf32, #tpu.memory_space<hbm>> -> memref<1x80x32xf32, #tpu.memory_space<hbm>>
      %dma_wait3A_57 = tpu.memref_squeeze %dma_wait3A_56 : memref<1x80x32xf32, #tpu.memory_space<hbm>> -> memref<80x32xf32, #tpu.memory_space<hbm>>
      tpu.wait_dma2 semaphore(%run_scoped3A : memref<!tpu.dma_semaphore, #tpu.memory_space<semaphore_mem>>) src(%arg14 : memref<80x32xf32, #tpu.memory_space<vmem>>) dst(%dma_wait3A_57 : memref<80x32xf32, #tpu.memory_space<hbm>>)
      tpu.yield
    }) : () -> ()
    %add3A_41 = arith.constant 400 : i32
    %add3A_42 = arith.addi %mul3A_2, %add3A_41 : i32
    "tpu.region"() ({
      %run_scoped3A = tpu.sem_alloc : memref<!tpu.dma_semaphore, #tpu.memory_space<semaphore_mem>>
      %dma_start3A_47 = arith.constant 0 : i32
      %dma_start3A_48 = tpu.memref_slice %arg7[%add3A_42, %dma_start3A_47] : memref<10240x32xf32, #tpu.memory_space<vmem_shared>> -> memref<80x32xf32, #tpu.memory_space<vmem_shared>>
      %dma_start3A_49 = arith.constant 0 : i32
      %dma_start3A_50 = tpu.memref_slice %arg7[%add3A_42, %dma_start3A_49] : memref<10240x32xf32, #tpu.memory_space<vmem_shared>> -> memref<80x32xf32, #tpu.memory_space<vmem_shared>>
      tpu.enqueue_dma source(%dma_start3A_50 : memref<80x32xf32, #tpu.memory_space<vmem_shared>>) target(%arg14 : memref<80x32xf32, #tpu.memory_space<vmem>>) target_semaphore(%run_scoped3A : memref<!tpu.dma_semaphore, #tpu.memory_space<semaphore_mem>>)
      %dma_wait3A = arith.constant 0 : i32
      %dma_wait3A_51 = tpu.memref_slice %arg7[%add3A_42, %dma_wait3A] : memref<10240x32xf32, #tpu.memory_space<vmem_shared>> -> memref<80x32xf32, #tpu.memory_space<vmem_shared>>
      %dma_wait3A_52 = arith.constant 0 : i32
      %dma_wait3A_53 = tpu.memref_slice %arg7[%add3A_42, %dma_wait3A_52] : memref<10240x32xf32, #tpu.memory_space<vmem_shared>> -> memref<80x32xf32, #tpu.memory_space<vmem_shared>>
      tpu.wait_dma2 semaphore(%run_scoped3A : memref<!tpu.dma_semaphore, #tpu.memory_space<semaphore_mem>>) src(%dma_wait3A_53 : memref<80x32xf32, #tpu.memory_space<vmem_shared>>) dst(%arg14 : memref<80x32xf32, #tpu.memory_space<vmem>>)
      tpu.yield
    }) : () -> ()
    "tpu.region"() ({
      %run_scoped3A = tpu.sem_alloc : memref<!tpu.dma_semaphore, #tpu.memory_space<semaphore_mem>>
      %dma_start3A_47 = arith.constant 0 : i32
      %dma_start3A_48 = tpu.memref_slice %arg6[%arg0, %add3A_42, %dma_start3A_47] : memref<2x10240x32xf32, #tpu.memory_space<hbm>> -> memref<1x80x32xf32, #tpu.memory_space<hbm>>
      %dma_start3A_49 = tpu.memref_squeeze %dma_start3A_48 : memref<1x80x32xf32, #tpu.memory_space<hbm>> -> memref<80x32xf32, #tpu.memory_space<hbm>>
      %dma_start3A_50 = arith.constant 0 : i32
      %dma_start3A_51 = tpu.memref_slice %arg6[%arg0, %add3A_42, %dma_start3A_50] : memref<2x10240x32xf32, #tpu.memory_space<hbm>> -> memref<1x80x32xf32, #tpu.memory_space<hbm>>
      %dma_start3A_52 = tpu.memref_squeeze %dma_start3A_51 : memref<1x80x32xf32, #tpu.memory_space<hbm>> -> memref<80x32xf32, #tpu.memory_space<hbm>>
      tpu.enqueue_dma source(%arg14 : memref<80x32xf32, #tpu.memory_space<vmem>>) target(%dma_start3A_52 : memref<80x32xf32, #tpu.memory_space<hbm>>) target_semaphore(%run_scoped3A : memref<!tpu.dma_semaphore, #tpu.memory_space<semaphore_mem>>)
      %dma_wait3A = arith.constant 0 : i32
      %dma_wait3A_53 = tpu.memref_slice %arg6[%arg0, %add3A_42, %dma_wait3A] : memref<2x10240x32xf32, #tpu.memory_space<hbm>> -> memref<1x80x32xf32, #tpu.memory_space<hbm>>
      %dma_wait3A_54 = tpu.memref_squeeze %dma_wait3A_53 : memref<1x80x32xf32, #tpu.memory_space<hbm>> -> memref<80x32xf32, #tpu.memory_space<hbm>>
      %dma_wait3A_55 = arith.constant 0 : i32
      %dma_wait3A_56 = tpu.memref_slice %arg6[%arg0, %add3A_42, %dma_wait3A_55] : memref<2x10240x32xf32, #tpu.memory_space<hbm>> -> memref<1x80x32xf32, #tpu.memory_space<hbm>>
      %dma_wait3A_57 = tpu.memref_squeeze %dma_wait3A_56 : memref<1x80x32xf32, #tpu.memory_space<hbm>> -> memref<80x32xf32, #tpu.memory_space<hbm>>
      tpu.wait_dma2 semaphore(%run_scoped3A : memref<!tpu.dma_semaphore, #tpu.memory_space<semaphore_mem>>) src(%arg14 : memref<80x32xf32, #tpu.memory_space<vmem>>) dst(%dma_wait3A_57 : memref<80x32xf32, #tpu.memory_space<hbm>>)
      tpu.yield
    }) : () -> ()
    %add3A_43 = arith.constant 480 : i32
    %add3A_44 = arith.addi %mul3A_2, %add3A_43 : i32
    "tpu.region"() ({
      %run_scoped3A = tpu.sem_alloc : memref<!tpu.dma_semaphore, #tpu.memory_space<semaphore_mem>>
      %dma_start3A_47 = arith.constant 0 : i32
      %dma_start3A_48 = tpu.memref_slice %arg7[%add3A_44, %dma_start3A_47] : memref<10240x32xf32, #tpu.memory_space<vmem_shared>> -> memref<80x32xf32, #tpu.memory_space<vmem_shared>>
      %dma_start3A_49 = arith.constant 0 : i32
      %dma_start3A_50 = tpu.memref_slice %arg7[%add3A_44, %dma_start3A_49] : memref<10240x32xf32, #tpu.memory_space<vmem_shared>> -> memref<80x32xf32, #tpu.memory_space<vmem_shared>>
      tpu.enqueue_dma source(%dma_start3A_50 : memref<80x32xf32, #tpu.memory_space<vmem_shared>>) target(%arg14 : memref<80x32xf32, #tpu.memory_space<vmem>>) target_semaphore(%run_scoped3A : memref<!tpu.dma_semaphore, #tpu.memory_space<semaphore_mem>>)
      %dma_wait3A = arith.constant 0 : i32
      %dma_wait3A_51 = tpu.memref_slice %arg7[%add3A_44, %dma_wait3A] : memref<10240x32xf32, #tpu.memory_space<vmem_shared>> -> memref<80x32xf32, #tpu.memory_space<vmem_shared>>
      %dma_wait3A_52 = arith.constant 0 : i32
      %dma_wait3A_53 = tpu.memref_slice %arg7[%add3A_44, %dma_wait3A_52] : memref<10240x32xf32, #tpu.memory_space<vmem_shared>> -> memref<80x32xf32, #tpu.memory_space<vmem_shared>>
      tpu.wait_dma2 semaphore(%run_scoped3A : memref<!tpu.dma_semaphore, #tpu.memory_space<semaphore_mem>>) src(%dma_wait3A_53 : memref<80x32xf32, #tpu.memory_space<vmem_shared>>) dst(%arg14 : memref<80x32xf32, #tpu.memory_space<vmem>>)
      tpu.yield
    }) : () -> ()
    "tpu.region"() ({
      %run_scoped3A = tpu.sem_alloc : memref<!tpu.dma_semaphore, #tpu.memory_space<semaphore_mem>>
      %dma_start3A_47 = arith.constant 0 : i32
      %dma_start3A_48 = tpu.memref_slice %arg6[%arg0, %add3A_44, %dma_start3A_47] : memref<2x10240x32xf32, #tpu.memory_space<hbm>> -> memref<1x80x32xf32, #tpu.memory_space<hbm>>
      %dma_start3A_49 = tpu.memref_squeeze %dma_start3A_48 : memref<1x80x32xf32, #tpu.memory_space<hbm>> -> memref<80x32xf32, #tpu.memory_space<hbm>>
      %dma_start3A_50 = arith.constant 0 : i32
      %dma_start3A_51 = tpu.memref_slice %arg6[%arg0, %add3A_44, %dma_start3A_50] : memref<2x10240x32xf32, #tpu.memory_space<hbm>> -> memref<1x80x32xf32, #tpu.memory_space<hbm>>
      %dma_start3A_52 = tpu.memref_squeeze %dma_start3A_51 : memref<1x80x32xf32, #tpu.memory_space<hbm>> -> memref<80x32xf32, #tpu.memory_space<hbm>>
      tpu.enqueue_dma source(%arg14 : memref<80x32xf32, #tpu.memory_space<vmem>>) target(%dma_start3A_52 : memref<80x32xf32, #tpu.memory_space<hbm>>) target_semaphore(%run_scoped3A : memref<!tpu.dma_semaphore, #tpu.memory_space<semaphore_mem>>)
      %dma_wait3A = arith.constant 0 : i32
      %dma_wait3A_53 = tpu.memref_slice %arg6[%arg0, %add3A_44, %dma_wait3A] : memref<2x10240x32xf32, #tpu.memory_space<hbm>> -> memref<1x80x32xf32, #tpu.memory_space<hbm>>
      %dma_wait3A_54 = tpu.memref_squeeze %dma_wait3A_53 : memref<1x80x32xf32, #tpu.memory_space<hbm>> -> memref<80x32xf32, #tpu.memory_space<hbm>>
      %dma_wait3A_55 = arith.constant 0 : i32
      %dma_wait3A_56 = tpu.memref_slice %arg6[%arg0, %add3A_44, %dma_wait3A_55] : memref<2x10240x32xf32, #tpu.memory_space<hbm>> -> memref<1x80x32xf32, #tpu.memory_space<hbm>>
      %dma_wait3A_57 = tpu.memref_squeeze %dma_wait3A_56 : memref<1x80x32xf32, #tpu.memory_space<hbm>> -> memref<80x32xf32, #tpu.memory_space<hbm>>
      tpu.wait_dma2 semaphore(%run_scoped3A : memref<!tpu.dma_semaphore, #tpu.memory_space<semaphore_mem>>) src(%arg14 : memref<80x32xf32, #tpu.memory_space<vmem>>) dst(%dma_wait3A_57 : memref<80x32xf32, #tpu.memory_space<hbm>>)
      tpu.yield
    }) : () -> ()
    %add3A_45 = arith.constant 560 : i32
    %add3A_46 = arith.addi %mul3A_2, %add3A_45 : i32
    "tpu.region"() ({
      %run_scoped3A = tpu.sem_alloc : memref<!tpu.dma_semaphore, #tpu.memory_space<semaphore_mem>>
      %dma_start3A_47 = arith.constant 0 : i32
      %dma_start3A_48 = tpu.memref_slice %arg7[%add3A_46, %dma_start3A_47] : memref<10240x32xf32, #tpu.memory_space<vmem_shared>> -> memref<80x32xf32, #tpu.memory_space<vmem_shared>>
      %dma_start3A_49 = arith.constant 0 : i32
      %dma_start3A_50 = tpu.memref_slice %arg7[%add3A_46, %dma_start3A_49] : memref<10240x32xf32, #tpu.memory_space<vmem_shared>> -> memref<80x32xf32, #tpu.memory_space<vmem_shared>>
      tpu.enqueue_dma source(%dma_start3A_50 : memref<80x32xf32, #tpu.memory_space<vmem_shared>>) target(%arg14 : memref<80x32xf32, #tpu.memory_space<vmem>>) target_semaphore(%run_scoped3A : memref<!tpu.dma_semaphore, #tpu.memory_space<semaphore_mem>>)
      %dma_wait3A = arith.constant 0 : i32
      %dma_wait3A_51 = tpu.memref_slice %arg7[%add3A_46, %dma_wait3A] : memref<10240x32xf32, #tpu.memory_space<vmem_shared>> -> memref<80x32xf32, #tpu.memory_space<vmem_shared>>
      %dma_wait3A_52 = arith.constant 0 : i32
      %dma_wait3A_53 = tpu.memref_slice %arg7[%add3A_46, %dma_wait3A_52] : memref<10240x32xf32, #tpu.memory_space<vmem_shared>> -> memref<80x32xf32, #tpu.memory_space<vmem_shared>>
      tpu.wait_dma2 semaphore(%run_scoped3A : memref<!tpu.dma_semaphore, #tpu.memory_space<semaphore_mem>>) src(%dma_wait3A_53 : memref<80x32xf32, #tpu.memory_space<vmem_shared>>) dst(%arg14 : memref<80x32xf32, #tpu.memory_space<vmem>>)
      tpu.yield
    }) : () -> ()
    "tpu.region"() ({
      %run_scoped3A = tpu.sem_alloc : memref<!tpu.dma_semaphore, #tpu.memory_space<semaphore_mem>>
      %dma_start3A_47 = arith.constant 0 : i32
      %dma_start3A_48 = tpu.memref_slice %arg6[%arg0, %add3A_46, %dma_start3A_47] : memref<2x10240x32xf32, #tpu.memory_space<hbm>> -> memref<1x80x32xf32, #tpu.memory_space<hbm>>
      %dma_start3A_49 = tpu.memref_squeeze %dma_start3A_48 : memref<1x80x32xf32, #tpu.memory_space<hbm>> -> memref<80x32xf32, #tpu.memory_space<hbm>>
      %dma_start3A_50 = arith.constant 0 : i32
      %dma_start3A_51 = tpu.memref_slice %arg6[%arg0, %add3A_46, %dma_start3A_50] : memref<2x10240x32xf32, #tpu.memory_space<hbm>> -> memref<1x80x32xf32, #tpu.memory_space<hbm>>
      %dma_start3A_52 = tpu.memref_squeeze %dma_start3A_51 : memref<1x80x32xf32, #tpu.memory_space<hbm>> -> memref<80x32xf32, #tpu.memory_space<hbm>>
      tpu.enqueue_dma source(%arg14 : memref<80x32xf32, #tpu.memory_space<vmem>>) target(%dma_start3A_52 : memref<80x32xf32, #tpu.memory_space<hbm>>) target_semaphore(%run_scoped3A : memref<!tpu.dma_semaphore, #tpu.memory_space<semaphore_mem>>)
      %dma_wait3A = arith.constant 0 : i32
      %dma_wait3A_53 = tpu.memref_slice %arg6[%arg0, %add3A_46, %dma_wait3A] : memref<2x10240x32xf32, #tpu.memory_space<hbm>> -> memref<1x80x32xf32, #tpu.memory_space<hbm>>
      %dma_wait3A_54 = tpu.memref_squeeze %dma_wait3A_53 : memref<1x80x32xf32, #tpu.memory_space<hbm>> -> memref<80x32xf32, #tpu.memory_space<hbm>>
      %dma_wait3A_55 = arith.constant 0 : i32
      %dma_wait3A_56 = tpu.memref_slice %arg6[%arg0, %add3A_46, %dma_wait3A_55] : memref<2x10240x32xf32, #tpu.memory_space<hbm>> -> memref<1x80x32xf32, #tpu.memory_space<hbm>>
      %dma_wait3A_57 = tpu.memref_squeeze %dma_wait3A_56 : memref<1x80x32xf32, #tpu.memory_space<hbm>> -> memref<80x32xf32, #tpu.memory_space<hbm>>
      tpu.wait_dma2 semaphore(%run_scoped3A : memref<!tpu.dma_semaphore, #tpu.memory_space<semaphore_mem>>) src(%arg14 : memref<80x32xf32, #tpu.memory_space<vmem>>) dst(%dma_wait3A_57 : memref<80x32xf32, #tpu.memory_space<hbm>>)
      tpu.yield
    }) : () -> ()
    return
  }
}

module attributes {stable_mosaic.version = 14 : i64} {
  func.func @_tc1_body(%arg0: memref<10000x128xf32, #tpu.memory_space<vmem>>, %arg1: memref<128x32xf32, #tpu.memory_space<vmem>>, %arg2: memref<32xf32, #tpu.memory_space<vmem>>, %arg3: memref<128x32xf32, #tpu.memory_space<vmem>>, %arg4: memref<32xf32, #tpu.memory_space<vmem>>, %arg5: memref<32xf32, #tpu.memory_space<vmem>>, %arg6: memref<32xf32, #tpu.memory_space<vmem>>, %arg7: memref<32xf32, #tpu.memory_space<vmem>>, %arg8: memref<10240x32xf32, #tpu.memory_space<vmem>>, %arg9: memref<10000x32xf32, #tpu.memory_space<vmem>>) attributes {dimension_semantics = [], scalar_prefetch = 0 : i64, scratch_operands = 0 : i64, tpu.core_type = #tpu.core_type<tc>} {
    %get3A = arith.constant 0 : index
    %get3A_0 = vector.load %arg4[%get3A] : memref<32xf32, #tpu.memory_space<vmem>>, vector<32xf32>
    %get3A_1 = arith.constant 0 : index
    %get3A_2 = vector.load %arg7[%get3A_1] : memref<32xf32, #tpu.memory_space<vmem>>, vector<32xf32>
    %add3A = arith.constant 9.99999974E-6 : f32
    %add3A_3 = vector.broadcast %add3A : f32 to vector<32xf32>
    %add3A_4 = arith.addf %get3A_2, %add3A_3 : vector<32xf32>
    %rsqrt3A = math.rsqrt %add3A_4 : vector<32xf32>
    %mul3A = arith.mulf %get3A_0, %rsqrt3A : vector<32xf32>
    %get3A_5 = arith.constant 0 : index
    %get3A_6 = vector.load %arg2[%get3A_5] : memref<32xf32, #tpu.memory_space<vmem>>, vector<32xf32>
    %get3A_7 = arith.constant 0 : index
    %get3A_8 = vector.load %arg6[%get3A_7] : memref<32xf32, #tpu.memory_space<vmem>>, vector<32xf32>
    %sub3A = arith.subf %get3A_6, %get3A_8 : vector<32xf32>
    %mul3A_9 = arith.mulf %sub3A, %mul3A : vector<32xf32>
    %get3A_10 = arith.constant 0 : index
    %get3A_11 = vector.load %arg5[%get3A_10] : memref<32xf32, #tpu.memory_space<vmem>>, vector<32xf32>
    %add3A_12 = arith.addf %mul3A_9, %get3A_11 : vector<32xf32>
    %get3A_13 = arith.constant 0 : index
    %get3A_14 = arith.constant 0 : index
    %get3A_15 = vector.load %arg1[%get3A_13, %get3A_14] : memref<128x32xf32, #tpu.memory_space<vmem>>, vector<128x32xf32>
    %broadcast_in_dim3A = vector.shape_cast %mul3A : vector<32xf32> to vector<1x32xf32>
    %mul3A_16 = vector.broadcast %broadcast_in_dim3A : vector<1x32xf32> to vector<128x32xf32>
    %mul3A_17 = arith.mulf %get3A_15, %mul3A_16 : vector<128x32xf32>
    %get3A_18 = arith.constant 0 : index
    %get3A_19 = arith.constant 0 : index
    %get3A_20 = vector.load %arg3[%get3A_18, %get3A_19] : memref<128x32xf32, #tpu.memory_space<vmem>>, vector<128x32xf32>
    %broadcast_in_dim3A_21 = vector.shape_cast %mul3A : vector<32xf32> to vector<1x32xf32>
    %mul3A_22 = vector.broadcast %broadcast_in_dim3A_21 : vector<1x32xf32> to vector<128x32xf32>
    %mul3A_23 = arith.mulf %get3A_20, %mul3A_22 : vector<128x32xf32>
    %concatenate3A = tpu.concatenate %mul3A_17, %mul3A_23 in 1 : vector<128x32xf32>, vector<128x32xf32> -> vector<128x64xf32>
    %get3A_24 = arith.constant 0 : index
    %get3A_25 = arith.constant 0 : index
    %get3A_26 = vector.load %arg0[%get3A_24, %get3A_25] : memref<10000x128xf32, #tpu.memory_space<vmem>>, vector<10000x128xf32>
    %dot_general3A = arith.constant dense<0.000000e+00> : vector<10000x64xf32>
    %dot_general3A_27 = tpu.matmul %get3A_26, %concatenate3A, %dot_general3A {dimension_numbers = #tpu.dot_dimension_numbers<[1], [0], [0], [1], [0, 0, 1, 1], [], []>, transpose_lhs_hint = false} : vector<10000x128xf32>, vector<128x64xf32>, vector<10000x64xf32> -> vector<10000x64xf32>
    %slice3A = vector.extract_strided_slice %dot_general3A_27 {offsets = [0, 0], sizes = [10000, 32], strides = [1, 1]} : vector<10000x64xf32> to vector<10000x32xf32>
    %swap3A = arith.constant 0 : index
    %swap3A_28 = arith.constant 0 : index
    %swap3A_29 = vector.load %arg8[%swap3A, %swap3A_28] : memref<10240x32xf32, #tpu.memory_space<vmem>>, vector<10000x32xf32>
    tpu.vector_store %arg8[%swap3A, %swap3A_28], %slice3A {strides = array<i32>} : memref<10240x32xf32, #tpu.memory_space<vmem>>, vector<10000x32xf32>,
    %broadcast_in_dim3A_30 = arith.constant 0.000000e+00 : f32
    %broadcast_in_dim3A_31 = vector.broadcast %broadcast_in_dim3A_30 : f32 to vector<240x32xf32>
    %swap3A_32 = arith.constant 10000 : index
    %swap3A_33 = arith.constant 0 : index
    %swap3A_34 = vector.load %arg8[%swap3A_32, %swap3A_33] : memref<10240x32xf32, #tpu.memory_space<vmem>>, vector<240x32xf32>
    tpu.vector_store %arg8[%swap3A_32, %swap3A_33], %broadcast_in_dim3A_31 {strides = array<i32>} : memref<10240x32xf32, #tpu.memory_space<vmem>>, vector<240x32xf32>,
    %slice3A_35 = vector.extract_strided_slice %dot_general3A_27 {offsets = [0, 32], sizes = [10000, 32], strides = [1, 1]} : vector<10000x64xf32> to vector<10000x32xf32>
    %broadcast_in_dim3A_36 = vector.shape_cast %add3A_12 : vector<32xf32> to vector<1x32xf32>
    %add3A_37 = vector.broadcast %broadcast_in_dim3A_36 : vector<1x32xf32> to vector<10000x32xf32>
    %add3A_38 = arith.addf %slice3A_35, %add3A_37 : vector<10000x32xf32>
    %swap3A_39 = arith.constant 0 : index
    %swap3A_40 = arith.constant 0 : index
    %swap3A_41 = vector.load %arg9[%swap3A_39, %swap3A_40] : memref<10000x32xf32, #tpu.memory_space<vmem>>, vector<10000x32xf32>
    tpu.vector_store %arg9[%swap3A_39, %swap3A_40], %add3A_38 {strides = array<i32>} : memref<10000x32xf32, #tpu.memory_space<vmem>>, vector<10000x32xf32>,
    return
  }
}

module attributes {stable_mosaic.version = 14 : i64} {
  func.func @_tc2_body(%arg0: memref<2x10240x32xf32, #tpu.memory_space<vmem>>, %arg1: memref<2x10240x16xf32, #tpu.memory_space<vmem>>, %arg2: memref<10000x32xf32, #tpu.memory_space<vmem>>, %arg3: memref<32x32xf32, #tpu.memory_space<vmem>>, %arg4: memref<32xf32, #tpu.memory_space<vmem>>, %arg5: memref<32x32xf32, #tpu.memory_space<vmem>>, %arg6: memref<32xf32, #tpu.memory_space<vmem>>, %arg7: memref<32xf32, #tpu.memory_space<vmem>>, %arg8: memref<32xf32, #tpu.memory_space<vmem>>, %arg9: memref<32xf32, #tpu.memory_space<vmem>>, %arg10: memref<10240x32xf32, #tpu.memory_space<vmem>>, %arg11: memref<10000x32xf32, #tpu.memory_space<vmem>>, %arg12: memref<10000x1xf32, #tpu.memory_space<vmem>>) attributes {dimension_semantics = [], scalar_prefetch = 0 : i64, scratch_operands = 0 : i64, tpu.core_type = #tpu.core_type<tc>} {
    %get3A = arith.constant 0 : index
    %get3A_0 = arith.constant 0 : index
    %get3A_1 = arith.constant 0 : index
    %get3A_2 = vector.load %arg0[%get3A, %get3A_0, %get3A_1] : memref<2x10240x32xf32, #tpu.memory_space<vmem>>, vector<1x10000x32xf32>
    %get3A_3 = vector.shape_cast %get3A_2 : vector<1x10000x32xf32> to vector<10000x32xf32>
    %get3A_4 = arith.constant 1 : index
    %get3A_5 = arith.constant 0 : index
    %get3A_6 = arith.constant 0 : index
    %get3A_7 = vector.load %arg0[%get3A_4, %get3A_5, %get3A_6] : memref<2x10240x32xf32, #tpu.memory_space<vmem>>, vector<1x10000x32xf32>
    %get3A_8 = vector.shape_cast %get3A_7 : vector<1x10000x32xf32> to vector<10000x32xf32>
    %add3A = arith.addf %get3A_3, %get3A_8 : vector<10000x32xf32>
    %get3A_9 = arith.constant 0 : index
    %get3A_10 = arith.constant 0 : index
    %get3A_11 = arith.constant 0 : index
    %get3A_12 = vector.load %arg1[%get3A_9, %get3A_10, %get3A_11] : memref<2x10240x16xf32, #tpu.memory_space<vmem>>, vector<1x10000x1xf32>
    %get3A_13 = vector.shape_cast %get3A_12 : vector<1x10000x1xf32> to vector<10000x1xf32>
    %get3A_14 = arith.constant 1 : index
    %get3A_15 = arith.constant 0 : index
    %get3A_16 = arith.constant 0 : index
    %get3A_17 = vector.load %arg1[%get3A_14, %get3A_15, %get3A_16] : memref<2x10240x16xf32, #tpu.memory_space<vmem>>, vector<1x10000x1xf32>
    %get3A_18 = vector.shape_cast %get3A_17 : vector<1x10000x1xf32> to vector<10000x1xf32>
    %add3A_19 = arith.addf %get3A_13, %get3A_18 : vector<10000x1xf32>
    %max3A = arith.constant 1.000000e+00 : f32
    %max3A_20 = vector.broadcast %max3A : f32 to vector<10000x1xf32>
    %max3A_21 = arith.maximumf %add3A_19, %max3A_20 : vector<10000x1xf32>
    %div3A = arith.constant 1.000000e+00 : f32
    %div3A_22 = vector.broadcast %div3A : f32 to vector<10000x1xf32>
    %div3A_23 = arith.divf %div3A_22, %max3A_21 : vector<10000x1xf32>
    %mul3A = vector.broadcast %div3A_23 : vector<10000x1xf32> to vector<10000x32xf32>
    %mul3A_24 = arith.mulf %add3A, %mul3A : vector<10000x32xf32>
    %get3A_25 = arith.constant 0 : index
    %get3A_26 = arith.constant 0 : index
    %get3A_27 = vector.load %arg2[%get3A_25, %get3A_26] : memref<10000x32xf32, #tpu.memory_space<vmem>>, vector<10000x32xf32>
    %add3A_28 = arith.addf %mul3A_24, %get3A_27 : vector<10000x32xf32>
    %max3A_29 = arith.constant 0.000000e+00 : f32
    %max3A_30 = vector.broadcast %max3A_29 : f32 to vector<10000x32xf32>
    %max3A_31 = arith.maximumf %add3A_28, %max3A_30 : vector<10000x32xf32>
    %get3A_32 = arith.constant 0 : index
    %get3A_33 = vector.load %arg6[%get3A_32] : memref<32xf32, #tpu.memory_space<vmem>>, vector<32xf32>
    %get3A_34 = arith.constant 0 : index
    %get3A_35 = vector.load %arg9[%get3A_34] : memref<32xf32, #tpu.memory_space<vmem>>, vector<32xf32>
    %add3A_36 = arith.constant 9.99999974E-6 : f32
    %add3A_37 = vector.broadcast %add3A_36 : f32 to vector<32xf32>
    %add3A_38 = arith.addf %get3A_35, %add3A_37 : vector<32xf32>
    %rsqrt3A = math.rsqrt %add3A_38 : vector<32xf32>
    %mul3A_39 = arith.mulf %get3A_33, %rsqrt3A : vector<32xf32>
    %get3A_40 = arith.constant 0 : index
    %get3A_41 = vector.load %arg4[%get3A_40] : memref<32xf32, #tpu.memory_space<vmem>>, vector<32xf32>
    %get3A_42 = arith.constant 0 : index
    %get3A_43 = vector.load %arg8[%get3A_42] : memref<32xf32, #tpu.memory_space<vmem>>, vector<32xf32>
    %sub3A = arith.subf %get3A_41, %get3A_43 : vector<32xf32>
    %mul3A_44 = arith.mulf %sub3A, %mul3A_39 : vector<32xf32>
    %get3A_45 = arith.constant 0 : index
    %get3A_46 = vector.load %arg7[%get3A_45] : memref<32xf32, #tpu.memory_space<vmem>>, vector<32xf32>
    %add3A_47 = arith.addf %mul3A_44, %get3A_46 : vector<32xf32>
    %get3A_48 = arith.constant 0 : index
    %get3A_49 = arith.constant 0 : index
    %get3A_50 = vector.load %arg3[%get3A_48, %get3A_49] : memref<32x32xf32, #tpu.memory_space<vmem>>, vector<32x32xf32>
    %broadcast_in_dim3A = vector.shape_cast %mul3A_39 : vector<32xf32> to vector<1x32xf32>
    %mul3A_51 = vector.broadcast %broadcast_in_dim3A : vector<1x32xf32> to vector<32x32xf32>
    %mul3A_52 = arith.mulf %get3A_50, %mul3A_51 : vector<32x32xf32>
    %get3A_53 = arith.constant 0 : index
    %get3A_54 = arith.constant 0 : index
    %get3A_55 = vector.load %arg5[%get3A_53, %get3A_54] : memref<32x32xf32, #tpu.memory_space<vmem>>, vector<32x32xf32>
    %broadcast_in_dim3A_56 = vector.shape_cast %mul3A_39 : vector<32xf32> to vector<1x32xf32>
    %mul3A_57 = vector.broadcast %broadcast_in_dim3A_56 : vector<1x32xf32> to vector<32x32xf32>
    %mul3A_58 = arith.mulf %get3A_55, %mul3A_57 : vector<32x32xf32>
    %concatenate3A = tpu.concatenate %mul3A_52, %mul3A_58 in 1 : vector<32x32xf32>, vector<32x32xf32> -> vector<32x64xf32>
    %dot_general3A = arith.constant dense<0.000000e+00> : vector<10000x64xf32>
    %dot_general3A_59 = tpu.matmul %max3A_31, %concatenate3A, %dot_general3A {dimension_numbers = #tpu.dot_dimension_numbers<[1], [0], [0], [1], [0, 0, 1, 1], [], []>, transpose_lhs_hint = false} : vector<10000x32xf32>, vector<32x64xf32>, vector<10000x64xf32> -> vector<10000x64xf32>
    %slice3A = vector.extract_strided_slice %dot_general3A_59 {offsets = [0, 0], sizes = [10000, 32], strides = [1, 1]} : vector<10000x64xf32> to vector<10000x32xf32>
    %swap3A = arith.constant 0 : index
    %swap3A_60 = arith.constant 0 : index
    %swap3A_61 = vector.load %arg10[%swap3A, %swap3A_60] : memref<10240x32xf32, #tpu.memory_space<vmem>>, vector<10000x32xf32>
    tpu.vector_store %arg10[%swap3A, %swap3A_60], %slice3A {strides = array<i32>} : memref<10240x32xf32, #tpu.memory_space<vmem>>, vector<10000x32xf32>,
    %broadcast_in_dim3A_62 = arith.constant 0.000000e+00 : f32
    %broadcast_in_dim3A_63 = vector.broadcast %broadcast_in_dim3A_62 : f32 to vector<240x32xf32>
    %swap3A_64 = arith.constant 10000 : index
    %swap3A_65 = arith.constant 0 : index
    %swap3A_66 = vector.load %arg10[%swap3A_64, %swap3A_65] : memref<10240x32xf32, #tpu.memory_space<vmem>>, vector<240x32xf32>
    tpu.vector_store %arg10[%swap3A_64, %swap3A_65], %broadcast_in_dim3A_63 {strides = array<i32>} : memref<10240x32xf32, #tpu.memory_space<vmem>>, vector<240x32xf32>,
    %slice3A_67 = vector.extract_strided_slice %dot_general3A_59 {offsets = [0, 32], sizes = [10000, 32], strides = [1, 1]} : vector<10000x64xf32> to vector<10000x32xf32>
    %broadcast_in_dim3A_68 = vector.shape_cast %add3A_47 : vector<32xf32> to vector<1x32xf32>
    %add3A_69 = vector.broadcast %broadcast_in_dim3A_68 : vector<1x32xf32> to vector<10000x32xf32>
    %add3A_70 = arith.addf %slice3A_67, %add3A_69 : vector<10000x32xf32>
    %swap3A_71 = arith.constant 0 : index
    %swap3A_72 = arith.constant 0 : index
    %swap3A_73 = vector.load %arg11[%swap3A_71, %swap3A_72] : memref<10000x32xf32, #tpu.memory_space<vmem>>, vector<10000x32xf32>
    tpu.vector_store %arg11[%swap3A_71, %swap3A_72], %add3A_70 {strides = array<i32>} : memref<10000x32xf32, #tpu.memory_space<vmem>>, vector<10000x32xf32>,
    %swap3A_74 = arith.constant 0 : index
    %swap3A_75 = arith.constant 0 : index
    %swap3A_76 = vector.load %arg12[%swap3A_74, %swap3A_75] : memref<10000x1xf32, #tpu.memory_space<vmem>>, vector<10000x1xf32>
    tpu.vector_store %arg12[%swap3A_74, %swap3A_75], %div3A_23 {strides = array<i32>} : memref<10000x1xf32, #tpu.memory_space<vmem>>, vector<10000x1xf32>,
    return
  }
}

module attributes {stable_mosaic.version = 14 : i64} {
  func.func @_tc3_body(%arg0: memref<2x10240x32xf32, #tpu.memory_space<vmem>>, %arg1: memref<10000x32xf32, #tpu.memory_space<vmem>>, %arg2: memref<10000x1xf32, #tpu.memory_space<vmem>>, %arg3: memref<10000x1xi32, #tpu.memory_space<vmem>>, %arg4: memref<32x1xf32, #tpu.memory_space<vmem>>, %arg5: memref<1xf32, #tpu.memory_space<vmem>>, %arg6: memref<64xf32, #tpu.memory_space<vmem>>) attributes {dimension_semantics = [], scalar_prefetch = 0 : i64, scratch_operands = 0 : i64, tpu.core_type = #tpu.core_type<tc>} {
    %get3A = arith.constant 0 : index
    %get3A_0 = arith.constant 0 : index
    %get3A_1 = arith.constant 0 : index
    %get3A_2 = vector.load %arg0[%get3A, %get3A_0, %get3A_1] : memref<2x10240x32xf32, #tpu.memory_space<vmem>>, vector<1x10000x32xf32>
    %get3A_3 = vector.shape_cast %get3A_2 : vector<1x10000x32xf32> to vector<10000x32xf32>
    %get3A_4 = arith.constant 1 : index
    %get3A_5 = arith.constant 0 : index
    %get3A_6 = arith.constant 0 : index
    %get3A_7 = vector.load %arg0[%get3A_4, %get3A_5, %get3A_6] : memref<2x10240x32xf32, #tpu.memory_space<vmem>>, vector<1x10000x32xf32>
    %get3A_8 = vector.shape_cast %get3A_7 : vector<1x10000x32xf32> to vector<10000x32xf32>
    %add3A = arith.addf %get3A_3, %get3A_8 : vector<10000x32xf32>
    %get3A_9 = arith.constant 0 : index
    %get3A_10 = arith.constant 0 : index
    %get3A_11 = vector.load %arg2[%get3A_9, %get3A_10] : memref<10000x1xf32, #tpu.memory_space<vmem>>, vector<10000x1xf32>
    %mul3A = vector.broadcast %get3A_11 : vector<10000x1xf32> to vector<10000x32xf32>
    %mul3A_12 = arith.mulf %add3A, %mul3A : vector<10000x32xf32>
    %get3A_13 = arith.constant 0 : index
    %get3A_14 = arith.constant 0 : index
    %get3A_15 = vector.load %arg1[%get3A_13, %get3A_14] : memref<10000x32xf32, #tpu.memory_space<vmem>>, vector<10000x32xf32>
    %add3A_16 = arith.addf %mul3A_12, %get3A_15 : vector<10000x32xf32>
    %max3A = arith.constant 0.000000e+00 : f32
    %max3A_17 = vector.broadcast %max3A : f32 to vector<10000x32xf32>
    %max3A_18 = arith.maximumf %add3A_16, %max3A_17 : vector<10000x32xf32>
    %get3A_19 = arith.constant 0 : index
    %get3A_20 = arith.constant 0 : index
    %get3A_21 = vector.load %arg4[%get3A_19, %get3A_20] : memref<32x1xf32, #tpu.memory_space<vmem>>, vector<32x1xf32>
    %dot_general3A = arith.constant dense<0.000000e+00> : vector<10000x1xf32>
    %dot_general3A_22 = tpu.matmul %max3A_18, %get3A_21, %dot_general3A {dimension_numbers = #tpu.dot_dimension_numbers<[1], [0], [0], [1], [0, 0, 1, 1], [], []>, transpose_lhs_hint = false} : vector<10000x32xf32>, vector<32x1xf32>, vector<10000x1xf32> -> vector<10000x1xf32>
    %iota3A = tpu.iota {dimensions = array<i32: 1>} : vector<1x64xi32>
    %get3A_23 = arith.constant 0 : index
    %get3A_24 = arith.constant 0 : index
    %get3A_25 = vector.load %arg3[%get3A_23, %get3A_24] : memref<10000x1xi32, #tpu.memory_space<vmem>>, vector<10000x1xi32>
    %eq3A = vector.broadcast %get3A_25 : vector<10000x1xi32> to vector<10000x64xi32>
    %eq3A_26 = vector.broadcast %iota3A : vector<1x64xi32> to vector<10000x64xi32>
    %eq3A_27 = arith.cmpi eq, %eq3A, %eq3A_26 : vector<10000x64xi32>
    %convert_element_type3A = arith.extui %eq3A_27 : vector<10000x64xi1> to vector<10000x64xi32>
    %convert_element_type3A_28 = arith.sitofp %convert_element_type3A : vector<10000x64xi32> to vector<10000x64xf32>
    %mul3A_29 = vector.broadcast %dot_general3A_22 : vector<10000x1xf32> to vector<10000x64xf32>
    %mul3A_30 = arith.mulf %convert_element_type3A_28, %mul3A_29 : vector<10000x64xf32>
    %reduce_sum3A = arith.constant dense<0.000000e+00> : vector<64xf32>
    %reduce_sum3A_31 = vector.multi_reduction <add>, %mul3A_30, %reduce_sum3A [0] : vector<10000x64xf32> to vector<64xf32>
    %reduce_sum3A_32 = arith.constant dense<0.000000e+00> : vector<64xf32>
    %reduce_sum3A_33 = vector.multi_reduction <add>, %convert_element_type3A_28, %reduce_sum3A_32 [0] : vector<10000x64xf32> to vector<64xf32>
    %max3A_34 = arith.constant 1.000000e+00 : f32
    %max3A_35 = vector.broadcast %max3A_34 : f32 to vector<64xf32>
    %max3A_36 = arith.maximumf %reduce_sum3A_33, %max3A_35 : vector<64xf32>
    %div3A = arith.divf %reduce_sum3A_31, %max3A_36 : vector<64xf32>
    %get3A_37 = arith.constant 0 : index
    %get3A_38 = vector.load %arg5[%get3A_37] : memref<1xf32, #tpu.memory_space<vmem>>, vector<1xf32>
    %add3A_39 = vector.broadcast %get3A_38 : vector<1xf32> to vector<64xf32>
    %add3A_40 = arith.addf %div3A, %add3A_39 : vector<64xf32>
    %swap3A = arith.constant 0 : index
    %swap3A_41 = vector.load %arg6[%swap3A] : memref<64xf32, #tpu.memory_space<vmem>>, vector<64xf32>
    tpu.vector_store %arg6[%swap3A], %add3A_40 {strides = array<i32>} : memref<64xf32, #tpu.memory_space<vmem>>, vector<64xf32>,
    return
  }
}

</mosaic_0001>

<sc_bundles>
// kernel: kernel.10.cloned.1.call-start
scs
__scs_entry_jumppad:
0x0: {  	(pc) =	sbr.rel $0x88, $3  }
0x1: {  	(tag) =	ssettag $0x0;
	lr =	simm.s32 $0x1  }
0x2: {  	[smem:$0x3F8E] =	sst lr;
	_ =	strace $0xD0000000  }
0x3: {  	_ = 	snop  }
0x4: {  	_ = 	snop  }
0x5: {  	_ = 	snop  }
0x6: {  	_ = 	snop  }
0x7: {  	_ = 	snop  }
__scs_overlays_trampoline_lowered:
0x8: {  	[smem:$0x3F9D] =	sst s0  }
0x9: {  	[smem:$0x3F9E] =	sst s1  }
0xa: {  	[smem:$0x3F9F] =	sst s2  }
0xb: {  	[smem:$0x3FA0] =	sst s3  }
0xc: {  	[smem:$0x3FA1] =	sst s4  }
0xd: {  	[smem:$0x3FA2] =	sst s5  }
0xe: {  	[smem:$0x3FA3] =	sst s6  }
0xf: {  	[smem:$0x3FA4] =	sst s7  }
0x10: {  	[smem:$0x3FA5] =	sst s8  }
0x11: {  	[smem:$0x3FA6] =	sst s9;
	s0 =	simm.s32 @!p0 $0x0  }
0x12: {  	s1 =	sld [smem:$0x3F8C];
	s0 =	simm.s32 @p0 $0x1  }
0x13: {  	[smem:$0x3FA7] =	sst s0;
	s0 =	simm.s32 @!p1 $0x0  }
0x14: {  	s2 =	sld [smem:$0x3F8B];
	s0 =	simm.s32 @p1 $0x1  }
0x15: {  	[smem:$0x3FA8] =	sst s0;
	s0 =	simm.s32 @!p2 $0x0  }
0x16: {  	s3 =	sld [smem:$0x3FDB];
	s0 =	simm.s32 @p2 $0x1  }
0x17: {  	s4 =	simm.s32 $0x1BF5;
	[smem:$0x3FAA] =	sst s0  }
0x18: {  	s0 =	sld [smem:$0x3F8D];
	_ =	swait.ge [sflag:s4], $0x0  }
0x19: {  	s7 =	sld [smem:$0x3F8E]  }
0x1a: {  	s8 =	sadd.s32 $0xFFFFE003, lr  }
0x1b: {  	s9 =	sadd.s32 $0xFFFFFEF7, lr;
	s5 =	simm.s32 $0xFFFFFFFF;
	p2 =	slt.u32 s8, $0xFFFFF086  }
0x1c: {  	p1 =	slt.u32 s9, $0xF7A;
	s5 =	simm.s32 @!p2 $0x0  }
0x1d: {  	s5 =	simm.s32 @p1 $0x1;
	p0 =	seq.s32 s7, s2  }
0x1e: {  	s7 =	smul.u32 @!p0 $0xF7A, s2;
	p2 =	seq.s32 @!p0 s5, $0x0  }
0x1f: {  	s9 =	smul.u32 $0xF7A, s1;
	s8 =	simm.s32 @!p0 $0x1BF5;
	p2 =	por !p2, p0  }
0x20: {  	[sflag:s8] =	ssyncset.s32 @!p0 $0xFFFFF086;
	s6 =	sadd.s32 @!p0 s3, s7;
	s7 =	simm.s32 @!p0 $0x108  }
0x21: {  	s3 =	sadd.s32 s3, s9;
	s6 =	sadd.s32 @!p0 $0x88, s6;
	s7 =	simm.s32 @p2 $0x1082  }
0x22: {  	[simem:s7], [sflag:s8] =	dma.local @!p0 [hbm:s6], $0xF7A  }
0x23: {  	s9 =	sor.u32 $0xD0000000, s2;
	s6 =	simm.s32 $0x108;
	_ =	swait.ge @!p0 [sflag:s8], $0x0  }
0x24: {  	s3 =	sadd.s32 $0x88, s3;
	s6 =	simm.s32 @!p1 $0x1082;
	[sflag:s4] =	ssyncset.s32 $0xFFFFF086  }
0x25: {  	[simem:s6], [sflag:s4] =	dma.local [hbm:s3], $0xF7A  }
0x26: {  	[smem:$0x3F8E] =	sst s1;
	(tag) =	ssettag s2;
	_ =	strace s9  }
0x27: {  	s1 =	sld [smem:$0x3F9E]  }
0x28: {  	s2 =	sld [smem:$0x3F9F]  }
0x29: {  	s4 =	sld [smem:$0x3FA1]  }
0x2a: {  	p0 =	seq.s32 s5, $0x0;
	s5 =	sld [smem:$0x3FA2]  }
0x2b: {  	s6 =	sld [smem:$0x3FA3]  }
0x2c: {  	s7 =	sld [smem:$0x3FA4]  }
0x2d: {  	s3 =	simm.s32 $0x108;
	s8 =	sld [smem:$0x3FA5]  }
0x2e: {  	s3 =	simm.s32 @!p0 $0x1082;
	s9 =	sld [smem:$0x3FA6]  }
0x2f: {  	lr =	sadd.s32 s0, s3;
	s0 =	sld [smem:$0x3F9D]  }
0x30: {  	s3 =	sld [smem:$0x3FA0]  }
0x31: {  	[smem:$0x3FA9] =	sst s10  }
0x32: {  	s10 =	sld [smem:$0x3FA7];
	_ =	sdelay $0x3  }
0x33: {  	p0 =	seq.s32 s10, $0x1;
	s10 =	sld [smem:$0x3FA9];
	_ =	sdelay $0x3  }
0x34: {  	[smem:$0x3FA9] =	sst s10  }
0x35: {  	s10 =	sld [smem:$0x3FA8];
	_ =	sdelay $0x3  }
0x36: {  	p1 =	seq.s32 s10, $0x1;
	s10 =	sld [smem:$0x3FA9];
	_ =	sdelay $0x3  }
0x37: {  	[smem:$0x3FA9] =	sst s10  }
0x38: {  	s10 =	sld [smem:$0x3FAA]  }
0x39: {  	_ = 	snop;
	(pc) =	sbr.ind lr, $3  }
0x3a: {  	_ = 	snop  }
0x3b: {  	_ = 	snop  }
0x3c: {  	p2 =	seq.s32 s10, $0x1;
	s10 =	sld [smem:$0x3FA9]  }
0x3d: {  	_ =	shalt  }
0x3e: {  	_ =	shalt  }
0x3f: {  	_ =	shalt  }
0x40: {  	_ =	shalt  }
0x41: {  	_ =	shalt  }
0x42: {  	_ =	shalt  }
0x43: {  	_ =	shalt  }
0x44: {  	_ =	shalt  }
0x45: {  	_ =	shalt  }
0x46: {  	_ =	shalt  }
0x47: {  	_ =	shalt  }
0x48: {  	_ =	shalt  }
0x49: {  	_ =	shalt  }
0x4a: {  	_ =	shalt  }
0x4b: {  	_ =	shalt  }
0x4c: {  	_ =	shalt  }
0x4d: {  	_ =	shalt  }
0x4e: {  	_ =	shalt  }
0x4f: {  	_ =	shalt  }
0x50: {  	_ =	shalt  }
0x51: {  	_ =	shalt  }
0x52: {  	_ =	shalt  }
0x53: {  	_ =	shalt  }
0x54: {  	_ =	shalt  }
0x55: {  	_ =	shalt  }
0x56: {  	_ =	shalt  }
0x57: {  	_ =	shalt  }
0x58: {  	_ =	shalt  }
0x59: {  	_ =	shalt  }
0x5a: {  	_ =	shalt  }
0x5b: {  	_ =	shalt  }
0x5c: {  	_ =	shalt  }
0x5d: {  	_ =	shalt  }
0x5e: {  	_ =	shalt  }
0x5f: {  	_ =	shalt  }
0x60: {  	_ =	shalt  }
0x61: {  	_ =	shalt  }
0x62: {  	_ =	shalt  }
0x63: {  	_ =	shalt  }
0x64: {  	_ =	shalt  }
0x65: {  	_ =	shalt  }
0x66: {  	_ =	shalt  }
0x67: {  	_ =	shalt  }
0x68: {  	_ =	shalt  }
0x69: {  	_ =	shalt  }
0x6a: {  	_ =	shalt  }
0x6b: {  	_ =	shalt  }
0x6c: {  	_ =	shalt  }
0x6d: {  	_ =	shalt  }
0x6e: {  	_ =	shalt  }
0x6f: {  	_ =	shalt  }
0x70: {  	_ =	shalt  }
0x71: {  	_ =	shalt  }
0x72: {  	_ =	shalt  }
0x73: {  	_ =	shalt  }
0x74: {  	_ =	shalt  }
0x75: {  	_ =	shalt  }
0x76: {  	_ =	shalt  }
0x77: {  	_ =	shalt  }
0x78: {  	_ =	shalt  }
0x79: {  	_ =	shalt  }
0x7a: {  	_ =	shalt  }
0x7b: {  	_ =	shalt  }
0x7c: {  	_ =	shalt  }
0x7d: {  	_ =	shalt  }
0x7e: {  	_ =	shalt  }
0x7f: {  	_ =	shalt  }
0x80: {  	_ =	shalt  }
0x81: {  	_ =	shalt  }
0x82: {  	_ =	shalt  }
0x83: {  	_ =	shalt  }
0x84: {  	_ =	shalt  }
0x85: {  	_ =	shalt  }
0x86: {  	_ =	shalt  }
0x87: {  	_ =	shalt  }
.Lfunc_end0:
.L_simem_size_0:
called_computation.1_lowered:
.L_overlay_start_0:
0x88: {  	s2 =	sld [smem:$0x3FD9]  }
0x89: {  	s3 =	sld [smem:$0x3FFE];
	_ =	sdelay $0x1  }
0x8a: {  	s1 =	srdreg.scid  }
0x8b: {  	s0 =	sand.u32 $0x1, s1  }
0x8c: {  	s16 =	sshll.u32 s0, $0xA;
	s2 =	sadd.s32 s3, s2  }
0x8d: {  	s2 =	sadd.s32 s2, s16  }
0x8e: {  	[smem:$0x3FB5] =	sst s2  }
0x8f: {  	_ = 	snop  }
0x90: {  	(tm) =	ssettm $0x1  }
0x91: {  	s17 =	sld [smem:$0x3FFB];
	_ =	sdelay $0x3  }
0x92: {  	_ =	strace s17  }
0x93: {  	s2 =	sld [smem:$0x3FFC];
	_ =	sdelay $0x3  }
0x94: {  	_ =	strace s2  }
0x95: {  	s2 =	sld [smem:$0x3FFD];
	_ =	sdelay $0x3  }
0x96: {  	_ =	strace s2  }
0x97: {  	_ =	strace $0x8FFFFFFF  }
0x98: {  	s18 =	sld [smem:$0x3FDB];
	_ =	sdelay $0x1  }
0x99: {  	s19 =	simm.s32 $_scs_section_size  }
0x9a: {  	s4 =	simm.s32 $_size__tile_overlayer_lowered;
	s5 =	simm.s32 $_tile_overlayer_lowered  }
0x9b: {  	s22 =	simm.s32 $0x1BFF;
	s21 =	sshll.u32 s5, $0x1;
	s2 =	sadd.s32 s19, s18  }
0x9c: {  	s6 =	simm.s32 $0x0;
	s20 =	sshll.u32 s4, $0x1;
	s4 =	sadd.s32 s21, s2  }
0x9d: {  	[timem:s6], [sflag:s22] =	dma.local [hbm:s4], s20  }
0x9e: {  	_ =	swait.ge [sflag:s22], s20  }
0x9f: {  	s3 =	ssub.s32 $0x0, s20;
	[sflag:s22] =	ssyncset.done $0x0  }
0xa0: {  	[sflag:s22] =	ssyncadd.s32 s3;
	_ =	sdelay $0x1  }
0xa1: {  	s23 =	simm.s32 $0x1B8B  }
0xa2: {  	_ =	swait.ge [sflag:s23], $0x1  }
0xa3: {  	[sflag:s23] =	ssyncset.done $0x0  }
0xa4: {  	s25 =	simm.s32 $0x1B8E;
	s24 =	sld [smem:$0x3FFE];
	[sflag:s23] =	ssyncadd.s32 $0xFFFFFFFF  }
0xa5: {  	s26 =	simm.s32 $execute0_lowered;
	[smem:$0x3FD2] =	sst s25  }
0xa6: {  	s4 =	sshll.u32 s26, $0x1;
	_ =	strace $0x80000049;
	[dreg:$0x1] =	wrdreg $0xFFFFFFFF  }
0xa7: {  	s28 =	simm.s32 $_size_execute0_lowered;
	s2 =	sadd.s32 s2, s4;
	[dreg:$0x0] =	wrdreg $0x0  }
0xa8: {  	s4 =	sshll.u32 s28, $0x1;
	[dreg:$0x2] =	wrdreg s2  }
0xa9: {  	[dreg:$0x3] =	wrdreg s4  }
0xaa: {  	[dreg:$0x4] =	wrdreg $0xC0  }
0xab: {  	_ =	task [dreg:s6], $0x5FFFF  }
0xac: {  	[dreg:$0x1] =	wrdreg $0xFFFFFFFF  }
0xad: {  	[dreg:$0x0] =	wrdreg $0x60  }
0xae: {  	[dreg:$0x2] =	wrdreg s24  }
0xaf: {  	[dreg:$0x3] =	wrdreg $0x50000  }
0xb0: {  	[dreg:$0x4] =	wrdreg $0x0  }
0xb1: {  	[dreg:$0x5] =	wrdreg $0x9  }
0xb2: {  	_ =	task.clear_ibuf [dreg:s6], $0x6FFFF;
	_ =	strace $0x90000049  }
0xb3: {  	s29 =	simm.s32 $0x9;
	_ =	strace $0x8000004B  }
0xb4: {  	_ =	swait.ge [sflag:s29], $0x1  }
0xb5: {  	[sflag:s29] =	ssyncadd.s32 $0xFFFFFFFF  }
0xb6: {  	_ =	strace $0x9000004B  }
0xb7: {  	_ =	sfence  }
0xb8: {  	s30 =	sld [smem:$0x0];
	_ =	sdelay $0x2  }
0xb9: {  	s31 =	sshll.u32 s1, $0xD;
	s1 =	sshrl.u32 s1, $0x2  }
0xba: {  	s3 =	sand.u32 $0x4000, s31;
	s1 =	sadd.s32 s1, s30  }
0xbb: {  	s0 =	sor.u32 s3, s0;
	s1 =	sshll.u32 s1, $0x11  }
0xbc: {  	s0 =	sor.u32 s1, s0  }
0xbd: {  	s0 =	sadd.s32 $0x8F2B, s0  }
0xbe: {  	[sflag:s0] =	ssyncadd.remote.s32 $0x1  }
0xbf: {  	_ =	sfence.sel $0xFFFF  }
0xc0: {  	[dreg:$0x0] =	wrdreg $0xFFFFFFFF;
	(pc) =	sbr.abs _section_cstart, $3  }
0xc1: {  	[dreg:$0x1] =	wrdreg $0xFFFFFFFF  }
0xc2: {  	_ =	task.clear_ibuf [dreg:s6], $0x2FFFF;
	_ =	strace $0x9FFFFFFF  }
0xc3: {  	(tm) =	ssettm $0x7FFFFFFF  }
tec
execute0_lowered:
.L_overlay_start_1:
0x0: {  	(tag) =	ssettag $0x1  }
0x1: {  	s0 =	rddreg [dreg:$0x0]  }
0x2: {  	s1 =	rddreg [dreg:$0x1]  }
0x3: {  	s2 =	srdreg.scid;
	s3 =	rddreg [dreg:$0x2]  }
0x4: {  	s7 =	stileid.u32;
	s4 =	simm.s32 $0x0;
	s28 =	simm.s32 $0xA000  }
0x5: {  	s29 =	simm.s32 $0x3;
	s30 =	simm.s32 $0x152C0;
	s31 =	simm.s32 $0xF000  }
0x6: {  	s2 =	sand.u32 $0x1, s2;
	s6 =	smul.u32 $0x5000, s7;
	[smem:$0x7FF] =	sst s4  }
0x7: {  	s9 =	sadd.s32 $0x20600, s0;
	s5 =	sshll.u32 s2, $0x4;
	_ =	strace $0x8000004A  }
0x8: {  	s8 =	ssub.s32 $0x2, s2;
	[dreg:$0x4] =	wrdreg s9;
	s2 =	smul.u32 $0x50000, s2  }
0x9: {  	s5 =	sor.u32 s7, s5;
	s12 =	sshrl.u32 s6, $0x3;
	s13 =	sshrl.u32 s8, $0x1  }
0xa: {  	s9 =	sadd.s32 $0x1400, s6;
	s10 =	sadd.s32 $0x1E00, s6;
	s20 =	sadd.s32 $0x2800, s6  }
0xb: {  	s21 =	sadd.s32 $0x3200, s6;
	s22 =	sadd.s32 $0x3C00, s6;
	s23 =	sadd.s32 $0x4600, s6  }
0xc: {  	s5 =	smul.u32 $0x4EC, s5;
	s7 =	sadd.s32 s12, s0;
	s8 =	ssub.s32 s8, s13  }
0xd: {  	s11 =	sadd.s32 s6, s2;
	s15 =	sadd.s32 s2, s9;
	s16 =	sadd.s32 s2, s10  }
0xe: {  	s13 =	sadd.s32 s2, s20;
	s19 =	sadd.s32 s2, s21;
	s24 =	sadd.s32 s2, s22  }
0xf: {  	s20 =	sadd.s32 s20, s3;
	s21 =	sadd.s32 s21, s3;
	s22 =	sadd.s32 s22, s3  }
0x10: {  	s7 =	sadd.s32 $0x2A00, s7;
	s11 =	sshrl.u32 s11, $0x3;
	s18 =	sshrl.u32 s13, $0x3  }
0x11: {  	s13 =	sshrl.u32 s24, $0x3;
	[dreg:$0x5] =	wrdreg s7;
	s7 =	sor.u32 $0xA00, s6  }
0x12: {  	s5 =	sadd.s32 s5, s0;
	s0 =	sadd.s32 $0x20800, s0;
	s12 =	sadd.s32 s2, s7  }
0x13: {  	s11 =	sadd.s32 s0, s11;
	s2 =	sadd.s32 s2, s23;
	s26 =	sadd.s32 s0, s13  }
0x14: {  	s23 =	sadd.s32 s23, s3;
	s24 =	sadd.s32 $0x16800, s5;
	[dreg:$0x6] =	wrdreg s11  }
0x15: {  	s14 =	sshrl.u32 s12, $0x3;
	s12 =	sshrl.u32 s16, $0x3;
	[dreg:$0xc] =	wrdreg s26  }
0x16: {  	s2 =	sshrl.u32 s2, $0x3;
	s16 =	sadd.s32 s6, s3;
	s26 =	smax.u32 s8, $0x1  }
0x17: {  	s8 =	simm.s32 $0x0;
	s11 =	sadd.s32 s0, s14;
	s17 =	sadd.s32 s0, s12  }
0x18: {  	s12 =	sshrl.u32 s19, $0x3;
	s14 =	sadd.s32 s0, s2;
	s19 =	sadd.s32 s10, s3  }
0x19: {  	s2 =	simm.s32 $0x50;
	[dreg:$0x7] =	wrdreg s11;
	s11 =	sshrl.u32 s15, $0x3  }
0x1a: {  	[dreg:$0x9] =	wrdreg s17;
	s25 =	sadd.s32 s0, s12;
	s15 =	sadd.s32 s6, s1  }
0x1b: {  	s17 =	sadd.s32 s7, s3;
	s6 =	simm.s32 $0x1;
	s7 =	simm.s32 $0x2  }
0x1c: {  	s11 =	sadd.s32 s0, s11;
	[dreg:$0xb] =	wrdreg s25;
	s25 =	sadd.s32 $0xCA00, s5  }
0x1d: {  	s5 =	simm.s32 $0x148C0;
	[dreg:$0x8] =	wrdreg s11;
	s11 =	sadd.s32 s0, s18  }
0x1e: {  	s18 =	sadd.s32 s9, s3;
	s0 =	simm.s32 $0x13EC0;
	[dreg:$0xa] =	wrdreg s11  }
.LBB2_1:
0x1f: {  	s9 =	rddreg [dreg:$0x5]  }
0x20: {  	[tilespmem:s28], [sflag:$0x3] =	stream.linear.gather [hbm4b:s9+s4], $0x5000, $0x38;
	[tilespmem:$0x15CC0] =	vst v63  }
0x21: {  	_ =	swait.ge [sflag:s29], $0x5000  }
0x22: {  	[sflag:s29] =	ssyncset.done $0x0  }
0x23: {  	[sflag:s29] =	ssyncadd.s32 $0xFFFFB000  }
0x24: {  	[spmem:s15] =	stream.linear.scatter [tilespmem:s28], [sflag:$0x3], $0x5000, $0x38;
	[tilespmem:$0x15CC0] =	vst v63  }
0x25: {  	_ =	swait.ge [sflag:s29], $0x5000  }
0x26: {  	[sflag:s29] =	ssyncset.done $0x0  }
0x27: {  	s12 =	rddreg [dreg:$0x4];
	[sflag:s29] =	ssyncadd.s32 $0xFFFFB000  }
0x28: {  	[tilespmem:s30], [sflag:$0x3] =	stream.linear.gather [hbm4b:s12+s4], $0xA00, $0x38;
	[tilespmem:$0x15CC0] =	vst v63  }
0x29: {  	_ =	swait.ge [sflag:s29], $0xA00  }
0x2a: {  	[sflag:s29] =	ssyncset.done $0x0  }
0x2b: {  	[sflag:s29] =	ssyncadd.s32 $0xFFFFF600  }
0x2c: {  	[spmem:s16] =	stream.linear.scatter [tilespmem:s30], [sflag:$0x3], $0xA00, $0x38;
	[tilespmem:$0x15CC0] =	vst v63  }
0x2d: {  	_ =	swait.ge [sflag:s29], $0xA00  }
0x2e: {  	[sflag:s29] =	ssyncset.done $0x0  }
0x2f: {  	[sflag:s29] =	ssyncadd.s32 $0xFFFFF600  }
0x30: {  	[spmem:s17] =	stream.linear.scatter [tilespmem:s30], [sflag:$0x3], $0xA00, $0x38;
	[tilespmem:$0x15CC0] =	vst v63  }
0x31: {  	_ =	swait.ge [sflag:s29], $0xA00  }
0x32: {  	[sflag:s29] =	ssyncset.done $0x0  }
0x33: {  	[sflag:s29] =	ssyncadd.s32 $0xFFFFF600  }
0x34: {  	[spmem:s18] =	stream.linear.scatter [tilespmem:s30], [sflag:$0x3], $0xA00, $0x38;
	[tilespmem:$0x15CC0] =	vst v63  }
0x35: {  	_ =	swait.ge [sflag:s29], $0xA00  }
0x36: {  	[sflag:s29] =	ssyncset.done $0x0  }
0x37: {  	[sflag:s29] =	ssyncadd.s32 $0xFFFFF600  }
0x38: {  	[spmem:s19] =	stream.linear.scatter [tilespmem:s30], [sflag:$0x3], $0xA00, $0x38;
	[tilespmem:$0x15CC0] =	vst v63  }
0x39: {  	_ =	swait.ge [sflag:s29], $0xA00  }
0x3a: {  	[sflag:s29] =	ssyncset.done $0x0  }
0x3b: {  	[sflag:s29] =	ssyncadd.s32 $0xFFFFF600  }
0x3c: {  	[spmem:s20] =	stream.linear.scatter [tilespmem:s30], [sflag:$0x3], $0xA00, $0x38;
	[tilespmem:$0x15CC0] =	vst v63  }
0x3d: {  	_ =	swait.ge [sflag:s29], $0xA00  }
0x3e: {  	[sflag:s29] =	ssyncset.done $0x0  }
0x3f: {  	[sflag:s29] =	ssyncadd.s32 $0xFFFFF600  }
0x40: {  	[spmem:s21] =	stream.linear.scatter [tilespmem:s30], [sflag:$0x3], $0xA00, $0x38;
	[tilespmem:$0x15CC0] =	vst v63  }
0x41: {  	_ =	swait.ge [sflag:s29], $0xA00  }
0x42: {  	[sflag:s29] =	ssyncset.done $0x0  }
0x43: {  	[sflag:s29] =	ssyncadd.s32 $0xFFFFF600  }
0x44: {  	[spmem:s22] =	stream.linear.scatter [tilespmem:s30], [sflag:$0x3], $0xA00, $0x38;
	[tilespmem:$0x15CC0] =	vst v63  }
0x45: {  	_ =	swait.ge [sflag:s29], $0xA00  }
0x46: {  	[sflag:s29] =	ssyncset.done $0x0  }
0x47: {  	[sflag:s29] =	ssyncadd.s32 $0xFFFFF600  }
0x48: {  	[spmem:s23] =	stream.linear.scatter [tilespmem:s30], [sflag:$0x3], $0xA00, $0x38;
	[tilespmem:$0x15CC0] =	vst v63  }
0x49: {  	_ =	swait.ge [sflag:s29], $0xA00  }
0x4a: {  	[sflag:s29] =	ssyncset.done $0x0  }
0x4b: {  	[sflag:s29] =	ssyncadd.s32 $0xFFFFF600  }
0x4c: {  	[tilespmem:s31], [sflag:$0x3] =	stream.linear.gather [hbm4b:s24+s4], $0x2760, $0x38;
	[tilespmem:$0x15CC0] =	vst v63  }
0x4d: {  	_ =	swait.ge [sflag:s29], $0x2760  }
0x4e: {  	[sflag:s29] =	ssyncset.done $0x0  }
0x4f: {  	s13 =	simm.s32 $0x11760;
	[sflag:s29] =	ssyncadd.s32 $0xFFFFD8A0  }
0x50: {  	[tilespmem:s13], [sflag:$0x3] =	stream.linear.gather [hbm4b:s25+s4], $0x2760, $0x38;
	[tilespmem:$0x15CC0] =	vst v63  }
0x51: {  	_ =	swait.ge [sflag:s29], $0x2760  }
0x52: {  	[sflag:s29] =	ssyncset.done $0x0  }
0x53: {  	[sflag:s29] =	ssyncadd.s32 $0xFFFFD8A0  }
0x54: {  	[bflag:$0x0] =	sbarrier.arrive $0xFFFF  }
0x55: {  	[tilespmem:s0], [sflag:$0x1] =	stream.indirect.gather [spmem:s1], $0x20, s31, s2, $0xb8;
	[tilespmem:$0x15CC0] =	vst v63  }
0x56: {  	s10 =	simm.s32 $0xF050  }
0x57: {  	[tilespmem:s5], [sflag:$0x2] =	stream.indirect.gather [spmem:s1], $0x20, s10, s2, $0xb8;
	[tilespmem:$0x15CC0] =	vst v63  }
0x58: {  	_ =	swait.ge [sflag:s6], $0xA00  }
0x59: {  	[sflag:s6] =	ssyncset.done $0x0  }
0x5a: {  	s11 =	simm.s32 $0x11760;
	[sflag:s6] =	ssyncadd.s32 $0xFFFFF600  }
0x5b: {  	[spmem:s3] =	stream.indirect.scatter.add.f32 [tilespmem:s0], [sflag:$0x3], $0x20, s11, s2, $0xb8;
	[tilespmem:$0x15CC0] =	vst v63  }
0x5c: {  	_ =	swait.ge [sflag:s29], $0xA00  }
0x5d: {  	[sflag:s29] =	ssyncset.done $0x0  }
0x5e: {  	s12 =	simm.s32 $0xF0A0;
	[sflag:s29] =	ssyncadd.s32 $0xFFFFF600  }
0x5f: {  	[tilespmem:s0], [sflag:$0x1] =	stream.indirect.gather [spmem:s1], $0x20, s12, s2, $0xb8;
	[tilespmem:$0x15CC0] =	vst v63  }
0x60: {  	_ =	swait.ge [sflag:s7], $0xA00  }
0x61: {  	[sflag:s7] =	ssyncset.done $0x0  }
0x62: {  	s13 =	simm.s32 $0x117B0;
	[sflag:s7] =	ssyncadd.s32 $0xFFFFF600  }
0x63: {  	[spmem:s3] =	stream.indirect.scatter.add.f32 [tilespmem:s5], [sflag:$0x3], $0x20, s13, s2, $0xb8;
	[tilespmem:$0x15CC0] =	vst v63  }
0x64: {  	_ =	swait.ge [sflag:s29], $0xA00  }
0x65: {  	s9 =	simm.s32 $0xA0;
	s10 =	simm.s32 $0x500;
	[sflag:s29] =	ssyncset.done $0x0  }
.LBB2_2:
0x66: {  	s11 =	sadd.s32 $0xF050, s9  }
0x67: {  	[sflag:s29] =	ssyncadd.s32 $0xFFFFF600;
	s12 =	smov.u32 s10;
	s13 =	sadd.s32 $0x280, s10  }
0x68: {  	[tilespmem:s5], [sflag:$0x2] =	stream.indirect.gather [spmem:s1], $0x20, s11, s2, $0xb8;
	[tilespmem:$0x15CC0] =	vst v63  }
0x69: {  	p0 =	sne.s32 s10, $0x9880;
	_ =	swait.ge [sflag:s6], $0xA00  }
0x6a: {  	[sflag:s6] =	ssyncset.done $0x0  }
0x6b: {  	s10 =	sadd.s32 $0x11760, s9;
	[sflag:s6] =	ssyncadd.s32 $0xFFFFF600  }
0x6c: {  	[spmem:s3] =	stream.indirect.scatter.add.f32 [tilespmem:s0], [sflag:$0x3], $0x20, s10, s2, $0xb8;
	[tilespmem:$0x15CC0] =	vst v63  }
0x6d: {  	_ =	swait.ge [sflag:s29], $0xA00  }
0x6e: {  	[sflag:s29] =	ssyncset.done $0x0  }
0x6f: {  	s10 =	sadd.s32 $0xF0A0, s9;
	[sflag:s29] =	ssyncadd.s32 $0xFFFFF600  }
0x70: {  	[tilespmem:s0], [sflag:$0x1] =	stream.indirect.gather [spmem:s1], $0x20, s10, s2, $0xb8;
	[tilespmem:$0x15CC0] =	vst v63  }
0x71: {  	_ =	swait.ge [sflag:s7], $0xA00  }
.Ltmp0:
0x72: {  	[sflag:s7] =	ssyncset.done $0x0;
	(pc) =	sbr.rel @p0 .LBB2_2-.Ltmp0, $4  }
0x73: {  	s9 =	sadd.s32 $0x117B0, s9;
	[sflag:s7] =	ssyncadd.s32 $0xFFFFF600  }
0x74: {  	[spmem:s3] =	stream.indirect.scatter.add.f32 [tilespmem:s5], [sflag:$0x3], $0x20, s9, s2, $0xb8;
	[tilespmem:$0x15CC0] =	vst v63  }
0x75: {  	_ =	swait.ge [sflag:s29], $0xA00  }
0x76: {  	s10 =	smov.u32 s13;
	s9 =	sshra.s32 s12, $0x2;
	[sflag:s29] =	ssyncset.done $0x0  }
0x77: {  	s10 =	sadd.s32 $0xF050, s9;
	[sflag:s29] =	ssyncadd.s32 $0xFFFFF600  }
0x78: {  	[tilespmem:s5], [sflag:$0x2] =	stream.indirect.gather [spmem:s1], $0x20, s10, s2, $0xb8;
	[tilespmem:$0x15CC0] =	vst v63  }
0x79: {  	_ =	swait.ge [sflag:s6], $0xA00  }
0x7a: {  	[sflag:s6] =	ssyncset.done $0x0  }
0x7b: {  	s12 =	sadd.s32 $0x11760, s9;
	[sflag:s6] =	ssyncadd.s32 $0xFFFFF600  }
0x7c: {  	[spmem:s3] =	stream.indirect.scatter.add.f32 [tilespmem:s0], [sflag:$0x3], $0x20, s12, s2, $0xb8;
	[tilespmem:$0x15CC0] =	vst v63  }
0x7d: {  	_ =	swait.ge [sflag:s29], $0xA00  }
0x7e: {  	[sflag:s29] =	ssyncset.done $0x0  }
0x7f: {  	s13 =	sadd.s32 $0xF0A0, s9;
	[sflag:s29] =	ssyncadd.s32 $0xFFFFF600  }
0x80: {  	[tilespmem:s0], [sflag:$0x1] =	stream.indirect.gather [spmem:s1], $0x20, s13, s2, $0xb8;
	[tilespmem:$0x15CC0] =	vst v63  }
0x81: {  	_ =	swait.ge [sflag:s7], $0xA00  }
0x82: {  	[sflag:s7] =	ssyncset.done $0x0  }
0x83: {  	s11 =	sadd.s32 $0x117B0, s9;
	[sflag:s7] =	ssyncadd.s32 $0xFFFFF600  }
0x84: {  	[spmem:s3] =	stream.indirect.scatter.add.f32 [tilespmem:s5], [sflag:$0x3], $0x20, s11, s2, $0xb8;
	[tilespmem:$0x15CC0] =	vst v63  }
0x85: {  	_ =	swait.ge [sflag:s29], $0xA00  }
0x86: {  	[sflag:s29] =	ssyncset.done $0x0  }
0x87: {  	s12 =	simm.s32 $0x11710;
	[sflag:s29] =	ssyncadd.s32 $0xFFFFF600  }
0x88: {  	[tilespmem:s5], [sflag:$0x2] =	stream.indirect.gather [spmem:s1], $0x20, s12, s2, $0xb8;
	[tilespmem:$0x15CC0] =	vst v63  }
0x89: {  	_ =	swait.ge [sflag:s6], $0xA00  }
0x8a: {  	[sflag:s6] =	ssyncset.done $0x0  }
0x8b: {  	s13 =	simm.s32 $0x13E20;
	[sflag:s6] =	ssyncadd.s32 $0xFFFFF600  }
0x8c: {  	[spmem:s3] =	stream.indirect.scatter.add.f32 [tilespmem:s0], [sflag:$0x3], $0x20, s13, s2, $0xb8;
	[tilespmem:$0x15CC0] =	vst v63  }
0x8d: {  	_ =	swait.ge [sflag:s29], $0xA00  }
0x8e: {  	[sflag:s29] =	ssyncset.done $0x0  }
0x8f: {  	[sflag:s29] =	ssyncadd.s32 $0xFFFFF600  }
0x90: {  	_ =	swait.ge [sflag:s7], $0xA00  }
0x91: {  	[sflag:s7] =	ssyncset.done $0x0  }
0x92: {  	s10 =	simm.s32 $0x13E70;
	[sflag:s7] =	ssyncadd.s32 $0xFFFFF600  }
0x93: {  	[spmem:s3] =	stream.indirect.scatter.add.f32 [tilespmem:s5], [sflag:$0x3], $0x20, s10, s2, $0xb8;
	[tilespmem:$0x15CC0] =	vst v63  }
0x94: {  	_ =	swait.ge [sflag:s29], $0xA00  }
0x95: {  	[sflag:s29] =	ssyncset.done $0x0  }
0x96: {  	[sflag:s29] =	ssyncadd.s32 $0xFFFFF600  }
0x97: {  	[bflag:$0x0] =	sbarrier.arrive $0xFFFF  }
0x98: {  	[tilespmem:s30], [sflag:$0x3] =	stream.linear.gather [spmem:s16], $0xA00, $0x38;
	[tilespmem:$0x15CC0] =	vst v63  }
0x99: {  	_ =	swait.ge [sflag:s29], $0xA00  }
0x9a: {  	[sflag:s29] =	ssyncset.done $0x0  }
0x9b: {  	s11 =	rddreg [dreg:$0x6];
	[sflag:s29] =	ssyncadd.s32 $0xFFFFF600  }
0x9c: {  	[hbm4b:s11+s4] =	stream.linear.scatter [tilespmem:s30], [sflag:$0x3], $0xA00, $0x38;
	[tilespmem:$0x15CC0] =	vst v63  }
0x9d: {  	_ =	swait.ge [sflag:s29], $0xA00  }
0x9e: {  	[sflag:s29] =	ssyncset.done $0x0  }
0x9f: {  	[sflag:s29] =	ssyncadd.s32 $0xFFFFF600  }
0xa0: {  	[tilespmem:s30], [sflag:$0x3] =	stream.linear.gather [spmem:s17], $0xA00, $0x38;
	[tilespmem:$0x15CC0] =	vst v63  }
0xa1: {  	_ =	swait.ge [sflag:s29], $0xA00  }
0xa2: {  	[sflag:s29] =	ssyncset.done $0x0  }
0xa3: {  	s12 =	rddreg [dreg:$0x7];
	[sflag:s29] =	ssyncadd.s32 $0xFFFFF600  }
0xa4: {  	[hbm4b:s12+s4] =	stream.linear.scatter [tilespmem:s30], [sflag:$0x3], $0xA00, $0x38;
	[tilespmem:$0x15CC0] =	vst v63  }
0xa5: {  	_ =	swait.ge [sflag:s29], $0xA00  }
0xa6: {  	[sflag:s29] =	ssyncset.done $0x0  }
0xa7: {  	[sflag:s29] =	ssyncadd.s32 $0xFFFFF600  }
0xa8: {  	[tilespmem:s30], [sflag:$0x3] =	stream.linear.gather [spmem:s18], $0xA00, $0x38;
	[tilespmem:$0x15CC0] =	vst v63  }
0xa9: {  	_ =	swait.ge [sflag:s29], $0xA00  }
0xaa: {  	[sflag:s29] =	ssyncset.done $0x0  }
0xab: {  	s13 =	rddreg [dreg:$0x8];
	[sflag:s29] =	ssyncadd.s32 $0xFFFFF600  }
0xac: {  	[hbm4b:s13+s4] =	stream.linear.scatter [tilespmem:s30], [sflag:$0x3], $0xA00, $0x38;
	[tilespmem:$0x15CC0] =	vst v63  }
0xad: {  	_ =	swait.ge [sflag:s29], $0xA00  }
0xae: {  	[sflag:s29] =	ssyncset.done $0x0  }
0xaf: {  	[sflag:s29] =	ssyncadd.s32 $0xFFFFF600  }
0xb0: {  	[tilespmem:s30], [sflag:$0x3] =	stream.linear.gather [spmem:s19], $0xA00, $0x38;
	[tilespmem:$0x15CC0] =	vst v63  }
0xb1: {  	_ =	swait.ge [sflag:s29], $0xA00  }
0xb2: {  	[sflag:s29] =	ssyncset.done $0x0  }
0xb3: {  	s10 =	rddreg [dreg:$0x9];
	[sflag:s29] =	ssyncadd.s32 $0xFFFFF600  }
0xb4: {  	[hbm4b:s10+s4] =	stream.linear.scatter [tilespmem:s30], [sflag:$0x3], $0xA00, $0x38;
	[tilespmem:$0x15CC0] =	vst v63  }
0xb5: {  	_ =	swait.ge [sflag:s29], $0xA00  }
0xb6: {  	[sflag:s29] =	ssyncset.done $0x0  }
0xb7: {  	[sflag:s29] =	ssyncadd.s32 $0xFFFFF600  }
0xb8: {  	[tilespmem:s30], [sflag:$0x3] =	stream.linear.gather [spmem:s20], $0xA00, $0x38;
	[tilespmem:$0x15CC0] =	vst v63  }
0xb9: {  	_ =	swait.ge [sflag:s29], $0xA00  }
0xba: {  	[sflag:s29] =	ssyncset.done $0x0  }
0xbb: {  	s11 =	rddreg [dreg:$0xa];
	[sflag:s29] =	ssyncadd.s32 $0xFFFFF600  }
0xbc: {  	[hbm4b:s11+s4] =	stream.linear.scatter [tilespmem:s30], [sflag:$0x3], $0xA00, $0x38;
	[tilespmem:$0x15CC0] =	vst v63  }
0xbd: {  	_ =	swait.ge [sflag:s29], $0xA00  }
0xbe: {  	[sflag:s29] =	ssyncset.done $0x0  }
0xbf: {  	[sflag:s29] =	ssyncadd.s32 $0xFFFFF600  }
0xc0: {  	[tilespmem:s30], [sflag:$0x3] =	stream.linear.gather [spmem:s21], $0xA00, $0x38;
	[tilespmem:$0x15CC0] =	vst v63  }
0xc1: {  	_ =	swait.ge [sflag:s29], $0xA00  }
0xc2: {  	[sflag:s29] =	ssyncset.done $0x0  }
0xc3: {  	s12 =	rddreg [dreg:$0xb];
	[sflag:s29] =	ssyncadd.s32 $0xFFFFF600  }
0xc4: {  	[hbm4b:s12+s4] =	stream.linear.scatter [tilespmem:s30], [sflag:$0x3], $0xA00, $0x38;
	[tilespmem:$0x15CC0] =	vst v63  }
0xc5: {  	_ =	swait.ge [sflag:s29], $0xA00  }
0xc6: {  	[sflag:s29] =	ssyncset.done $0x0  }
0xc7: {  	[sflag:s29] =	ssyncadd.s32 $0xFFFFF600  }
0xc8: {  	[tilespmem:s30], [sflag:$0x3] =	stream.linear.gather [spmem:s22], $0xA00, $0x38;
	[tilespmem:$0x15CC0] =	vst v63  }
0xc9: {  	_ =	swait.ge [sflag:s29], $0xA00  }
0xca: {  	[sflag:s29] =	ssyncset.done $0x0  }
0xcb: {  	s13 =	rddreg [dreg:$0xc];
	[sflag:s29] =	ssyncadd.s32 $0xFFFFF600  }
0xcc: {  	[hbm4b:s13+s4] =	stream.linear.scatter [tilespmem:s30], [sflag:$0x3], $0xA00, $0x38;
	[tilespmem:$0x15CC0] =	vst v63  }
0xcd: {  	_ =	swait.ge [sflag:s29], $0xA00  }
0xce: {  	[sflag:s29] =	ssyncset.done $0x0  }
0xcf: {  	[sflag:s29] =	ssyncadd.s32 $0xFFFFF600  }
0xd0: {  	[tilespmem:s30], [sflag:$0x3] =	stream.linear.gather [spmem:s23], $0xA00, $0x38;
	[tilespmem:$0x15CC0] =	vst v63  }
0xd1: {  	s8 =	sadd.s32 $0x1, s8;
	_ =	swait.ge [sflag:s29], $0xA00  }
0xd2: {  	p0 =	sne.s32 s8, s26;
	[sflag:s29] =	ssyncset.done $0x0  }
.Ltmp1:
0xd3: {  	[sflag:s29] =	ssyncadd.s32 $0xFFFFF600;
	(pc) =	sbr.rel @p0 .LBB2_1-.Ltmp1, $4  }
0xd4: {  	[hbm4b:s14+s4] =	stream.linear.scatter [tilespmem:s30], [sflag:$0x3], $0xA00, $0x38;
	[tilespmem:$0x15CC0] =	vst v63  }
0xd5: {  	_ =	swait.ge [sflag:s29], $0xA00  }
0xd6: {  	[sflag:s29] =	ssyncset.done $0x0  }
0xd7: {  	[sflag:s29] =	ssyncadd.s32 $0xFFFFF600  }
0xd8: {  	_ =	sfence.sel $0x180000  }
0xd9: {  	[bflag:$0x0] =	sbarrier.arrive $0xFFFF  }
0xda: {  	_ =	strace $0x9000004A  }
0xdb: {  	s0 =	stileid.u32;
	[bflag:$0x2] =	sbarrier.arrive $0xFFFF  }
0xdc: {  	p0 =	sne.s32 s0, $0x0;
	s0 =	rddreg [dreg:$0x3]  }
0xdd: {  	s0 =	sadd.s32 @!p0 $0x100000, s0  }
0xde: {  	[sflag:s0] =	ssyncadd.tile.s32 @!p0 $0x1;
	_ =	shalt  }
.Lfunc_end2:
_tile_overlayer_lowered:
.L_overlay_start_2:
0xdf: {  	(tag) =	ssettag $0x2  }
0xe0: {  	s0 =	rddreg [dreg:$0x0];
	s2 =	stileid.u32  }
0xe1: {  	s1 =	rddreg [dreg:$0x1];
	p0 =	sne.s32 s2, $0x0  }
0xe2: {  	s3 =	rddreg [dreg:$0x2];
	[bflag:$0x3] =	sbarrier.arrive $0xFFFF;
	s2 =	simm.s32 @!p0 $0x1C03  }
0xe3: {  	[timem:s3], [sflag:s2] =	dma.local @!p0 [hbm:s0], s1  }
0xe4: {  	s0 =	simm.s32 @!p0 $0x3  }
0xe5: {  	_ =	swait.ge @!p0 [sflag:s0], s1  }
0xe6: {  	s1 =	ssub.s32 @!p0 $0x0, s1;
	[sflag:s0] =	ssyncset.done @!p0 $0x0  }
0xe7: {  	[sflag:s0] =	ssyncadd.s32 @!p0 s1  }
0xe8: {  	[bflag:$0x3] =	sbarrier.arrive $0xFFFF  }
0xe9: {  	_ =	shalt  }

// kernel: kernel.7.cloned.1.call-start
scs
__scs_entry_jumppad:
0x0: {  	(pc) =	sbr.rel $0x88, $3  }
0x1: {  	(tag) =	ssettag $0x0;
	lr =	simm.s32 $0x1  }
0x2: {  	[smem:$0x3F8E] =	sst lr;
	_ =	strace $0xD0000000  }
0x3: {  	_ = 	snop  }
0x4: {  	_ = 	snop  }
0x5: {  	_ = 	snop  }
0x6: {  	_ = 	snop  }
0x7: {  	_ = 	snop  }
__scs_overlays_trampoline_lowered:
0x8: {  	[smem:$0x3F9D] =	sst s0  }
0x9: {  	[smem:$0x3F9E] =	sst s1  }
0xa: {  	[smem:$0x3F9F] =	sst s2  }
0xb: {  	[smem:$0x3FA0] =	sst s3  }
0xc: {  	[smem:$0x3FA1] =	sst s4  }
0xd: {  	[smem:$0x3FA2] =	sst s5  }
0xe: {  	[smem:$0x3FA3] =	sst s6  }
0xf: {  	[smem:$0x3FA4] =	sst s7  }
0x10: {  	[smem:$0x3FA5] =	sst s8  }
0x11: {  	[smem:$0x3FA6] =	sst s9;
	s0 =	simm.s32 @!p0 $0x0  }
0x12: {  	s1 =	sld [smem:$0x3F8C];
	s0 =	simm.s32 @p0 $0x1  }
0x13: {  	[smem:$0x3FA7] =	sst s0;
	s0 =	simm.s32 @!p1 $0x0  }
0x14: {  	s2 =	sld [smem:$0x3F8B];
	s0 =	simm.s32 @p1 $0x1  }
0x15: {  	[smem:$0x3FA8] =	sst s0;
	s0 =	simm.s32 @!p2 $0x0  }
0x16: {  	s3 =	sld [smem:$0x3FDB];
	s0 =	simm.s32 @p2 $0x1  }
0x17: {  	s4 =	simm.s32 $0x1BF5;
	[smem:$0x3FAA] =	sst s0  }
0x18: {  	s0 =	sld [smem:$0x3F8D];
	_ =	swait.ge [sflag:s4], $0x0  }
0x19: {  	s7 =	sld [smem:$0x3F8E]  }
0x1a: {  	s8 =	sadd.s32 $0xFFFFE003, lr  }
0x1b: {  	s9 =	sadd.s32 $0xFFFFFEF7, lr;
	s5 =	simm.s32 $0xFFFFFFFF;
	p2 =	slt.u32 s8, $0xFFFFF086  }
0x1c: {  	p1 =	slt.u32 s9, $0xF7A;
	s5 =	simm.s32 @!p2 $0x0  }
0x1d: {  	s5 =	simm.s32 @p1 $0x1;
	p0 =	seq.s32 s7, s2  }
0x1e: {  	s7 =	smul.u32 @!p0 $0xF7A, s2;
	p2 =	seq.s32 @!p0 s5, $0x0  }
0x1f: {  	s9 =	smul.u32 $0xF7A, s1;
	s8 =	simm.s32 @!p0 $0x1BF5;
	p2 =	por !p2, p0  }
0x20: {  	[sflag:s8] =	ssyncset.s32 @!p0 $0xFFFFF086;
	s6 =	sadd.s32 @!p0 s3, s7;
	s7 =	simm.s32 @!p0 $0x108  }
0x21: {  	s3 =	sadd.s32 s3, s9;
	s6 =	sadd.s32 @!p0 $0x88, s6;
	s7 =	simm.s32 @p2 $0x1082  }
0x22: {  	[simem:s7], [sflag:s8] =	dma.local @!p0 [hbm:s6], $0xF7A  }
0x23: {  	s9 =	sor.u32 $0xD0000000, s2;
	s6 =	simm.s32 $0x108;
	_ =	swait.ge @!p0 [sflag:s8], $0x0  }
0x24: {  	s3 =	sadd.s32 $0x88, s3;
	s6 =	simm.s32 @!p1 $0x1082;
	[sflag:s4] =	ssyncset.s32 $0xFFFFF086  }
0x25: {  	[simem:s6], [sflag:s4] =	dma.local [hbm:s3], $0xF7A  }
0x26: {  	[smem:$0x3F8E] =	sst s1;
	(tag) =	ssettag s2;
	_ =	strace s9  }
0x27: {  	s1 =	sld [smem:$0x3F9E]  }
0x28: {  	s2 =	sld [smem:$0x3F9F]  }
0x29: {  	s4 =	sld [smem:$0x3FA1]  }
0x2a: {  	p0 =	seq.s32 s5, $0x0;
	s5 =	sld [smem:$0x3FA2]  }
0x2b: {  	s6 =	sld [smem:$0x3FA3]  }
0x2c: {  	s7 =	sld [smem:$0x3FA4]  }
0x2d: {  	s3 =	simm.s32 $0x108;
	s8 =	sld [smem:$0x3FA5]  }
0x2e: {  	s3 =	simm.s32 @!p0 $0x1082;
	s9 =	sld [smem:$0x3FA6]  }
0x2f: {  	lr =	sadd.s32 s0, s3;
	s0 =	sld [smem:$0x3F9D]  }
0x30: {  	s3 =	sld [smem:$0x3FA0]  }
0x31: {  	[smem:$0x3FA9] =	sst s10  }
0x32: {  	s10 =	sld [smem:$0x3FA7];
	_ =	sdelay $0x3  }
0x33: {  	p0 =	seq.s32 s10, $0x1;
	s10 =	sld [smem:$0x3FA9];
	_ =	sdelay $0x3  }
0x34: {  	[smem:$0x3FA9] =	sst s10  }
0x35: {  	s10 =	sld [smem:$0x3FA8];
	_ =	sdelay $0x3  }
0x36: {  	p1 =	seq.s32 s10, $0x1;
	s10 =	sld [smem:$0x3FA9];
	_ =	sdelay $0x3  }
0x37: {  	[smem:$0x3FA9] =	sst s10  }
0x38: {  	s10 =	sld [smem:$0x3FAA]  }
0x39: {  	_ = 	snop;
	(pc) =	sbr.ind lr, $3  }
0x3a: {  	_ = 	snop  }
0x3b: {  	_ = 	snop  }
0x3c: {  	p2 =	seq.s32 s10, $0x1;
	s10 =	sld [smem:$0x3FA9]  }
0x3d: {  	_ =	shalt  }
0x3e: {  	_ =	shalt  }
0x3f: {  	_ =	shalt  }
0x40: {  	_ =	shalt  }
0x41: {  	_ =	shalt  }
0x42: {  	_ =	shalt  }
0x43: {  	_ =	shalt  }
0x44: {  	_ =	shalt  }
0x45: {  	_ =	shalt  }
0x46: {  	_ =	shalt  }
0x47: {  	_ =	shalt  }
0x48: {  	_ =	shalt  }
0x49: {  	_ =	shalt  }
0x4a: {  	_ =	shalt  }
0x4b: {  	_ =	shalt  }
0x4c: {  	_ =	shalt  }
0x4d: {  	_ =	shalt  }
0x4e: {  	_ =	shalt  }
0x4f: {  	_ =	shalt  }
0x50: {  	_ =	shalt  }
0x51: {  	_ =	shalt  }
0x52: {  	_ =	shalt  }
0x53: {  	_ =	shalt  }
0x54: {  	_ =	shalt  }
0x55: {  	_ =	shalt  }
0x56: {  	_ =	shalt  }
0x57: {  	_ =	shalt  }
0x58: {  	_ =	shalt  }
0x59: {  	_ =	shalt  }
0x5a: {  	_ =	shalt  }
0x5b: {  	_ =	shalt  }
0x5c: {  	_ =	shalt  }
0x5d: {  	_ =	shalt  }
0x5e: {  	_ =	shalt  }
0x5f: {  	_ =	shalt  }
0x60: {  	_ =	shalt  }
0x61: {  	_ =	shalt  }
0x62: {  	_ =	shalt  }
0x63: {  	_ =	shalt  }
0x64: {  	_ =	shalt  }
0x65: {  	_ =	shalt  }
0x66: {  	_ =	shalt  }
0x67: {  	_ =	shalt  }
0x68: {  	_ =	shalt  }
0x69: {  	_ =	shalt  }
0x6a: {  	_ =	shalt  }
0x6b: {  	_ =	shalt  }
0x6c: {  	_ =	shalt  }
0x6d: {  	_ =	shalt  }
0x6e: {  	_ =	shalt  }
0x6f: {  	_ =	shalt  }
0x70: {  	_ =	shalt  }
0x71: {  	_ =	shalt  }
0x72: {  	_ =	shalt  }
0x73: {  	_ =	shalt  }
0x74: {  	_ =	shalt  }
0x75: {  	_ =	shalt  }
0x76: {  	_ =	shalt  }
0x77: {  	_ =	shalt  }
0x78: {  	_ =	shalt  }
0x79: {  	_ =	shalt  }
0x7a: {  	_ =	shalt  }
0x7b: {  	_ =	shalt  }
0x7c: {  	_ =	shalt  }
0x7d: {  	_ =	shalt  }
0x7e: {  	_ =	shalt  }
0x7f: {  	_ =	shalt  }
0x80: {  	_ =	shalt  }
0x81: {  	_ =	shalt  }
0x82: {  	_ =	shalt  }
0x83: {  	_ =	shalt  }
0x84: {  	_ =	shalt  }
0x85: {  	_ =	shalt  }
0x86: {  	_ =	shalt  }
0x87: {  	_ =	shalt  }
.Lfunc_end0:
.L_simem_size_0:
called_computation_lowered:
.L_overlay_start_0:
0x88: {  	s2 =	sld [smem:$0x3FD9]  }
0x89: {  	s3 =	sld [smem:$0x3FFE];
	_ =	sdelay $0x1  }
0x8a: {  	s1 =	srdreg.scid  }
0x8b: {  	s0 =	sand.u32 $0x1, s1  }
0x8c: {  	s16 =	sshll.u32 s0, $0xA;
	s2 =	sadd.s32 s3, s2  }
0x8d: {  	s2 =	sadd.s32 s2, s16  }
0x8e: {  	[smem:$0x3FB5] =	sst s2  }
0x8f: {  	_ = 	snop  }
0x90: {  	(tm) =	ssettm $0x1  }
0x91: {  	s17 =	sld [smem:$0x3FFB];
	_ =	sdelay $0x3  }
0x92: {  	_ =	strace s17  }
0x93: {  	s2 =	sld [smem:$0x3FFC];
	_ =	sdelay $0x3  }
0x94: {  	_ =	strace s2  }
0x95: {  	s2 =	sld [smem:$0x3FFD];
	_ =	sdelay $0x3  }
0x96: {  	_ =	strace s2  }
0x97: {  	_ =	strace $0x8FFFFFFF  }
0x98: {  	s18 =	sld [smem:$0x3FDB];
	_ =	sdelay $0x1  }
0x99: {  	s19 =	simm.s32 $_scs_section_size  }
0x9a: {  	s4 =	simm.s32 $_size__tile_overlayer_lowered;
	s5 =	simm.s32 $_tile_overlayer_lowered  }
0x9b: {  	s22 =	simm.s32 $0x1BFF;
	s21 =	sshll.u32 s5, $0x1;
	s2 =	sadd.s32 s19, s18  }
0x9c: {  	s6 =	simm.s32 $0x0;
	s20 =	sshll.u32 s4, $0x1;
	s4 =	sadd.s32 s21, s2  }
0x9d: {  	[timem:s6], [sflag:s22] =	dma.local [hbm:s4], s20  }
0x9e: {  	_ =	swait.ge [sflag:s22], s20  }
0x9f: {  	s3 =	ssub.s32 $0x0, s20;
	[sflag:s22] =	ssyncset.done $0x0  }
0xa0: {  	[sflag:s22] =	ssyncadd.s32 s3;
	_ =	sdelay $0x1  }
0xa1: {  	s23 =	simm.s32 $0x1B8B  }
0xa2: {  	_ =	swait.ge [sflag:s23], $0x1  }
0xa3: {  	[sflag:s23] =	ssyncset.done $0x0  }
0xa4: {  	s25 =	simm.s32 $0x1B8E;
	s24 =	sld [smem:$0x3FFE];
	[sflag:s23] =	ssyncadd.s32 $0xFFFFFFFF  }
0xa5: {  	s26 =	simm.s32 $execute0_lowered;
	[smem:$0x3FD2] =	sst s25  }
0xa6: {  	s4 =	sshll.u32 s26, $0x1;
	_ =	strace $0x80000046;
	[dreg:$0x1] =	wrdreg $0xFFFFFFFF  }
0xa7: {  	s28 =	simm.s32 $_size_execute0_lowered;
	s2 =	sadd.s32 s2, s4;
	[dreg:$0x0] =	wrdreg $0x0  }
0xa8: {  	s4 =	sshll.u32 s28, $0x1;
	[dreg:$0x2] =	wrdreg s2  }
0xa9: {  	[dreg:$0x3] =	wrdreg s4  }
0xaa: {  	[dreg:$0x4] =	wrdreg $0xC0  }
0xab: {  	_ =	task [dreg:s6], $0x5FFFF  }
0xac: {  	[dreg:$0x1] =	wrdreg $0xFFFFFFFF  }
0xad: {  	[dreg:$0x0] =	wrdreg $0x60  }
0xae: {  	[dreg:$0x2] =	wrdreg s24  }
0xaf: {  	[dreg:$0x3] =	wrdreg $0x50000  }
0xb0: {  	[dreg:$0x4] =	wrdreg $0x0  }
0xb1: {  	[dreg:$0x5] =	wrdreg $0x15CC00  }
0xb2: {  	[dreg:$0x6] =	wrdreg $0x9  }
0xb3: {  	_ =	task.clear_ibuf [dreg:s6], $0x7FFFF;
	_ =	strace $0x90000046  }
0xb4: {  	s29 =	simm.s32 $0x9;
	_ =	strace $0x80000048  }
0xb5: {  	_ =	swait.ge [sflag:s29], $0x1  }
0xb6: {  	[sflag:s29] =	ssyncadd.s32 $0xFFFFFFFF  }
0xb7: {  	_ =	strace $0x90000048  }
0xb8: {  	_ =	sfence  }
0xb9: {  	s30 =	sld [smem:$0x0];
	_ =	sdelay $0x2  }
0xba: {  	s31 =	sshll.u32 s1, $0xD;
	s1 =	sshrl.u32 s1, $0x2  }
0xbb: {  	s3 =	sand.u32 $0x4000, s31;
	s1 =	sadd.s32 s1, s30  }
0xbc: {  	s0 =	sor.u32 s3, s0;
	s1 =	sshll.u32 s1, $0x11  }
0xbd: {  	s0 =	sor.u32 s1, s0  }
0xbe: {  	s0 =	sadd.s32 $0x8F2B, s0  }
0xbf: {  	[sflag:s0] =	ssyncadd.remote.s32 $0x1  }
0xc0: {  	_ =	sfence.sel $0xFFFF  }
0xc1: {  	[dreg:$0x0] =	wrdreg $0xFFFFFFFF;
	(pc) =	sbr.abs _section_cstart, $3  }
0xc2: {  	[dreg:$0x1] =	wrdreg $0xFFFFFFFF  }
0xc3: {  	_ =	task.clear_ibuf [dreg:s6], $0x2FFFF;
	_ =	strace $0x9FFFFFFF  }
0xc4: {  	(tm) =	ssettm $0x7FFFFFFF  }
0xc5: {  	_ =	shalt  }
tec
execute0_lowered:
.L_overlay_start_1:
0x0: {  	(tag) =	ssettag $0x1  }
0x1: {  	s1 =	srdreg.scid;
	s23 =	stileid.u32  }
0x2: {  	s11 =	sand.u32 $0x1, s1;
	s1 =	smul.u32 $0x5000, s23  }
0x3: {  	s0 =	rddreg [dreg:$0x0];
	s8 =	smul.u32 $0x280, s23  }
0x4: {  	s13 =	sadd.s32 $0x2AC00, s0;
	s19 =	smul.u32 $0x50000, s11  }
0x5: {  	s2 =	sshll.u32 s11, $0x4;
	s3 =	ssub.s32 $0x2, s11;
	s11 =	smul.u32 $0x28000, s11  }
0x6: {  	s2 =	sor.u32 s23, s2;
	s4 =	sshrl.u32 s3, $0x1;
	s14 =	sor.u32 $0x50, s8  }
0x7: {  	s15 =	sadd.s32 $0xA0, s8;
	s16 =	sadd.s32 $0xF0, s8;
	s17 =	sadd.s32 $0x140, s8  }
0x8: {  	s18 =	sadd.s32 $0x190, s8;
	s20 =	sadd.s32 $0x1E0, s8;
	s22 =	sadd.s32 $0x230, s8  }
0x9: {  	s5 =	smul.u32 $0x4EC, s2;
	s12 =	ssub.s32 s3, s4;
	s2 =	sshll.u32 s14, $0x5  }
0xa: {  	s3 =	sshll.u32 s15, $0x5;
	s4 =	sshll.u32 s16, $0x5;
	s6 =	sshll.u32 s17, $0x5  }
0xb: {  	s7 =	sshll.u32 s18, $0x5;
	s9 =	sshll.u32 s20, $0x5;
	s10 =	sadd.s32 s1, s19  }
0xc: {  	s16 =	sshll.u32 s16, $0x4;
	s21 =	sadd.s32 s19, s2;
	s24 =	sshrl.u32 s10, $0x3  }
0xd: {  	s10 =	sadd.s32 s19, s3;
	s25 =	sshrl.u32 s21, $0x3;
	s8 =	sadd.s32 s13, s24  }
0xe: {  	s21 =	sadd.s32 s19, s4;
	s24 =	sadd.s32 s19, s6;
	[dreg:$0x5] =	wrdreg s8  }
0xf: {  	s26 =	sadd.s32 s13, s25;
	s8 =	sshrl.u32 s10, $0x3;
	s25 =	sshrl.u32 s21, $0x3  }
0x10: {  	s10 =	sshll.u32 s22, $0x5;
	[dreg:$0x6] =	wrdreg s26;
	s8 =	sadd.s32 s13, s8  }
0x11: {  	s26 =	sshrl.u32 s24, $0x3;
	[dreg:$0x7] =	wrdreg s8;
	s8 =	sadd.s32 s13, s25  }
0x12: {  	s24 =	sadd.s32 s19, s7;
	s21 =	sadd.s32 s13, s26;
	[dreg:$0x8] =	wrdreg s8  }
0x13: {  	s25 =	sadd.s32 s19, s9;
	s19 =	sadd.s32 s19, s10;
	[dreg:$0x9] =	wrdreg s21  }
0x14: {  	s8 =	sshrl.u32 s24, $0x3;
	s26 =	sshrl.u32 s25, $0x3;
	s19 =	sshrl.u32 s19, $0x3  }
0x15: {  	s21 =	smul.u32 $0x2800, s23;
	s23 =	sshll.u32 s17, $0x4;
	s8 =	sadd.s32 s13, s8  }
0x16: {  	s24 =	sshll.u32 s18, $0x4;
	[dreg:$0xa] =	wrdreg s8;
	s8 =	sadd.s32 s13, s26  }
0x17: {  	s13 =	sadd.s32 s13, s19;
	s18 =	sadd.s32 s21, s11;
	[dreg:$0xb] =	wrdreg s8  }
0x18: {  	s8 =	simm.s32 $0x0;
	[dreg:$0xc] =	wrdreg s13;
	s13 =	sshll.u32 s14, $0x4  }
0x19: {  	s14 =	sshll.u32 s15, $0x4;
	s15 =	sshrl.u32 s18, $0x3;
	s18 =	sadd.s32 $0x20C00, s0  }
0x1a: {  	[smem:$0x7FF] =	sst s8;
	s19 =	sadd.s32 s11, s13;
	s15 =	sadd.s32 s18, s15  }
0x1b: {  	s26 =	sadd.s32 s11, s14;
	[dreg:$0xd] =	wrdreg s15;
	s25 =	sshrl.u32 s19, $0x3  }
0x1c: {  	s17 =	sshrl.u32 s26, $0x3;
	s19 =	sadd.s32 s11, s16;
	s15 =	sadd.s32 s18, s25  }
0x1d: {  	s25 =	sshrl.u32 s19, $0x3;
	[dreg:$0xe] =	wrdreg s15;
	s15 =	sadd.s32 s18, s17  }
0x1e: {  	s26 =	sadd.s32 s11, s23;
	[dreg:$0xf] =	wrdreg s15;
	s15 =	sadd.s32 s18, s25  }
0x1f: {  	s19 =	sadd.s32 s11, s24;
	s17 =	sshrl.u32 s26, $0x3;
	[dreg:$0x10] =	wrdreg s15  }
0x20: {  	s15 =	sadd.s32 s18, s17;
	s17 =	sshrl.u32 s19, $0x3;
	s19 =	rddreg [dreg:$0x3]  }
0x21: {  	s20 =	sshll.u32 s20, $0x4;
	s22 =	sshll.u32 s22, $0x4;
	[dreg:$0x11] =	wrdreg s15  }
0x22: {  	s25 =	sadd.s32 s11, s20;
	s15 =	rddreg [dreg:$0x1];
	s17 =	sadd.s32 s18, s17  }
0x23: {  	s11 =	sadd.s32 s11, s22;
	s25 =	sshrl.u32 s25, $0x3;
	[dreg:$0x12] =	wrdreg s17  }
0x24: {  	s11 =	sshrl.u32 s11, $0x3;
	s25 =	sadd.s32 s18, s25;
	s17 =	rddreg [dreg:$0x2]  }
0x25: {  	s26 =	sshrl.u32 s1, $0x3;
	s11 =	sadd.s32 s18, s11;
	[dreg:$0x13] =	wrdreg s25  }
0x26: {  	s18 =	sadd.s32 $0x20600, s0;
	[dreg:$0x14] =	wrdreg s11;
	s11 =	sadd.s32 s26, s0  }
0x27: {  	s26 =	sadd.s32 $0x20A00, s0;
	_ =	strace $0x80000047;
	[dreg:$0x15] =	wrdreg s18  }
0x28: {  	s25 =	sadd.s32 s5, s0;
	s0 =	sadd.s32 $0x20800, s0;
	[dreg:$0x16] =	wrdreg s26  }
0x29: {  	s12 =	smax.u32 s12, $0x1;
	[dreg:$0x17] =	wrdreg s0  }
0x2a: {  	s11 =	sadd.s32 $0x2A00, s11;
	[smem:$0x7F8] =	sst s12  }
0x2b: {  	s18 =	sadd.s32 s1, s15;
	s5 =	sadd.s32 s9, s17;
	[dreg:$0x18] =	wrdreg s11  }
0x2c: {  	s9 =	sadd.s32 s24, s19;
	s24 =	sadd.s32 $0x16800, s25;
	[dreg:$0x19] =	wrdreg s18  }
0x2d: {  	s28 =	sadd.s32 s1, s17;
	s26 =	sadd.s32 $0xCA00, s25;
	[smem:$0x7F6] =	sst s24  }
0x2e: {  	s31 =	sadd.s32 s4, s17;
	s0 =	sadd.s32 s13, s19;
	[smem:$0x7F7] =	sst s26  }
0x2f: {  	s4 =	sadd.s32 s7, s17;
	s7 =	sadd.s32 s10, s17;
	[dreg:$0x1a] =	wrdreg s0  }
0x30: {  	s29 =	sadd.s32 s2, s17;
	s1 =	sadd.s32 s14, s19;
	[dreg:$0x1b] =	wrdreg s7  }
0x31: {  	s30 =	sadd.s32 s3, s17;
	s2 =	sadd.s32 s16, s19;
	[dreg:$0x1c] =	wrdreg s1  }
0x32: {  	s3 =	sadd.s32 s6, s17;
	s6 =	sadd.s32 s23, s19;
	[dreg:$0x1d] =	wrdreg s2  }
0x33: {  	s10 =	sadd.s32 s21, s19;
	[dreg:$0x1e] =	wrdreg s6  }
0x34: {  	s21 =	simm.s32 $0x152C0;
	s23 =	simm.s32 $0x189C0;
	[dreg:$0x1f] =	wrdreg s9  }
0x35: {  	s25 =	simm.s32 $0x50;
	s16 =	simm.s32 $0x148C0;
	[smem:$0x7F9] =	sst s10  }
0x36: {  	s12 =	simm.s32 $0x1;
	s13 =	simm.s32 $0x2;
	[smem:$0x7FB] =	sst s4  }
0x37: {  	s11 =	sadd.s32 s20, s19;
	s18 =	sadd.s32 s22, s19;
	[smem:$0x7FD] =	sst s28  }
0x38: {  	s20 =	simm.s32 $0x3;
	s22 =	simm.s32 $0x184C0;
	[smem:$0x7FA] =	sst s11  }
0x39: {  	s26 =	simm.s32 $0x13EC0;
	s24 =	simm.s32 $0x0;
	[smem:$0x7FC] =	sst s18  }
.LBB2_1:
0x3a: {  	[smem:$0x7F5] =	sst s24  }
0x3b: {  	s14 =	rddreg [dreg:$0x18];
	s24 =	simm.s32 $0xA000  }
0x3c: {  	[tilespmem:s24], [sflag:$0x3] =	stream.linear.gather [hbm4b:s14+s8], $0x5000, $0x38;
	[tilespmem:$0x18EC0] =	vst v63  }
0x3d: {  	_ =	swait.ge [sflag:s20], $0x5000  }
0x3e: {  	[sflag:s20] =	ssyncset.done $0x0  }
0x3f: {  	s14 =	rddreg [dreg:$0x19];
	[sflag:s20] =	ssyncadd.s32 $0xFFFFB000  }
0x40: {  	[spmem:s14] =	stream.linear.scatter [tilespmem:s24], [sflag:$0x3], $0x5000, $0x38;
	[tilespmem:$0x18EC0] =	vst v63  }
0x41: {  	_ =	swait.ge [sflag:s20], $0x5000  }
0x42: {  	[sflag:s20] =	ssyncset.done $0x0  }
0x43: {  	s24 =	rddreg [dreg:$0x15];
	[sflag:s20] =	ssyncadd.s32 $0xFFFFB000  }
0x44: {  	[tilespmem:s21], [sflag:$0x3] =	stream.linear.gather [hbm4b:s24+s8], $0xA00, $0x38;
	[tilespmem:$0x18EC0] =	vst v63  }
0x45: {  	_ =	swait.ge [sflag:s20], $0xA00  }
0x46: {  	[sflag:s20] =	ssyncset.done $0x0  }
0x47: {  	[sflag:s20] =	ssyncadd.s32 $0xFFFFF600  }
0x48: {  	[spmem:s28] =	stream.linear.scatter [tilespmem:s21], [sflag:$0x3], $0xA00, $0x38;
	[tilespmem:$0x18EC0] =	vst v63  }
0x49: {  	_ =	swait.ge [sflag:s20], $0xA00  }
0x4a: {  	[sflag:s20] =	ssyncset.done $0x0  }
0x4b: {  	[sflag:s20] =	ssyncadd.s32 $0xFFFFF600  }
0x4c: {  	[spmem:s29] =	stream.linear.scatter [tilespmem:s21], [sflag:$0x3], $0xA00, $0x38;
	[tilespmem:$0x18EC0] =	vst v63  }
0x4d: {  	_ =	swait.ge [sflag:s20], $0xA00  }
0x4e: {  	[sflag:s20] =	ssyncset.done $0x0  }
0x4f: {  	[sflag:s20] =	ssyncadd.s32 $0xFFFFF600  }
0x50: {  	[spmem:s30] =	stream.linear.scatter [tilespmem:s21], [sflag:$0x3], $0xA00, $0x38;
	[tilespmem:$0x18EC0] =	vst v63  }
0x51: {  	_ =	swait.ge [sflag:s20], $0xA00  }
0x52: {  	[sflag:s20] =	ssyncset.done $0x0  }
0x53: {  	[sflag:s20] =	ssyncadd.s32 $0xFFFFF600  }
0x54: {  	[spmem:s31] =	stream.linear.scatter [tilespmem:s21], [sflag:$0x3], $0xA00, $0x38;
	[tilespmem:$0x18EC0] =	vst v63  }
0x55: {  	_ =	swait.ge [sflag:s20], $0xA00  }
0x56: {  	[sflag:s20] =	ssyncset.done $0x0  }
0x57: {  	[sflag:s20] =	ssyncadd.s32 $0xFFFFF600  }
0x58: {  	[spmem:s3] =	stream.linear.scatter [tilespmem:s21], [sflag:$0x3], $0xA00, $0x38;
	[tilespmem:$0x18EC0] =	vst v63  }
0x59: {  	_ =	swait.ge [sflag:s20], $0xA00  }
0x5a: {  	[sflag:s20] =	ssyncset.done $0x0  }
0x5b: {  	s28 =	smov.u32 s4;
	[sflag:s20] =	ssyncadd.s32 $0xFFFFF600  }
0x5c: {  	[spmem:s28] =	stream.linear.scatter [tilespmem:s21], [sflag:$0x3], $0xA00, $0x38;
	[tilespmem:$0x18EC0] =	vst v63  }
0x5d: {  	_ =	swait.ge [sflag:s20], $0xA00  }
0x5e: {  	[sflag:s20] =	ssyncset.done $0x0  }
0x5f: {  	[sflag:s20] =	ssyncadd.s32 $0xFFFFF600  }
0x60: {  	[spmem:s5] =	stream.linear.scatter [tilespmem:s21], [sflag:$0x3], $0xA00, $0x38;
	[tilespmem:$0x18EC0] =	vst v63  }
0x61: {  	_ =	swait.ge [sflag:s20], $0xA00  }
0x62: {  	[sflag:s20] =	ssyncset.done $0x0  }
0x63: {  	[sflag:s20] =	ssyncadd.s32 $0xFFFFF600  }
0x64: {  	[spmem:s7] =	stream.linear.scatter [tilespmem:s21], [sflag:$0x3], $0xA00, $0x38;
	[tilespmem:$0x18EC0] =	vst v63  }
0x65: {  	_ =	swait.ge [sflag:s20], $0xA00  }
0x66: {  	[sflag:s20] =	ssyncset.done $0x0  }
0x67: {  	s7 =	rddreg [dreg:$0x16];
	[sflag:s20] =	ssyncadd.s32 $0xFFFFF600  }
0x68: {  	[tilespmem:s22], [sflag:$0x3] =	stream.linear.gather [hbm4b:s7+s8], $0x500, $0x38;
	[tilespmem:$0x18EC0] =	vst v63  }
0x69: {  	_ =	swait.ge [sflag:s20], $0x500  }
0x6a: {  	[sflag:s20] =	ssyncset.done $0x0  }
0x6b: {  	[sflag:s20] =	ssyncadd.s32 $0xFFFFFB00  }
0x6c: {  	[spmem:s10] =	stream.linear.scatter [tilespmem:s22], [sflag:$0x3], $0x500, $0x38;
	[tilespmem:$0x18EC0] =	vst v63  }
0x6d: {  	_ =	swait.ge [sflag:s20], $0x500  }
0x6e: {  	[sflag:s20] =	ssyncset.done $0x0  }
0x6f: {  	[sflag:s20] =	ssyncadd.s32 $0xFFFFFB00  }
0x70: {  	[spmem:s0] =	stream.linear.scatter [tilespmem:s22], [sflag:$0x3], $0x500, $0x38;
	[tilespmem:$0x18EC0] =	vst v63  }
0x71: {  	_ =	swait.ge [sflag:s20], $0x500  }
0x72: {  	[sflag:s20] =	ssyncset.done $0x0  }
0x73: {  	s4 =	smov.u32 s29;
	s29 =	smov.u32 s1;
	[sflag:s20] =	ssyncadd.s32 $0xFFFFFB00  }
0x74: {  	[spmem:s29] =	stream.linear.scatter [tilespmem:s22], [sflag:$0x3], $0x500, $0x38;
	[tilespmem:$0x18EC0] =	vst v63  }
0x75: {  	_ =	swait.ge [sflag:s20], $0x500  }
0x76: {  	[sflag:s20] =	ssyncset.done $0x0  }
0x77: {  	s24 =	smov.u32 s2;
	[sflag:s20] =	ssyncadd.s32 $0xFFFFFB00  }
0x78: {  	[spmem:s24] =	stream.linear.scatter [tilespmem:s22], [sflag:$0x3], $0x500, $0x38;
	[tilespmem:$0x18EC0] =	vst v63  }
0x79: {  	_ =	swait.ge [sflag:s20], $0x500  }
0x7a: {  	[sflag:s20] =	ssyncset.done $0x0  }
0x7b: {  	s28 =	smov.u32 s6;
	[sflag:s20] =	ssyncadd.s32 $0xFFFFFB00  }
0x7c: {  	[spmem:s28] =	stream.linear.scatter [tilespmem:s22], [sflag:$0x3], $0x500, $0x38;
	[tilespmem:$0x18EC0] =	vst v63  }
0x7d: {  	_ =	swait.ge [sflag:s20], $0x500  }
0x7e: {  	[sflag:s20] =	ssyncset.done $0x0  }
0x7f: {  	[sflag:s20] =	ssyncadd.s32 $0xFFFFFB00  }
0x80: {  	[spmem:s9] =	stream.linear.scatter [tilespmem:s22], [sflag:$0x3], $0x500, $0x38;
	[tilespmem:$0x18EC0] =	vst v63  }
0x81: {  	_ =	swait.ge [sflag:s20], $0x500  }
0x82: {  	[sflag:s20] =	ssyncset.done $0x0  }
0x83: {  	[sflag:s20] =	ssyncadd.s32 $0xFFFFFB00  }
0x84: {  	[spmem:s11] =	stream.linear.scatter [tilespmem:s22], [sflag:$0x3], $0x500, $0x38;
	[tilespmem:$0x18EC0] =	vst v63  }
0x85: {  	_ =	swait.ge [sflag:s20], $0x500  }
0x86: {  	[sflag:s20] =	ssyncset.done $0x0  }
0x87: {  	[sflag:s20] =	ssyncadd.s32 $0xFFFFFB00  }
0x88: {  	[spmem:s18] =	stream.linear.scatter [tilespmem:s22], [sflag:$0x3], $0x500, $0x38;
	[tilespmem:$0x18EC0] =	vst v63  }
0x89: {  	_ =	swait.ge [sflag:s20], $0x500  }
0x8a: {  	[sflag:s20] =	ssyncset.done $0x0  }
0x8b: {  	s9 =	rddreg [dreg:$0x17];
	[sflag:s20] =	ssyncadd.s32 $0xFFFFFB00  }
0x8c: {  	[tilespmem:s23], [sflag:$0x3] =	stream.linear.gather [hbm4b:s9+s8], $0x500, $0x38;
	[tilespmem:$0x18EC0] =	vst v63  }
0x8d: {  	_ =	swait.ge [sflag:s20], $0x500  }
0x8e: {  	s10 =	sld [smem:$0x7F6]  }
0x8f: {  	[sflag:s20] =	ssyncset.done $0x0  }
0x90: {  	s11 =	simm.s32 $0xF000;
	[sflag:s20] =	ssyncadd.s32 $0xFFFFFB00  }
0x91: {  	[tilespmem:s11], [sflag:$0x3] =	stream.linear.gather [hbm4b:s10+s8], $0x2760, $0x38;
	[tilespmem:$0x18EC0] =	vst v63  }
0x92: {  	_ =	swait.ge [sflag:s20], $0x2760  }
0x93: {  	s14 =	sld [smem:$0x7F7]  }
0x94: {  	[sflag:s20] =	ssyncset.done $0x0  }
0x95: {  	s18 =	simm.s32 $0x11760;
	[sflag:s20] =	ssyncadd.s32 $0xFFFFD8A0  }
0x96: {  	[tilespmem:s18], [sflag:$0x3] =	stream.linear.gather [hbm4b:s14+s8], $0x2760, $0x38;
	[tilespmem:$0x18EC0] =	vst v63  }
0x97: {  	_ =	swait.ge [sflag:s20], $0x2760  }
0x98: {  	[sflag:s20] =	ssyncset.done $0x0  }
0x99: {  	[sflag:s20] =	ssyncadd.s32 $0xFFFFD8A0  }
0x9a: {  	[bflag:$0x0] =	sbarrier.arrive $0xFFFF  }
0x9b: {  	[tilespmem:s26], [sflag:$0x1] =	stream.indirect.gather [spmem:s15], $0x20, s11, s25, $0xb8;
	[tilespmem:$0x18EC0] =	vst v63  }
0x9c: {  	s24 =	simm.s32 $0xF050  }
0x9d: {  	[tilespmem:s16], [sflag:$0x2] =	stream.indirect.gather [spmem:s15], $0x20, s24, s25, $0xb8;
	[tilespmem:$0x18EC0] =	vst v63  }
0x9e: {  	_ =	swait.ge [sflag:s12], $0xA00  }
0x9f: {  	[sflag:s12] =	ssyncset.done $0x0  }
0xa0: {  	s29 =	simm.s32 $0x11760;
	[sflag:s12] =	ssyncadd.s32 $0xFFFFF600  }
0xa1: {  	[spmem:s19] =	stream.indirect.scatter.add.f32 [tilespmem:s23], [sflag:$0x3], $0x10, s29, s25, $0xb8;
	[tilespmem:$0x18EC0] =	vst v63  }
0xa2: {  	_ =	swait.ge [sflag:s20], $0x500  }
0xa3: {  	[sflag:s20] =	ssyncset.done $0x0  }
0xa4: {  	[sflag:s20] =	ssyncadd.s32 $0xFFFFFB00  }
0xa5: {  	[spmem:s17] =	stream.indirect.scatter.add.f32 [tilespmem:s26], [sflag:$0x3], $0x20, s29, s25, $0xb8;
	[tilespmem:$0x18EC0] =	vst v63  }
0xa6: {  	_ =	swait.ge [sflag:s20], $0xA00  }
0xa7: {  	[sflag:s20] =	ssyncset.done $0x0  }
0xa8: {  	s1 =	smov.u32 s30;
	s30 =	simm.s32 $0xF0A0;
	[sflag:s20] =	ssyncadd.s32 $0xFFFFF600  }
0xa9: {  	[tilespmem:s26], [sflag:$0x1] =	stream.indirect.gather [spmem:s15], $0x20, s30, s25, $0xb8;
	[tilespmem:$0x18EC0] =	vst v63  }
0xaa: {  	_ =	swait.ge [sflag:s13], $0xA00  }
0xab: {  	[sflag:s13] =	ssyncset.done $0x0  }
0xac: {  	s2 =	smov.u32 s31;
	s31 =	simm.s32 $0x117B0;
	[sflag:s13] =	ssyncadd.s32 $0xFFFFF600  }
0xad: {  	[spmem:s19] =	stream.indirect.scatter.add.f32 [tilespmem:s23], [sflag:$0x3], $0x10, s31, s25, $0xb8;
	[tilespmem:$0x18EC0] =	vst v63  }
0xae: {  	_ =	swait.ge [sflag:s20], $0x500  }
0xaf: {  	[sflag:s20] =	ssyncset.done $0x0  }
0xb0: {  	[sflag:s20] =	ssyncadd.s32 $0xFFFFFB00  }
0xb1: {  	[spmem:s17] =	stream.indirect.scatter.add.f32 [tilespmem:s16], [sflag:$0x3], $0x20, s31, s25, $0xb8;
	[tilespmem:$0x18EC0] =	vst v63  }
0xb2: {  	s6 =	smov.u32 s5;
	_ =	swait.ge [sflag:s20], $0xA00  }
0xb3: {  	s28 =	simm.s32 $0x500;
	s14 =	simm.s32 $0xA0;
	[sflag:s20] =	ssyncset.done $0x0  }
.LBB2_2:
0xb4: {  	s29 =	sadd.s32 $0xF050, s14  }
0xb5: {  	[sflag:s20] =	ssyncadd.s32 $0xFFFFF600;
	s30 =	smov.u32 s28;
	s31 =	sadd.s32 $0x280, s28  }
0xb6: {  	[tilespmem:s16], [sflag:$0x2] =	stream.indirect.gather [spmem:s15], $0x20, s29, s25, $0xb8;
	[tilespmem:$0x18EC0] =	vst v63  }
0xb7: {  	p0 =	sne.s32 s28, $0x9880;
	_ =	swait.ge [sflag:s12], $0xA00  }
0xb8: {  	[sflag:s12] =	ssyncset.done $0x0  }
0xb9: {  	s28 =	sadd.s32 $0x11760, s14;
	[sflag:s12] =	ssyncadd.s32 $0xFFFFF600  }
0xba: {  	[spmem:s19] =	stream.indirect.scatter.add.f32 [tilespmem:s23], [sflag:$0x3], $0x10, s28, s25, $0xb8;
	[tilespmem:$0x18EC0] =	vst v63  }
0xbb: {  	_ =	swait.ge [sflag:s20], $0x500  }
0xbc: {  	[sflag:s20] =	ssyncset.done $0x0  }
0xbd: {  	[sflag:s20] =	ssyncadd.s32 $0xFFFFFB00  }
0xbe: {  	[spmem:s17] =	stream.indirect.scatter.add.f32 [tilespmem:s26], [sflag:$0x3], $0x20, s28, s25, $0xb8;
	[tilespmem:$0x18EC0] =	vst v63  }
0xbf: {  	_ =	swait.ge [sflag:s20], $0xA00  }
0xc0: {  	[sflag:s20] =	ssyncset.done $0x0  }
0xc1: {  	s28 =	sadd.s32 $0xF0A0, s14;
	[sflag:s20] =	ssyncadd.s32 $0xFFFFF600  }
0xc2: {  	[tilespmem:s26], [sflag:$0x1] =	stream.indirect.gather [spmem:s15], $0x20, s28, s25, $0xb8;
	[tilespmem:$0x18EC0] =	vst v63  }
0xc3: {  	_ =	swait.ge [sflag:s13], $0xA00  }
0xc4: {  	[sflag:s13] =	ssyncset.done $0x0  }
0xc5: {  	s14 =	sadd.s32 $0x117B0, s14;
	[sflag:s13] =	ssyncadd.s32 $0xFFFFF600  }
0xc6: {  	[spmem:s19] =	stream.indirect.scatter.add.f32 [tilespmem:s23], [sflag:$0x3], $0x10, s14, s25, $0xb8;
	[tilespmem:$0x18EC0] =	vst v63  }
0xc7: {  	_ =	swait.ge [sflag:s20], $0x500  }
.Ltmp0:
0xc8: {  	[sflag:s20] =	ssyncset.done $0x0;
	(pc) =	sbr.rel @p0 .LBB2_2-.Ltmp0, $4  }
0xc9: {  	[sflag:s20] =	ssyncadd.s32 $0xFFFFFB00  }
0xca: {  	[spmem:s17] =	stream.indirect.scatter.add.f32 [tilespmem:s16], [sflag:$0x3], $0x20, s14, s25, $0xb8;
	[tilespmem:$0x18EC0] =	vst v63  }
0xcb: {  	_ =	swait.ge [sflag:s20], $0xA00  }
0xcc: {  	s28 =	smov.u32 s31;
	s14 =	sshra.s32 s30, $0x2;
	[sflag:s20] =	ssyncset.done $0x0  }
0xcd: {  	s28 =	sadd.s32 $0xF050, s14;
	[sflag:s20] =	ssyncadd.s32 $0xFFFFF600  }
0xce: {  	[tilespmem:s16], [sflag:$0x2] =	stream.indirect.gather [spmem:s15], $0x20, s28, s25, $0xb8;
	[tilespmem:$0x18EC0] =	vst v63  }
0xcf: {  	_ =	swait.ge [sflag:s12], $0xA00  }
0xd0: {  	[sflag:s12] =	ssyncset.done $0x0  }
0xd1: {  	s28 =	sadd.s32 $0x11760, s14;
	[sflag:s12] =	ssyncadd.s32 $0xFFFFF600  }
0xd2: {  	[spmem:s19] =	stream.indirect.scatter.add.f32 [tilespmem:s23], [sflag:$0x3], $0x10, s28, s25, $0xb8;
	[tilespmem:$0x18EC0] =	vst v63  }
0xd3: {  	_ =	swait.ge [sflag:s20], $0x500  }
0xd4: {  	[sflag:s20] =	ssyncset.done $0x0  }
0xd5: {  	[sflag:s20] =	ssyncadd.s32 $0xFFFFFB00  }
0xd6: {  	[spmem:s17] =	stream.indirect.scatter.add.f32 [tilespmem:s26], [sflag:$0x3], $0x20, s28, s25, $0xb8;
	[tilespmem:$0x18EC0] =	vst v63  }
0xd7: {  	_ =	swait.ge [sflag:s20], $0xA00  }
0xd8: {  	[sflag:s20] =	ssyncset.done $0x0  }
0xd9: {  	s28 =	sadd.s32 $0xF0A0, s14;
	[sflag:s20] =	ssyncadd.s32 $0xFFFFF600  }
0xda: {  	[tilespmem:s26], [sflag:$0x1] =	stream.indirect.gather [spmem:s15], $0x20, s28, s25, $0xb8;
	[tilespmem:$0x18EC0] =	vst v63  }
0xdb: {  	_ =	swait.ge [sflag:s13], $0xA00  }
0xdc: {  	[sflag:s13] =	ssyncset.done $0x0  }
0xdd: {  	s11 =	sadd.s32 $0x117B0, s14;
	[sflag:s13] =	ssyncadd.s32 $0xFFFFF600  }
0xde: {  	[spmem:s19] =	stream.indirect.scatter.add.f32 [tilespmem:s23], [sflag:$0x3], $0x10, s11, s25, $0xb8;
	[tilespmem:$0x18EC0] =	vst v63  }
0xdf: {  	_ =	swait.ge [sflag:s20], $0x500  }
0xe0: {  	[sflag:s20] =	ssyncset.done $0x0  }
0xe1: {  	[sflag:s20] =	ssyncadd.s32 $0xFFFFFB00  }
0xe2: {  	[spmem:s17] =	stream.indirect.scatter.add.f32 [tilespmem:s16], [sflag:$0x3], $0x20, s11, s25, $0xb8;
	[tilespmem:$0x18EC0] =	vst v63  }
0xe3: {  	_ =	swait.ge [sflag:s20], $0xA00  }
0xe4: {  	[sflag:s20] =	ssyncset.done $0x0  }
0xe5: {  	s0 =	simm.s32 $0x11710;
	[sflag:s20] =	ssyncadd.s32 $0xFFFFF600  }
0xe6: {  	[tilespmem:s16], [sflag:$0x2] =	stream.indirect.gather [spmem:s15], $0x20, s0, s25, $0xb8;
	[tilespmem:$0x18EC0] =	vst v63  }
0xe7: {  	_ =	swait.ge [sflag:s12], $0xA00  }
0xe8: {  	[sflag:s12] =	ssyncset.done $0x0  }
0xe9: {  	s18 =	simm.s32 $0x13E20;
	[sflag:s12] =	ssyncadd.s32 $0xFFFFF600  }
0xea: {  	[spmem:s19] =	stream.indirect.scatter.add.f32 [tilespmem:s23], [sflag:$0x3], $0x10, s18, s25, $0xb8;
	[tilespmem:$0x18EC0] =	vst v63  }
0xeb: {  	_ =	swait.ge [sflag:s20], $0x500  }
0xec: {  	[sflag:s20] =	ssyncset.done $0x0  }
0xed: {  	[sflag:s20] =	ssyncadd.s32 $0xFFFFFB00  }
0xee: {  	[spmem:s17] =	stream.indirect.scatter.add.f32 [tilespmem:s26], [sflag:$0x3], $0x20, s18, s25, $0xb8;
	[tilespmem:$0x18EC0] =	vst v63  }
0xef: {  	_ =	swait.ge [sflag:s20], $0xA00  }
0xf0: {  	[sflag:s20] =	ssyncset.done $0x0  }
0xf1: {  	[sflag:s20] =	ssyncadd.s32 $0xFFFFF600  }
0xf2: {  	_ =	swait.ge [sflag:s13], $0xA00  }
0xf3: {  	[sflag:s13] =	ssyncset.done $0x0  }
0xf4: {  	s24 =	simm.s32 $0x13E70;
	[sflag:s13] =	ssyncadd.s32 $0xFFFFF600  }
0xf5: {  	[spmem:s19] =	stream.indirect.scatter.add.f32 [tilespmem:s23], [sflag:$0x3], $0x10, s24, s25, $0xb8;
	[tilespmem:$0x18EC0] =	vst v63  }
0xf6: {  	_ =	swait.ge [sflag:s20], $0x500  }
0xf7: {  	[sflag:s20] =	ssyncset.done $0x0  }
0xf8: {  	[sflag:s20] =	ssyncadd.s32 $0xFFFFFB00  }
0xf9: {  	[spmem:s17] =	stream.indirect.scatter.add.f32 [tilespmem:s16], [sflag:$0x3], $0x20, s24, s25, $0xb8;
	[tilespmem:$0x18EC0] =	vst v63  }
0xfa: {  	_ =	swait.ge [sflag:s20], $0xA00  }
0xfb: {  	[sflag:s20] =	ssyncset.done $0x0  }
0xfc: {  	[sflag:s20] =	ssyncadd.s32 $0xFFFFF600  }
0xfd: {  	[bflag:$0x0] =	sbarrier.arrive $0xFFFF  }
0xfe: {  	s28 =	sld [smem:$0x7FD];
	_ =	sdelay $0x2  }
0xff: {  	[tilespmem:s21], [sflag:$0x3] =	stream.linear.gather [spmem:s28], $0xA00, $0x38;
	[tilespmem:$0x18EC0] =	vst v63  }
0x100: {  	_ =	swait.ge [sflag:s20], $0xA00  }
0x101: {  	[sflag:s20] =	ssyncset.done $0x0  }
0x102: {  	s0 =	rddreg [dreg:$0x5];
	[sflag:s20] =	ssyncadd.s32 $0xFFFFF600  }
0x103: {  	[hbm4b:s0+s8] =	stream.linear.scatter [tilespmem:s21], [sflag:$0x3], $0xA00, $0x38;
	[tilespmem:$0x18EC0] =	vst v63  }
0x104: {  	_ =	swait.ge [sflag:s20], $0xA00  }
0x105: {  	[sflag:s20] =	ssyncset.done $0x0  }
0x106: {  	[sflag:s20] =	ssyncadd.s32 $0xFFFFF600  }
0x107: {  	[tilespmem:s21], [sflag:$0x3] =	stream.linear.gather [spmem:s4], $0xA00, $0x38;
	[tilespmem:$0x18EC0] =	vst v63  }
0x108: {  	_ =	swait.ge [sflag:s20], $0xA00  }
0x109: {  	[sflag:s20] =	ssyncset.done $0x0  }
0x10a: {  	s5 =	rddreg [dreg:$0x6];
	[sflag:s20] =	ssyncadd.s32 $0xFFFFF600  }
0x10b: {  	[hbm4b:s5+s8] =	stream.linear.scatter [tilespmem:s21], [sflag:$0x3], $0xA00, $0x38;
	[tilespmem:$0x18EC0] =	vst v63  }
0x10c: {  	_ =	swait.ge [sflag:s20], $0xA00  }
0x10d: {  	[sflag:s20] =	ssyncset.done $0x0  }
0x10e: {  	[sflag:s20] =	ssyncadd.s32 $0xFFFFF600  }
0x10f: {  	[tilespmem:s21], [sflag:$0x3] =	stream.linear.gather [spmem:s1], $0xA00, $0x38;
	[tilespmem:$0x18EC0] =	vst v63  }
0x110: {  	_ =	swait.ge [sflag:s20], $0xA00  }
0x111: {  	[sflag:s20] =	ssyncset.done $0x0  }
0x112: {  	s7 =	rddreg [dreg:$0x7];
	[sflag:s20] =	ssyncadd.s32 $0xFFFFF600  }
0x113: {  	[hbm4b:s7+s8] =	stream.linear.scatter [tilespmem:s21], [sflag:$0x3], $0xA00, $0x38;
	[tilespmem:$0x18EC0] =	vst v63  }
0x114: {  	_ =	swait.ge [sflag:s20], $0xA00  }
0x115: {  	[sflag:s20] =	ssyncset.done $0x0  }
0x116: {  	[sflag:s20] =	ssyncadd.s32 $0xFFFFF600  }
0x117: {  	[tilespmem:s21], [sflag:$0x3] =	stream.linear.gather [spmem:s2], $0xA00, $0x38;
	[tilespmem:$0x18EC0] =	vst v63  }
0x118: {  	_ =	swait.ge [sflag:s20], $0xA00  }
0x119: {  	[sflag:s20] =	ssyncset.done $0x0  }
0x11a: {  	s9 =	rddreg [dreg:$0x8];
	[sflag:s20] =	ssyncadd.s32 $0xFFFFF600  }
0x11b: {  	[hbm4b:s9+s8] =	stream.linear.scatter [tilespmem:s21], [sflag:$0x3], $0xA00, $0x38;
	[tilespmem:$0x18EC0] =	vst v63  }
0x11c: {  	_ =	swait.ge [sflag:s20], $0xA00  }
0x11d: {  	[sflag:s20] =	ssyncset.done $0x0  }
0x11e: {  	[sflag:s20] =	ssyncadd.s32 $0xFFFFF600  }
0x11f: {  	[tilespmem:s21], [sflag:$0x3] =	stream.linear.gather [spmem:s3], $0xA00, $0x38;
	[tilespmem:$0x18EC0] =	vst v63  }
0x120: {  	_ =	swait.ge [sflag:s20], $0xA00  }
0x121: {  	[sflag:s20] =	ssyncset.done $0x0  }
0x122: {  	s10 =	rddreg [dreg:$0x9];
	[sflag:s20] =	ssyncadd.s32 $0xFFFFF600  }
0x123: {  	[hbm4b:s10+s8] =	stream.linear.scatter [tilespmem:s21], [sflag:$0x3], $0xA00, $0x38;
	[tilespmem:$0x18EC0] =	vst v63  }
0x124: {  	_ =	swait.ge [sflag:s20], $0xA00  }
0x125: {  	s29 =	smov.u32 s4;
	s4 =	sld [smem:$0x7FB]  }
0x126: {  	[sflag:s20] =	ssyncset.done $0x0  }
0x127: {  	[sflag:s20] =	ssyncadd.s32 $0xFFFFF600  }
0x128: {  	[tilespmem:s21], [sflag:$0x3] =	stream.linear.gather [spmem:s4], $0xA00, $0x38;
	[tilespmem:$0x18EC0] =	vst v63  }
0x129: {  	_ =	swait.ge [sflag:s20], $0xA00  }
0x12a: {  	[sflag:s20] =	ssyncset.done $0x0  }
0x12b: {  	s11 =	rddreg [dreg:$0xa];
	[sflag:s20] =	ssyncadd.s32 $0xFFFFF600  }
0x12c: {  	[hbm4b:s11+s8] =	stream.linear.scatter [tilespmem:s21], [sflag:$0x3], $0xA00, $0x38;
	[tilespmem:$0x18EC0] =	vst v63  }
0x12d: {  	_ =	swait.ge [sflag:s20], $0xA00  }
0x12e: {  	[sflag:s20] =	ssyncset.done $0x0  }
0x12f: {  	[sflag:s20] =	ssyncadd.s32 $0xFFFFF600  }
0x130: {  	[tilespmem:s21], [sflag:$0x3] =	stream.linear.gather [spmem:s6], $0xA00, $0x38;
	[tilespmem:$0x18EC0] =	vst v63  }
0x131: {  	_ =	swait.ge [sflag:s20], $0xA00  }
0x132: {  	[sflag:s20] =	ssyncset.done $0x0  }
0x133: {  	s18 =	rddreg [dreg:$0xb];
	[sflag:s20] =	ssyncadd.s32 $0xFFFFF600  }
0x134: {  	[hbm4b:s18+s8] =	stream.linear.scatter [tilespmem:s21], [sflag:$0x3], $0xA00, $0x38;
	[tilespmem:$0x18EC0] =	vst v63  }
0x135: {  	_ =	swait.ge [sflag:s20], $0xA00  }
0x136: {  	[sflag:s20] =	ssyncset.done $0x0  }
0x137: {  	s7 =	rddreg [dreg:$0x1b];
	[sflag:s20] =	ssyncadd.s32 $0xFFFFF600  }
0x138: {  	[tilespmem:s21], [sflag:$0x3] =	stream.linear.gather [spmem:s7], $0xA00, $0x38;
	[tilespmem:$0x18EC0] =	vst v63  }
0x139: {  	_ =	swait.ge [sflag:s20], $0xA00  }
0x13a: {  	[sflag:s20] =	ssyncset.done $0x0  }
0x13b: {  	s24 =	rddreg [dreg:$0xc];
	[sflag:s20] =	ssyncadd.s32 $0xFFFFF600  }
0x13c: {  	[hbm4b:s24+s8] =	stream.linear.scatter [tilespmem:s21], [sflag:$0x3], $0xA00, $0x38;
	[tilespmem:$0x18EC0] =	vst v63  }
0x13d: {  	_ =	swait.ge [sflag:s20], $0xA00  }
0x13e: {  	s10 =	sld [smem:$0x7F9]  }
0x13f: {  	[sflag:s20] =	ssyncset.done $0x0  }
0x140: {  	[sflag:s20] =	ssyncadd.s32 $0xFFFFF600  }
0x141: {  	[tilespmem:s22], [sflag:$0x3] =	stream.linear.gather [spmem:s10], $0x500, $0x38;
	[tilespmem:$0x18EC0] =	vst v63  }
0x142: {  	_ =	swait.ge [sflag:s20], $0x500  }
0x143: {  	[sflag:s20] =	ssyncset.done $0x0  }
0x144: {  	s0 =	rddreg [dreg:$0xd];
	[sflag:s20] =	ssyncadd.s32 $0xFFFFFB00  }
0x145: {  	[hbm4b:s0+s8] =	stream.linear.scatter [tilespmem:s22], [sflag:$0x3], $0x500, $0x38;
	[tilespmem:$0x18EC0] =	vst v63  }
0x146: {  	_ =	swait.ge [sflag:s20], $0x500  }
0x147: {  	[sflag:s20] =	ssyncset.done $0x0  }
0x148: {  	s0 =	rddreg [dreg:$0x1a];
	[sflag:s20] =	ssyncadd.s32 $0xFFFFFB00  }
0x149: {  	[tilespmem:s22], [sflag:$0x3] =	stream.linear.gather [spmem:s0], $0x500, $0x38;
	[tilespmem:$0x18EC0] =	vst v63  }
0x14a: {  	_ =	swait.ge [sflag:s20], $0x500  }
0x14b: {  	[sflag:s20] =	ssyncset.done $0x0  }
0x14c: {  	s30 =	smov.u32 s1;
	s1 =	rddreg [dreg:$0xe];
	[sflag:s20] =	ssyncadd.s32 $0xFFFFFB00  }
0x14d: {  	[hbm4b:s1+s8] =	stream.linear.scatter [tilespmem:s22], [sflag:$0x3], $0x500, $0x38;
	[tilespmem:$0x18EC0] =	vst v63  }
0x14e: {  	_ =	swait.ge [sflag:s20], $0x500  }
0x14f: {  	[sflag:s20] =	ssyncset.done $0x0  }
0x150: {  	s1 =	rddreg [dreg:$0x1c];
	[sflag:s20] =	ssyncadd.s32 $0xFFFFFB00  }
0x151: {  	[tilespmem:s22], [sflag:$0x3] =	stream.linear.gather [spmem:s1], $0x500, $0x38;
	[tilespmem:$0x18EC0] =	vst v63  }
0x152: {  	_ =	swait.ge [sflag:s20], $0x500  }
0x153: {  	[sflag:s20] =	ssyncset.done $0x0  }
0x154: {  	s31 =	smov.u32 s2;
	s2 =	rddreg [dreg:$0xf];
	[sflag:s20] =	ssyncadd.s32 $0xFFFFFB00  }
0x155: {  	[hbm4b:s2+s8] =	stream.linear.scatter [tilespmem:s22], [sflag:$0x3], $0x500, $0x38;
	[tilespmem:$0x18EC0] =	vst v63  }
0x156: {  	_ =	swait.ge [sflag:s20], $0x500  }
0x157: {  	[sflag:s20] =	ssyncset.done $0x0  }
0x158: {  	s2 =	rddreg [dreg:$0x1d];
	[sflag:s20] =	ssyncadd.s32 $0xFFFFFB00  }
0x159: {  	[tilespmem:s22], [sflag:$0x3] =	stream.linear.gather [spmem:s2], $0x500, $0x38;
	[tilespmem:$0x18EC0] =	vst v63  }
0x15a: {  	_ =	swait.ge [sflag:s20], $0x500  }
0x15b: {  	[sflag:s20] =	ssyncset.done $0x0  }
0x15c: {  	s5 =	smov.u32 s6;
	s6 =	rddreg [dreg:$0x10];
	[sflag:s20] =	ssyncadd.s32 $0xFFFFFB00  }
0x15d: {  	[hbm4b:s6+s8] =	stream.linear.scatter [tilespmem:s22], [sflag:$0x3], $0x500, $0x38;
	[tilespmem:$0x18EC0] =	vst v63  }
0x15e: {  	_ =	swait.ge [sflag:s20], $0x500  }
0x15f: {  	[sflag:s20] =	ssyncset.done $0x0  }
0x160: {  	s6 =	rddreg [dreg:$0x1e];
	[sflag:s20] =	ssyncadd.s32 $0xFFFFFB00  }
0x161: {  	[tilespmem:s22], [sflag:$0x3] =	stream.linear.gather [spmem:s6], $0x500, $0x38;
	[tilespmem:$0x18EC0] =	vst v63  }
0x162: {  	_ =	swait.ge [sflag:s20], $0x500  }
0x163: {  	[sflag:s20] =	ssyncset.done $0x0  }
0x164: {  	s9 =	rddreg [dreg:$0x11];
	[sflag:s20] =	ssyncadd.s32 $0xFFFFFB00  }
0x165: {  	[hbm4b:s9+s8] =	stream.linear.scatter [tilespmem:s22], [sflag:$0x3], $0x500, $0x38;
	[tilespmem:$0x18EC0] =	vst v63  }
0x166: {  	_ =	swait.ge [sflag:s20], $0x500  }
0x167: {  	[sflag:s20] =	ssyncset.done $0x0  }
0x168: {  	s9 =	rddreg [dreg:$0x1f];
	[sflag:s20] =	ssyncadd.s32 $0xFFFFFB00  }
0x169: {  	[tilespmem:s22], [sflag:$0x3] =	stream.linear.gather [spmem:s9], $0x500, $0x38;
	[tilespmem:$0x18EC0] =	vst v63  }
0x16a: {  	_ =	swait.ge [sflag:s20], $0x500  }
0x16b: {  	[sflag:s20] =	ssyncset.done $0x0  }
0x16c: {  	s11 =	rddreg [dreg:$0x12];
	[sflag:s20] =	ssyncadd.s32 $0xFFFFFB00  }
0x16d: {  	[hbm4b:s11+s8] =	stream.linear.scatter [tilespmem:s22], [sflag:$0x3], $0x500, $0x38;
	[tilespmem:$0x18EC0] =	vst v63  }
0x16e: {  	_ =	swait.ge [sflag:s20], $0x500  }
0x16f: {  	s11 =	sld [smem:$0x7FA]  }
0x170: {  	[sflag:s20] =	ssyncset.done $0x0  }
0x171: {  	[sflag:s20] =	ssyncadd.s32 $0xFFFFFB00  }
0x172: {  	[tilespmem:s22], [sflag:$0x3] =	stream.linear.gather [spmem:s11], $0x500, $0x38;
	[tilespmem:$0x18EC0] =	vst v63  }
0x173: {  	_ =	swait.ge [sflag:s20], $0x500  }
0x174: {  	[sflag:s20] =	ssyncset.done $0x0  }
0x175: {  	s18 =	rddreg [dreg:$0x13];
	[sflag:s20] =	ssyncadd.s32 $0xFFFFFB00  }
0x176: {  	[hbm4b:s18+s8] =	stream.linear.scatter [tilespmem:s22], [sflag:$0x3], $0x500, $0x38;
	[tilespmem:$0x18EC0] =	vst v63  }
0x177: {  	_ =	swait.ge [sflag:s20], $0x500  }
0x178: {  	s18 =	sld [smem:$0x7FC]  }
0x179: {  	[sflag:s20] =	ssyncset.done $0x0  }
0x17a: {  	[sflag:s20] =	ssyncadd.s32 $0xFFFFFB00  }
0x17b: {  	[tilespmem:s22], [sflag:$0x3] =	stream.linear.gather [spmem:s18], $0x500, $0x38;
	[tilespmem:$0x18EC0] =	vst v63  }
0x17c: {  	_ =	swait.ge [sflag:s20], $0x500  }
0x17d: {  	[sflag:s20] =	ssyncset.done $0x0  }
0x17e: {  	s24 =	rddreg [dreg:$0x14];
	[sflag:s20] =	ssyncadd.s32 $0xFFFFFB00  }
0x17f: {  	[hbm4b:s24+s8] =	stream.linear.scatter [tilespmem:s22], [sflag:$0x3], $0x500, $0x38;
	[tilespmem:$0x18EC0] =	vst v63  }
0x180: {  	_ =	swait.ge [sflag:s20], $0x500  }
0x181: {  	s24 =	sld [smem:$0x7F5]  }
0x182: {  	s14 =	sld [smem:$0x7F8];
	_ =	sdelay $0x1  }
0x183: {  	s24 =	sadd.s32 $0x1, s24  }
0x184: {  	p0 =	sne.s32 s24, s14  }
.Ltmp1:
0x185: {  	_ = 	snop;
	(pc) =	sbr.rel @p0 .LBB2_1-.Ltmp1, $3  }
0x186: {  	_ =	sdelay $0x1  }
0x187: {  	[sflag:s20] =	ssyncset.done $0x0  }
0x188: {  	[sflag:s20] =	ssyncadd.s32 $0xFFFFFB00  }
0x189: {  	_ =	sfence.sel $0x180000  }
0x18a: {  	[bflag:$0x0] =	sbarrier.arrive $0xFFFF  }
0x18b: {  	_ =	strace $0x90000047  }
0x18c: {  	s0 =	stileid.u32;
	[bflag:$0x2] =	sbarrier.arrive $0xFFFF  }
0x18d: {  	p0 =	sne.s32 s0, $0x0;
	s0 =	rddreg [dreg:$0x4]  }
0x18e: {  	s0 =	sadd.s32 @!p0 $0x100000, s0  }
0x18f: {  	[sflag:s0] =	ssyncadd.tile.s32 @!p0 $0x1;
	_ =	shalt  }
.Lfunc_end2:
_tile_overlayer_lowered:
.L_overlay_start_2:
0x190: {  	(tag) =	ssettag $0x2  }
0x191: {  	s0 =	rddreg [dreg:$0x0];
	s2 =	stileid.u32  }
0x192: {  	s1 =	rddreg [dreg:$0x1];
	p0 =	sne.s32 s2, $0x0  }
0x193: {  	s3 =	rddreg [dreg:$0x2];
	[bflag:$0x3] =	sbarrier.arrive $0xFFFF;
	s2 =	simm.s32 @!p0 $0x1C03  }
0x194: {  	[timem:s3], [sflag:s2] =	dma.local @!p0 [hbm:s0], s1  }
0x195: {  	s0 =	simm.s32 @!p0 $0x3  }
0x196: {  	_ =	swait.ge @!p0 [sflag:s0], s1  }
0x197: {  	s1 =	ssub.s32 @!p0 $0x0, s1;
	[sflag:s0] =	ssyncset.done @!p0 $0x0  }
0x198: {  	[sflag:s0] =	ssyncadd.s32 @!p0 s1  }
0x199: {  	[bflag:$0x3] =	sbarrier.arrive $0xFFFF  }
0x19a: {  	_ =	shalt  }

</sc_bundles>
